<compile_context>
chip_gen: v7x
topology: tpu7x:2x2x1
jax: 0.10.2.dev20260603
libtpu: 0.0.44.dev20260713+nightly
codegen_flags: <defaults>
</compile_context>

<pallas_src>
import jax
import jax.numpy as jnp
from jax import lax
from jax.experimental import pallas as pl
from jax.experimental.pallas import tpu as pltpu
from jax.experimental.pallas import tpu_sc as plsc

BS, N, D_MODEL = 16, 512, 128
E = 8192
HEADS = 2
D_K = 64
PH = 256

NC, NS, L = 2, 16, 16
NW = NC * NS
ROWS = 128
NBLK = N // ROWS
NASSIGN = BS * NBLK
BLKW = ROWS * N
GPB = 4


def _sc_count_kernel(edge_hbm, out_hbm, blk, src_v, dst_v):
    cid = lax.axis_index("c")
    sid = lax.axis_index("s")
    wid = sid * NC + cid

    ones = jnp.ones((L,), jnp.float32)
    zeros = jnp.zeros((L,), jnp.float32)

    for r in range(NASSIGN // NW):
        aid = wid + NW * r
        b = aid // NBLK
        lo = (aid % NBLK) * ROWS

        pltpu.sync_copy(edge_hbm.at[b, 0], src_v)
        pltpu.sync_copy(edge_hbm.at[b, 1], dst_v)

        def zero_body(r, _):
            for c in range(N // L):
                blk[r, pl.ds(c * L, L)] = zeros
            return 0
        lax.fori_loop(0, ROWS, zero_body, 0)

        def edge_body(i, _):
            s = src_v[pl.ds(i * L, L)]
            d = dst_v[pl.ds(i * L, L)]
            row = d - lo
            m = (row >= 0) & (row < ROWS)
            row = jnp.where(m, row, 0)
            plsc.addupdate_scatter(blk, [row, s], ones, mask=m)
            return 0
        lax.fori_loop(0, E // L, edge_body, 0, unroll=4)

        pltpu.sync_copy(blk, out_hbm.at[b, pl.ds(lo, ROWS)])


def _build_counts(edge_index):
    mesh = plsc.VectorSubcoreMesh(
        core_axis_name="c", subcore_axis_name="s", num_cores=NC, num_subcores=NS
    )
    return pl.kernel(
        _sc_count_kernel,
        out_type=jax.ShapeDtypeStruct((BS, N, N), jnp.float32),
        mesh=mesh,
        scratch_types=[
            pltpu.VMEM((ROWS, N), jnp.float32),
            pltpu.VMEM((E,), jnp.int32),
            pltpu.VMEM((E,), jnp.int32),
        ],
        compiler_params=pltpu.CompilerParams(needs_layout_passes=False),
    )(edge_index)


def _mm(a, b):
    return lax.dot_general(a, b, (((1,), (0,)), ((), ())),
                           preferred_element_type=jnp.float32)


def _mm_t(a, b):
    return lax.dot_general(a, b, (((1,), (1,)), ((), ())),
                           preferred_element_type=jnp.float32)


def _leaky(z):
    return jnp.maximum(z, 0.2 * z)


def _gat_head(xp_h, al_s_row, al_d_col, cnt):
    w = cnt * jnp.exp2(_leaky(al_d_col + al_s_row))
    ssum = jnp.sum(w, axis=1, keepdims=True)
    return _mm(w, xp_h) * (1.0 / (ssum + 1e-16))


def _mha_body(q_ref, k_ref, v_ref, wq_ref, wk_ref, wv_ref,
              o_ref, attn_ref):
    qh = _mm(q_ref[0], wq_ref[...])
    kh = _mm(k_ref[0], wk_ref[...])
    vh = _mm(v_ref[0], wv_ref[...])
    os = []
    for hd in range(HEADS):
        q_h = qh[:, hd * D_K:(hd + 1) * D_K]
        k_h = kh[:, hd * D_K:(hd + 1) * D_K]
        v_h = vh[:, hd * D_K:(hd + 1) * D_K]
        ex = jnp.exp2(_mm_t(q_h, k_h))
        r = 1.0 / jnp.sum(ex, axis=1, keepdims=True)
        attn_ref[0, hd] = ex * r
        os.append(_mm(ex, v_h) * r)
    o_ref[0] = jnp.concatenate(os, axis=1)


def _tc_body(c_ref, q_ref, o_ref,
             w1_ref, wl1_ref, wac1_ref, war1_ref, bs1_ref,
             w2_ref, wl2_ref, wac2_ref, war2_ref, bs2_ref,
             w3_ref, wl3_ref, wac3_ref, war3_ref, bs3_ref,
             wfc_ref, gamma_ref, beta_ref,
             out_ref):
    for g in range(GPB):
        _tc_one_graph(c_ref[g], q_ref[g], o_ref[g],
                      w1_ref, wl1_ref, wac1_ref, war1_ref, bs1_ref,
                      w2_ref, wl2_ref, wac2_ref, war2_ref, bs2_ref,
                      w3_ref, wl3_ref, wac3_ref, war3_ref, bs3_ref,
                      wfc_ref, gamma_ref, beta_ref, out_ref, g)


def _tc_one_graph(cnt, x, o,
                  w1_ref, wl1_ref, wac1_ref, war1_ref, bs1_ref,
                  w2_ref, wl2_ref, wac2_ref, war2_ref, bs2_ref,
                  w3_ref, wl3_ref, wac3_ref, war3_ref, bs3_ref,
                  wfc_ref, gamma_ref, beta_ref, out_ref, g):
    def gat_part(h, w_ref, wac_ref, war_ref, od, concat):
        xp = _mm(h, w_ref[...])
        al_d = _mm(h, wac_ref[...])
        al_s = _mm_t(war_ref[...], h)
        outs = []
        for hd in range(HEADS):
            xp_h = xp[:, hd * od:(hd + 1) * od]
            outs.append(_gat_head(xp_h, al_s[hd:hd + 1, :],
                                  al_d[:, hd:hd + 1], cnt))
        if concat:
            return jnp.concatenate(outs, axis=1)
        return (outs[0] + outs[1]) * 0.5

    def elu(z):
        return jnp.where(z > 0.0, z, jnp.exp(z) - 1.0)

    h1 = elu(gat_part(x, w1_ref, wac1_ref, war1_ref, PH, True)
             + _mm(x, wl1_ref[...]) + bs1_ref[...])
    h2 = elu(gat_part(h1, w2_ref, wac2_ref, war2_ref, PH, True)
             + _mm(h1, wl2_ref[...]) + bs2_ref[...])
    x3 = (gat_part(h2, w3_ref, wac3_ref, war3_ref, 2 * D_K, False)
          + _mm(h2, wl3_ref[...]) + bs3_ref[...])

    wfc = wfc_ref[...]
    out = (_mm(x3, wfc[:2 * D_K, :]) + _mm(o, wfc[2 * D_K:, :]) + x)
    mu = jnp.mean(out, axis=1, keepdims=True)
    cen = out - mu
    var = jnp.mean(cen * cen, axis=1, keepdims=True)
    out_ref[g] = cen * jax.lax.rsqrt(var + 1e-6) * gamma_ref[...] + beta_ref[...]


def _fold_attn_vecs(W, a_s, a_d, od):
    Wr = W.reshape(W.shape[0], HEADS, od)
    wac = jnp.einsum('iho,ho->ih', Wr, a_d)
    war = jnp.einsum('iho,ho->hi', Wr, a_s)
    return wac, war


def _tc_forward(C, q, k, v, Wq, Wk, Wv, Wfc,
                W1, as1, ad1, b1, Wl1, bl1,
                W2, as2, ad2, b2, Wl2, bl2,
                W3, as3, ad3, b3, Wl3, bl3,
                gamma, beta, interpret=False):
    LOG2E = 1.4426950408889634
    wac1, war1 = _fold_attn_vecs(W1, as1 * LOG2E, ad1 * LOG2E, PH)
    bs1 = (b1 + bl1).reshape(1, -1)
    wac2, war2 = _fold_attn_vecs(W2, as2 * LOG2E, ad2 * LOG2E, PH)
    bs2 = (b2 + bl2).reshape(1, -1)
    wac3, war3 = _fold_attn_vecs(W3, as3 * LOG2E, ad3 * LOG2E, 2 * D_K)
    bs3 = (b3 + bl3).reshape(1, -1)
    wq = Wq * (LOG2E / (D_K ** 0.5))

    full = lambda shape: pl.BlockSpec(shape, lambda b: (0,) * len(shape))
    blk = lambda *shape: pl.BlockSpec(shape, lambda b: (b,) + (0,) * (len(shape) - 1))

    o, attn = pl.pallas_call(
        _mha_body,
        grid_spec=pl.GridSpec(
            grid=(BS,),
            in_specs=[
                blk(1, N, D_MODEL), blk(1, N, D_MODEL), blk(1, N, D_MODEL),
                full(Wq.shape), full(Wk.shape), full(Wv.shape),
            ],
            out_specs=[
                blk(1, N, HEADS * D_K),
                blk(1, HEADS, N, N),
            ],
        ),
        out_shape=[
            jax.ShapeDtypeStruct((BS, N, HEADS * D_K), jnp.float32),
            jax.ShapeDtypeStruct((BS, HEADS, N, N), jnp.float32),
        ],
        interpret=interpret,
    )(q, k, v, wq, Wk, Wv)

    out = pl.pallas_call(
        _tc_body,
        grid_spec=pl.GridSpec(
            grid=(BS // GPB,),
            in_specs=[
                blk(GPB, N, N), blk(GPB, N, D_MODEL),
                blk(GPB, N, HEADS * D_K),
                full(W1.shape), full(Wl1.shape), full(wac1.shape),
                full(war1.shape), full(bs1.shape),
                full(W2.shape), full(Wl2.shape), full(wac2.shape),
                full(war2.shape), full(bs2.shape),
                full(W3.shape), full(Wl3.shape), full(wac3.shape),
                full(war3.shape), full(bs3.shape),
                full(Wfc.shape), full((1, D_MODEL)), full((1, D_MODEL)),
            ],
            out_specs=blk(GPB, N, D_MODEL),
        ),
        out_shape=jax.ShapeDtypeStruct((BS, N, D_MODEL), jnp.float32),
        interpret=interpret,
    )(C, q, o,
      W1, Wl1, wac1, war1, bs1,
      W2, Wl2, wac2, war2, bs2,
      W3, Wl3, wac3, war3, bs3,
      Wfc, gamma.reshape(1, -1), beta.reshape(1, -1))
    return out, attn


def kernel(q, k, v, edge_index, Wq, Wk, Wv, Wfc, W1, as1, ad1, b1, Wl1, bl1,
           W2, as2, ad2, b2, Wl2, bl2, W3, as3, ad3, b3, Wl3, bl3,
           gamma, beta):
    C = _build_counts(edge_index)
    out, attn = _tc_forward(C, q, k, v, Wq, Wk, Wv, Wfc,
                            W1, as1, ad1, b1, Wl1, bl1,
                            W2, as2, ad2, b2, Wl2, bl2,
                            W3, as3, ad3, b3, Wl3, bl3,
                            gamma, beta)
    return (out, attn)

# --- scband reference (transcript-rebuilt; emitter-appended) ---
"""Pipeline reference for scband-multi-head-attention-17798344474903 (READ-ONLY COPY).

The authoritative reference and input builder live on the scoring server;
editing this copy changes nothing except your own understanding.
"""

import jax, jax.numpy as jnp
import numpy as np

BS, N, D_MODEL = 16, 512, 128
E = 8192
HEADS = 2
D_K = 64
PH = 256

def _glorot(key, shape):
    lim = (6.0 / (shape[0] + shape[-1])) ** 0.5
    return jax.random.uniform(key, shape, jnp.float32, -lim, lim)

def setup_inputs(seed: int = 0):
    key = jax.random.key(seed)
    ks = jax.random.split(key, 32)
    inp = {}
    inp['q'] = jax.random.normal(ks[0], (BS, N, D_MODEL), jnp.float32)
    inp['k'] = jax.random.normal(ks[1], (BS, N, D_MODEL), jnp.float32)
    inp['v'] = jax.random.normal(ks[2], (BS, N, D_MODEL), jnp.float32)
    inp['edge_index'] = jax.random.randint(ks[3], (BS, 2, E), 0, N, jnp.int32)
    inp['Wq'] = _glorot(ks[4], (D_MODEL, HEADS * D_K))
    inp['Wk'] = _glorot(ks[5], (D_MODEL, HEADS * D_K))
    inp['Wv'] = _glorot(ks[6], (D_MODEL, HEADS * D_K))
    inp['Wfc'] = _glorot(ks[7], (4 * D_K, D_MODEL))
    inp['W1'] = _glorot(ks[8], (D_MODEL, 2 * PH))
    inp['as1'] = _glorot(ks[9], (2, PH))
    inp['ad1'] = _glorot(ks[10], (2, PH))
    inp['b1'] = jnp.zeros((2 * PH,), jnp.float32)
    inp['Wl1'] = _glorot(ks[11], (D_MODEL, 2 * PH))
    inp['bl1'] = jnp.zeros((2 * PH,), jnp.float32)
    inp['W2'] = _glorot(ks[12], (2 * PH, 2 * PH))
    inp['as2'] = _glorot(ks[13], (2, PH))
    inp['ad2'] = _glorot(ks[14], (2, PH))
    inp['b2'] = jnp.zeros((2 * PH,), jnp.float32)
    inp['Wl2'] = _glorot(ks[15], (2 * PH, 2 * PH))
    inp['bl2'] = jnp.zeros((2 * PH,), jnp.float32)
    inp['W3'] = _glorot(ks[16], (2 * PH, 2 * 2 * D_K))
    inp['as3'] = _glorot(ks[17], (2, 2 * D_K))
    inp['ad3'] = _glorot(ks[18], (2, 2 * D_K))
    inp['b3'] = jnp.zeros((2 * D_K,), jnp.float32)
    inp['Wl3'] = _glorot(ks[19], (2 * PH, 2 * D_K))
    inp['bl3'] = jnp.zeros((2 * D_K,), jnp.float32)
    inp['gamma'] = jnp.ones((D_MODEL,), jnp.float32)
    inp['beta'] = jnp.zeros((D_MODEL,), jnp.float32)
    return inp

def _gat(x, src, dst, W, a_s, a_d, b, heads, out_dim, concat):
    Nn = x.shape[0]
    xp = (x @ W).reshape(Nn, heads, out_dim)
    al_s = (xp * a_s[None]).sum(-1)
    al_d = (xp * a_d[None]).sum(-1)
    e = al_s[src] + al_d[dst]
    e = jnp.where(e > 0, e, 0.2 * e)
    m = jax.ops.segment_max(e, dst, num_segments=Nn)
    m = jnp.where(jnp.isfinite(m), m, 0.0)
    ex = jnp.exp(e - m[dst])
    s = jax.ops.segment_sum(ex, dst, num_segments=Nn)
    alpha = ex / (s[dst] + 1e-16)
    msg = xp[src] * alpha[:, :, None]
    out = jax.ops.segment_sum(msg, dst, num_segments=Nn)
    if concat:
        out = out.reshape(Nn, heads * out_dim)
    else:
        out = out.mean(axis=1)
    return out + b

def reference(q, k, v, edge_index, Wq, Wk, Wv, Wfc, W1, as1, ad1, b1, Wl1, bl1, W2, as2, ad2, b2, Wl2, bl2, W3, as3, ad3, b3, Wl3, bl3, gamma, beta):
    bs, n, d = q.shape
    off = (jnp.arange(bs, dtype=edge_index.dtype) * n)[:, None]
    src = (edge_index[:, 0, :] + off).reshape(-1)
    dst = (edge_index[:, 1, :] + off).reshape(-1)
    xf = q.reshape(bs * n, d)
    h = jax.nn.elu(_gat(xf, src, dst, W1, as1, ad1, b1, 2, PH, True) + xf @ Wl1 + bl1)
    h = jax.nn.elu(_gat(h, src, dst, W2, as2, ad2, b2, 2, PH, True) + h @ Wl2 + bl2)
    h = _gat(h, src, dst, W3, as3, ad3, b3, 2, 2 * D_K, False) + h @ Wl3 + bl3
    x = h.reshape(bs, n, 2 * D_K)
    qh = (q @ Wq).reshape(bs, n, HEADS, D_K).transpose(0, 2, 1, 3)
    kh = (k @ Wk).reshape(bs, n, HEADS, D_K).transpose(0, 2, 1, 3)
    vh = (v @ Wv).reshape(bs, n, HEADS, D_K).transpose(0, 2, 1, 3)
    attn = jnp.matmul(qh / (D_K ** 0.5), kh.transpose(0, 1, 3, 2))
    attn = jax.nn.softmax(attn, axis=-1)
    o = jnp.matmul(attn, vh)
    o = o.transpose(0, 2, 1, 3).reshape(bs, n, HEADS * D_K)
    cat = jnp.concatenate([x, o], axis=-1)
    out = jnp.matmul(cat, Wfc) + q
    mu = out.mean(-1, keepdims=True)
    var = ((out - mu) ** 2).mean(-1, keepdims=True)
    out = (out - mu) / jnp.sqrt(var + 1e-06) * gamma + beta
    return (out, attn)

if __name__ == "__main__":
    import jax
    _d = setup_inputs()
    print(jax.jit(kernel)(*tuple(_d.values())))

</pallas_src>

<mosaic_0001>
#map = affine_map<(d0, d1) -> (0, 0, 0)>
module attributes {stable_mosaic.version = 14 : i64} {
  func.func @_sc_count_kernel(%arg0: i32, %arg1: i32, %arg2: memref<16x2x8192xi32, #tpu.memory_space<hbm>>, %arg3: memref<16x512x512xf32, #tpu.memory_space<hbm>>, %arg4: memref<128x512xf32, #tpu.memory_space<vmem>>, %arg5: memref<8192xi32, #tpu.memory_space<vmem>>, %arg6: memref<8192xi32, #tpu.memory_space<vmem>>) attributes {dimension_semantics = [#tpu.dimension_semantics<core_parallel>, #tpu.dimension_semantics<subcore_parallel>], iteration_bounds = array<i64: 2, 16>, scalar_prefetch = 0 : i64, scratch_operands = 3 : i64, tpu.core_type = #tpu.core_type<sc_vector_subcore>, window_params = [{transform_indices = #map}, {transform_indices = #map}]} {
    %mul3A = arith.constant 2 : i32
    %mul3A_0 = arith.muli %arg1, %mul3A : i32
    %add3A = arith.addi %mul3A_0, %arg0 : i32
    %broadcast_in_dim3A = arith.constant 1.000000e+00 : f32
    %broadcast_in_dim3A_1 = vector.broadcast %broadcast_in_dim3A : f32 to vector<16xf32>
    %broadcast_in_dim3A_2 = arith.constant 0.000000e+00 : f32
    %broadcast_in_dim3A_3 = vector.broadcast %broadcast_in_dim3A_2 : f32 to vector<16xf32>
    %add3A_4 = arith.constant 0 : i32
    %add3A_5 = arith.addi %add3A, %add3A_4 : i32
    %jit3A = arith.constant 4 : i32
    %div3A = arith.divsi %add3A_5, %jit3A : i32
    %sign3A = arith.constant 0 : i32
    %sign3A_6 = arith.cmpi sgt, %add3A_5, %sign3A : i32
    %sign3A_7 = arith.extui %sign3A_6 : i1 to i32
    %sign3A_8 = arith.constant 0 : i32
    %sign3A_9 = arith.cmpi slt, %add3A_5, %sign3A_8 : i32
    %sign3A_10 = arith.extui %sign3A_9 : i1 to i32
    %sign3A_11 = arith.subi %sign3A_7, %sign3A_10 : i32
    %sign3A_12 = arith.constant 0 : i32
    %sign3A_13 = arith.cmpi sgt, %jit3A, %sign3A_12 : i32
    %sign3A_14 = arith.extui %sign3A_13 : i1 to i32
    %sign3A_15 = arith.constant 0 : i32
    %sign3A_16 = arith.cmpi slt, %jit3A, %sign3A_15 : i32
    %sign3A_17 = arith.extui %sign3A_16 : i1 to i32
    %sign3A_18 = arith.subi %sign3A_14, %sign3A_17 : i32
    %ne3A = arith.cmpi ne, %sign3A_11, %sign3A_18 : i32
    %rem3A = arith.remsi %add3A_5, %jit3A : i32
    %ne3A_19 = arith.constant 0 : i32
    %ne3A_20 = arith.cmpi ne, %rem3A, %ne3A_19 : i32
    %and3A = arith.andi %ne3A, %ne3A_20 : i1
    %sub3A = arith.constant 1 : i32
    %sub3A_21 = arith.subi %div3A, %sub3A : i32
    %select_n3A = arith.select %and3A, %sub3A_21, %div3A : i32
    %jit3A_22 = arith.constant 4 : i32
    %eq3A = arith.constant 0 : i32
    %eq3A_23 = arith.cmpi eq, %jit3A_22, %eq3A : i32
    %jit3A_24 = arith.constant 1 : i32
    %select_n3A_25 = arith.select %eq3A_23, %jit3A_24, %jit3A_22 : i32
    %rem3A_26 = arith.remsi %add3A_5, %select_n3A_25 : i32
    %ne3A_27 = arith.constant 0 : i32
    %ne3A_28 = arith.cmpi ne, %rem3A_26, %ne3A_27 : i32
    %lt3A = arith.constant 0 : i32
    %lt3A_29 = arith.cmpi slt, %rem3A_26, %lt3A : i32
    %lt3A_30 = arith.constant 0 : i32
    %lt3A_31 = arith.cmpi slt, %select_n3A_25, %lt3A_30 : i32
    %ne3A_32 = arith.xori %lt3A_29, %lt3A_31 : i1
    %and3A_33 = arith.andi %ne3A_32, %ne3A_28 : i1
    %add3A_34 = arith.addi %rem3A_26, %select_n3A_25 : i32
    %select_n3A_35 = arith.select %and3A_33, %add3A_34, %rem3A_26 : i32
    %mul3A_36 = arith.constant 128 : i32
    %mul3A_37 = arith.muli %select_n3A_35, %mul3A_36 : i32
    %run_scoped3A = arith.constant 0 : i32
    "tpu.region"() ({
      %run_scoped3A_112 = tpu.sem_alloc : memref<!tpu.dma_semaphore, #tpu.memory_space<semaphore_mem>>
      %dma_start3A = arith.constant 0 : i32
      %dma_start3A_113 = tpu.memref_slice %arg2[%select_n3A, %run_scoped3A, %dma_start3A] : memref<16x2x8192xi32, #tpu.memory_space<hbm>> -> memref<1x1x8192xi32, #tpu.memory_space<hbm>>
      %dma_start3A_114 = tpu.memref_squeeze %dma_start3A_113 : memref<1x1x8192xi32, #tpu.memory_space<hbm>> -> memref<8192xi32, #tpu.memory_space<hbm>>
      %dma_start3A_115 = arith.constant 0 : i32
      %dma_start3A_116 = tpu.memref_slice %arg2[%select_n3A, %run_scoped3A, %dma_start3A_115] : memref<16x2x8192xi32, #tpu.memory_space<hbm>> -> memref<1x1x8192xi32, #tpu.memory_space<hbm>>
      %dma_start3A_117 = tpu.memref_squeeze %dma_start3A_116 : memref<1x1x8192xi32, #tpu.memory_space<hbm>> -> memref<8192xi32, #tpu.memory_space<hbm>>
      tpu.enqueue_dma source(%dma_start3A_117 : memref<8192xi32, #tpu.memory_space<hbm>>) target(%arg5 : memref<8192xi32, #tpu.memory_space<vmem>>) target_semaphore(%run_scoped3A_112 : memref<!tpu.dma_semaphore, #tpu.memory_space<semaphore_mem>>)
      %dma_wait3A = arith.constant 0 : i32
      %dma_wait3A_118 = tpu.memref_slice %arg2[%select_n3A, %run_scoped3A, %dma_wait3A] : memref<16x2x8192xi32, #tpu.memory_space<hbm>> -> memref<1x1x8192xi32, #tpu.memory_space<hbm>>
      %dma_wait3A_119 = tpu.memref_squeeze %dma_wait3A_118 : memref<1x1x8192xi32, #tpu.memory_space<hbm>> -> memref<8192xi32, #tpu.memory_space<hbm>>
      %dma_wait3A_120 = arith.constant 0 : i32
      %dma_wait3A_121 = tpu.memref_slice %arg2[%select_n3A, %run_scoped3A, %dma_wait3A_120] : memref<16x2x8192xi32, #tpu.memory_space<hbm>> -> memref<1x1x8192xi32, #tpu.memory_space<hbm>>
      %dma_wait3A_122 = tpu.memref_squeeze %dma_wait3A_121 : memref<1x1x8192xi32, #tpu.memory_space<hbm>> -> memref<8192xi32, #tpu.memory_space<hbm>>
      tpu.wait_dma2 semaphore(%run_scoped3A_112 : memref<!tpu.dma_semaphore, #tpu.memory_space<semaphore_mem>>) src(%dma_wait3A_122 : memref<8192xi32, #tpu.memory_space<hbm>>) dst(%arg5 : memref<8192xi32, #tpu.memory_space<vmem>>)
      tpu.yield
    }) : () -> ()
    %run_scoped3A_38 = arith.constant 1 : i32
    "tpu.region"() ({
      %run_scoped3A_112 = tpu.sem_alloc : memref<!tpu.dma_semaphore, #tpu.memory_space<semaphore_mem>>
      %dma_start3A = arith.constant 0 : i32
      %dma_start3A_113 = tpu.memref_slice %arg2[%select_n3A, %run_scoped3A_38, %dma_start3A] : memref<16x2x8192xi32, #tpu.memory_space<hbm>> -> memref<1x1x8192xi32, #tpu.memory_space<hbm>>
      %dma_start3A_114 = tpu.memref_squeeze %dma_start3A_113 : memref<1x1x8192xi32, #tpu.memory_space<hbm>> -> memref<8192xi32, #tpu.memory_space<hbm>>
      %dma_start3A_115 = arith.constant 0 : i32
      %dma_start3A_116 = tpu.memref_slice %arg2[%select_n3A, %run_scoped3A_38, %dma_start3A_115] : memref<16x2x8192xi32, #tpu.memory_space<hbm>> -> memref<1x1x8192xi32, #tpu.memory_space<hbm>>
      %dma_start3A_117 = tpu.memref_squeeze %dma_start3A_116 : memref<1x1x8192xi32, #tpu.memory_space<hbm>> -> memref<8192xi32, #tpu.memory_space<hbm>>
      tpu.enqueue_dma source(%dma_start3A_117 : memref<8192xi32, #tpu.memory_space<hbm>>) target(%arg6 : memref<8192xi32, #tpu.memory_space<vmem>>) target_semaphore(%run_scoped3A_112 : memref<!tpu.dma_semaphore, #tpu.memory_space<semaphore_mem>>)
      %dma_wait3A = arith.constant 0 : i32
      %dma_wait3A_118 = tpu.memref_slice %arg2[%select_n3A, %run_scoped3A_38, %dma_wait3A] : memref<16x2x8192xi32, #tpu.memory_space<hbm>> -> memref<1x1x8192xi32, #tpu.memory_space<hbm>>
      %dma_wait3A_119 = tpu.memref_squeeze %dma_wait3A_118 : memref<1x1x8192xi32, #tpu.memory_space<hbm>> -> memref<8192xi32, #tpu.memory_space<hbm>>
      %dma_wait3A_120 = arith.constant 0 : i32
      %dma_wait3A_121 = tpu.memref_slice %arg2[%select_n3A, %run_scoped3A_38, %dma_wait3A_120] : memref<16x2x8192xi32, #tpu.memory_space<hbm>> -> memref<1x1x8192xi32, #tpu.memory_space<hbm>>
      %dma_wait3A_122 = tpu.memref_squeeze %dma_wait3A_121 : memref<1x1x8192xi32, #tpu.memory_space<hbm>> -> memref<8192xi32, #tpu.memory_space<hbm>>
      tpu.wait_dma2 semaphore(%run_scoped3A_112 : memref<!tpu.dma_semaphore, #tpu.memory_space<semaphore_mem>>) src(%dma_wait3A_122 : memref<8192xi32, #tpu.memory_space<hbm>>) dst(%arg6 : memref<8192xi32, #tpu.memory_space<vmem>>)
      tpu.yield
    }) : () -> ()
    %scan3A = arith.constant 0 : i32
    %scan3A_39 = arith.constant 0 : i32
    %scan3A_40 = arith.constant 128 : i32
    %scan3A_41 = arith.addi %scan3A_39, %scan3A_40 : i32
    %scan3A_42 = arith.constant 1 : i32
    %scan3A_43 = scf.for %scan3A_112 = %scan3A_39 to %scan3A_41 step %scan3A_42 iter_args(%scan3A_113 = %scan3A) -> (i32)  : i32 {
      %swap3A = arith.index_cast %scan3A_112 : i32 to index
      %swap3A_114 = arith.constant 0 : index
      %swap3A_115 = tpu.vector_load %arg4[%swap3A, %swap3A_114] {strides = array<i32>} : memref<128x512xf32, #tpu.memory_space<vmem>>, vector<16xf32>,
      tpu.vector_store %arg4[%swap3A, %swap3A_114], %broadcast_in_dim3A_3 {strides = array<i32>} : memref<128x512xf32, #tpu.memory_space<vmem>>, vector<16xf32>,
      %swap3A_116 = arith.index_cast %scan3A_112 : i32 to index
      %swap3A_117 = arith.constant 16 : index
      %swap3A_118 = tpu.vector_load %arg4[%swap3A_116, %swap3A_117] {strides = array<i32>} : memref<128x512xf32, #tpu.memory_space<vmem>>, vector<16xf32>,
      tpu.vector_store %arg4[%swap3A_116, %swap3A_117], %broadcast_in_dim3A_3 {strides = array<i32>} : memref<128x512xf32, #tpu.memory_space<vmem>>, vector<16xf32>,
      %swap3A_119 = arith.index_cast %scan3A_112 : i32 to index
      %swap3A_120 = arith.constant 32 : index
      %swap3A_121 = tpu.vector_load %arg4[%swap3A_119, %swap3A_120] {strides = array<i32>} : memref<128x512xf32, #tpu.memory_space<vmem>>, vector<16xf32>,
      tpu.vector_store %arg4[%swap3A_119, %swap3A_120], %broadcast_in_dim3A_3 {strides = array<i32>} : memref<128x512xf32, #tpu.memory_space<vmem>>, vector<16xf32>,
      %swap3A_122 = arith.index_cast %scan3A_112 : i32 to index
      %swap3A_123 = arith.constant 48 : index
      %swap3A_124 = tpu.vector_load %arg4[%swap3A_122, %swap3A_123] {strides = array<i32>} : memref<128x512xf32, #tpu.memory_space<vmem>>, vector<16xf32>,
      tpu.vector_store %arg4[%swap3A_122, %swap3A_123], %broadcast_in_dim3A_3 {strides = array<i32>} : memref<128x512xf32, #tpu.memory_space<vmem>>, vector<16xf32>,
      %swap3A_125 = arith.index_cast %scan3A_112 : i32 to index
      %swap3A_126 = arith.constant 64 : index
      %swap3A_127 = tpu.vector_load %arg4[%swap3A_125, %swap3A_126] {strides = array<i32>} : memref<128x512xf32, #tpu.memory_space<vmem>>, vector<16xf32>,
      tpu.vector_store %arg4[%swap3A_125, %swap3A_126], %broadcast_in_dim3A_3 {strides = array<i32>} : memref<128x512xf32, #tpu.memory_space<vmem>>, vector<16xf32>,
      %swap3A_128 = arith.index_cast %scan3A_112 : i32 to index
      %swap3A_129 = arith.constant 80 : index
      %swap3A_130 = tpu.vector_load %arg4[%swap3A_128, %swap3A_129] {strides = array<i32>} : memref<128x512xf32, #tpu.memory_space<vmem>>, vector<16xf32>,
      tpu.vector_store %arg4[%swap3A_128, %swap3A_129], %broadcast_in_dim3A_3 {strides = array<i32>} : memref<128x512xf32, #tpu.memory_space<vmem>>, vector<16xf32>,
      %swap3A_131 = arith.index_cast %scan3A_112 : i32 to index
      %swap3A_132 = arith.constant 96 : index
      %swap3A_133 = tpu.vector_load %arg4[%swap3A_131, %swap3A_132] {strides = array<i32>} : memref<128x512xf32, #tpu.memory_space<vmem>>, vector<16xf32>,
      tpu.vector_store %arg4[%swap3A_131, %swap3A_132], %broadcast_in_dim3A_3 {strides = array<i32>} : memref<128x512xf32, #tpu.memory_space<vmem>>, vector<16xf32>,
      %swap3A_134 = arith.index_cast %scan3A_112 : i32 to index
      %swap3A_135 = arith.constant 112 : index
      %swap3A_136 = tpu.vector_load %arg4[%swap3A_134, %swap3A_135] {strides = array<i32>} : memref<128x512xf32, #tpu.memory_space<vmem>>, vector<16xf32>,
      tpu.vector_store %arg4[%swap3A_134, %swap3A_135], %broadcast_in_dim3A_3 {strides = array<i32>} : memref<128x512xf32, #tpu.memory_space<vmem>>, vector<16xf32>,
      %swap3A_137 = arith.index_cast %scan3A_112 : i32 to index
      %swap3A_138 = arith.constant 128 : index
      %swap3A_139 = tpu.vector_load %arg4[%swap3A_137, %swap3A_138] {strides = array<i32>} : memref<128x512xf32, #tpu.memory_space<vmem>>, vector<16xf32>,
      tpu.vector_store %arg4[%swap3A_137, %swap3A_138], %broadcast_in_dim3A_3 {strides = array<i32>} : memref<128x512xf32, #tpu.memory_space<vmem>>, vector<16xf32>,
      %swap3A_140 = arith.index_cast %scan3A_112 : i32 to index
      %swap3A_141 = arith.constant 144 : index
      %swap3A_142 = tpu.vector_load %arg4[%swap3A_140, %swap3A_141] {strides = array<i32>} : memref<128x512xf32, #tpu.memory_space<vmem>>, vector<16xf32>,
      tpu.vector_store %arg4[%swap3A_140, %swap3A_141], %broadcast_in_dim3A_3 {strides = array<i32>} : memref<128x512xf32, #tpu.memory_space<vmem>>, vector<16xf32>,
      %swap3A_143 = arith.index_cast %scan3A_112 : i32 to index
      %swap3A_144 = arith.constant 160 : index
      %swap3A_145 = tpu.vector_load %arg4[%swap3A_143, %swap3A_144] {strides = array<i32>} : memref<128x512xf32, #tpu.memory_space<vmem>>, vector<16xf32>,
      tpu.vector_store %arg4[%swap3A_143, %swap3A_144], %broadcast_in_dim3A_3 {strides = array<i32>} : memref<128x512xf32, #tpu.memory_space<vmem>>, vector<16xf32>,
      %swap3A_146 = arith.index_cast %scan3A_112 : i32 to index
      %swap3A_147 = arith.constant 176 : index
      %swap3A_148 = tpu.vector_load %arg4[%swap3A_146, %swap3A_147] {strides = array<i32>} : memref<128x512xf32, #tpu.memory_space<vmem>>, vector<16xf32>,
      tpu.vector_store %arg4[%swap3A_146, %swap3A_147], %broadcast_in_dim3A_3 {strides = array<i32>} : memref<128x512xf32, #tpu.memory_space<vmem>>, vector<16xf32>,
      %swap3A_149 = arith.index_cast %scan3A_112 : i32 to index
      %swap3A_150 = arith.constant 192 : index
      %swap3A_151 = tpu.vector_load %arg4[%swap3A_149, %swap3A_150] {strides = array<i32>} : memref<128x512xf32, #tpu.memory_space<vmem>>, vector<16xf32>,
      tpu.vector_store %arg4[%swap3A_149, %swap3A_150], %broadcast_in_dim3A_3 {strides = array<i32>} : memref<128x512xf32, #tpu.memory_space<vmem>>, vector<16xf32>,
      %swap3A_152 = arith.index_cast %scan3A_112 : i32 to index
      %swap3A_153 = arith.constant 208 : index
      %swap3A_154 = tpu.vector_load %arg4[%swap3A_152, %swap3A_153] {strides = array<i32>} : memref<128x512xf32, #tpu.memory_space<vmem>>, vector<16xf32>,
      tpu.vector_store %arg4[%swap3A_152, %swap3A_153], %broadcast_in_dim3A_3 {strides = array<i32>} : memref<128x512xf32, #tpu.memory_space<vmem>>, vector<16xf32>,
      %swap3A_155 = arith.index_cast %scan3A_112 : i32 to index
      %swap3A_156 = arith.constant 224 : index
      %swap3A_157 = tpu.vector_load %arg4[%swap3A_155, %swap3A_156] {strides = array<i32>} : memref<128x512xf32, #tpu.memory_space<vmem>>, vector<16xf32>,
      tpu.vector_store %arg4[%swap3A_155, %swap3A_156], %broadcast_in_dim3A_3 {strides = array<i32>} : memref<128x512xf32, #tpu.memory_space<vmem>>, vector<16xf32>,
      %swap3A_158 = arith.index_cast %scan3A_112 : i32 to index
      %swap3A_159 = arith.constant 240 : index
      %swap3A_160 = tpu.vector_load %arg4[%swap3A_158, %swap3A_159] {strides = array<i32>} : memref<128x512xf32, #tpu.memory_space<vmem>>, vector<16xf32>,
      tpu.vector_store %arg4[%swap3A_158, %swap3A_159], %broadcast_in_dim3A_3 {strides = array<i32>} : memref<128x512xf32, #tpu.memory_space<vmem>>, vector<16xf32>,
      %swap3A_161 = arith.index_cast %scan3A_112 : i32 to index
      %swap3A_162 = arith.constant 256 : index
      %swap3A_163 = tpu.vector_load %arg4[%swap3A_161, %swap3A_162] {strides = array<i32>} : memref<128x512xf32, #tpu.memory_space<vmem>>, vector<16xf32>,
      tpu.vector_store %arg4[%swap3A_161, %swap3A_162], %broadcast_in_dim3A_3 {strides = array<i32>} : memref<128x512xf32, #tpu.memory_space<vmem>>, vector<16xf32>,
      %swap3A_164 = arith.index_cast %scan3A_112 : i32 to index
      %swap3A_165 = arith.constant 272 : index
      %swap3A_166 = tpu.vector_load %arg4[%swap3A_164, %swap3A_165] {strides = array<i32>} : memref<128x512xf32, #tpu.memory_space<vmem>>, vector<16xf32>,
      tpu.vector_store %arg4[%swap3A_164, %swap3A_165], %broadcast_in_dim3A_3 {strides = array<i32>} : memref<128x512xf32, #tpu.memory_space<vmem>>, vector<16xf32>,
      %swap3A_167 = arith.index_cast %scan3A_112 : i32 to index
      %swap3A_168 = arith.constant 288 : index
      %swap3A_169 = tpu.vector_load %arg4[%swap3A_167, %swap3A_168] {strides = array<i32>} : memref<128x512xf32, #tpu.memory_space<vmem>>, vector<16xf32>,
      tpu.vector_store %arg4[%swap3A_167, %swap3A_168], %broadcast_in_dim3A_3 {strides = array<i32>} : memref<128x512xf32, #tpu.memory_space<vmem>>, vector<16xf32>,
      %swap3A_170 = arith.index_cast %scan3A_112 : i32 to index
      %swap3A_171 = arith.constant 304 : index
      %swap3A_172 = tpu.vector_load %arg4[%swap3A_170, %swap3A_171] {strides = array<i32>} : memref<128x512xf32, #tpu.memory_space<vmem>>, vector<16xf32>,
      tpu.vector_store %arg4[%swap3A_170, %swap3A_171], %broadcast_in_dim3A_3 {strides = array<i32>} : memref<128x512xf32, #tpu.memory_space<vmem>>, vector<16xf32>,
      %swap3A_173 = arith.index_cast %scan3A_112 : i32 to index
      %swap3A_174 = arith.constant 320 : index
      %swap3A_175 = tpu.vector_load %arg4[%swap3A_173, %swap3A_174] {strides = array<i32>} : memref<128x512xf32, #tpu.memory_space<vmem>>, vector<16xf32>,
      tpu.vector_store %arg4[%swap3A_173, %swap3A_174], %broadcast_in_dim3A_3 {strides = array<i32>} : memref<128x512xf32, #tpu.memory_space<vmem>>, vector<16xf32>,
      %swap3A_176 = arith.index_cast %scan3A_112 : i32 to index
      %swap3A_177 = arith.constant 336 : index
      %swap3A_178 = tpu.vector_load %arg4[%swap3A_176, %swap3A_177] {strides = array<i32>} : memref<128x512xf32, #tpu.memory_space<vmem>>, vector<16xf32>,
      tpu.vector_store %arg4[%swap3A_176, %swap3A_177], %broadcast_in_dim3A_3 {strides = array<i32>} : memref<128x512xf32, #tpu.memory_space<vmem>>, vector<16xf32>,
      %swap3A_179 = arith.index_cast %scan3A_112 : i32 to index
      %swap3A_180 = arith.constant 352 : index
      %swap3A_181 = tpu.vector_load %arg4[%swap3A_179, %swap3A_180] {strides = array<i32>} : memref<128x512xf32, #tpu.memory_space<vmem>>, vector<16xf32>,
      tpu.vector_store %arg4[%swap3A_179, %swap3A_180], %broadcast_in_dim3A_3 {strides = array<i32>} : memref<128x512xf32, #tpu.memory_space<vmem>>, vector<16xf32>,
      %swap3A_182 = arith.index_cast %scan3A_112 : i32 to index
      %swap3A_183 = arith.constant 368 : index
      %swap3A_184 = tpu.vector_load %arg4[%swap3A_182, %swap3A_183] {strides = array<i32>} : memref<128x512xf32, #tpu.memory_space<vmem>>, vector<16xf32>,
      tpu.vector_store %arg4[%swap3A_182, %swap3A_183], %broadcast_in_dim3A_3 {strides = array<i32>} : memref<128x512xf32, #tpu.memory_space<vmem>>, vector<16xf32>,
      %swap3A_185 = arith.index_cast %scan3A_112 : i32 to index
      %swap3A_186 = arith.constant 384 : index
      %swap3A_187 = tpu.vector_load %arg4[%swap3A_185, %swap3A_186] {strides = array<i32>} : memref<128x512xf32, #tpu.memory_space<vmem>>, vector<16xf32>,
      tpu.vector_store %arg4[%swap3A_185, %swap3A_186], %broadcast_in_dim3A_3 {strides = array<i32>} : memref<128x512xf32, #tpu.memory_space<vmem>>, vector<16xf32>,
      %swap3A_188 = arith.index_cast %scan3A_112 : i32 to index
      %swap3A_189 = arith.constant 400 : index
      %swap3A_190 = tpu.vector_load %arg4[%swap3A_188, %swap3A_189] {strides = array<i32>} : memref<128x512xf32, #tpu.memory_space<vmem>>, vector<16xf32>,
      tpu.vector_store %arg4[%swap3A_188, %swap3A_189], %broadcast_in_dim3A_3 {strides = array<i32>} : memref<128x512xf32, #tpu.memory_space<vmem>>, vector<16xf32>,
      %swap3A_191 = arith.index_cast %scan3A_112 : i32 to index
      %swap3A_192 = arith.constant 416 : index
      %swap3A_193 = tpu.vector_load %arg4[%swap3A_191, %swap3A_192] {strides = array<i32>} : memref<128x512xf32, #tpu.memory_space<vmem>>, vector<16xf32>,
      tpu.vector_store %arg4[%swap3A_191, %swap3A_192], %broadcast_in_dim3A_3 {strides = array<i32>} : memref<128x512xf32, #tpu.memory_space<vmem>>, vector<16xf32>,
      %swap3A_194 = arith.index_cast %scan3A_112 : i32 to index
      %swap3A_195 = arith.constant 432 : index
      %swap3A_196 = tpu.vector_load %arg4[%swap3A_194, %swap3A_195] {strides = array<i32>} : memref<128x512xf32, #tpu.memory_space<vmem>>, vector<16xf32>,
      tpu.vector_store %arg4[%swap3A_194, %swap3A_195], %broadcast_in_dim3A_3 {strides = array<i32>} : memref<128x512xf32, #tpu.memory_space<vmem>>, vector<16xf32>,
      %swap3A_197 = arith.index_cast %scan3A_112 : i32 to index
      %swap3A_198 = arith.constant 448 : index
      %swap3A_199 = tpu.vector_load %arg4[%swap3A_197, %swap3A_198] {strides = array<i32>} : memref<128x512xf32, #tpu.memory_space<vmem>>, vector<16xf32>,
      tpu.vector_store %arg4[%swap3A_197, %swap3A_198], %broadcast_in_dim3A_3 {strides = array<i32>} : memref<128x512xf32, #tpu.memory_space<vmem>>, vector<16xf32>,
      %swap3A_200 = arith.index_cast %scan3A_112 : i32 to index
      %swap3A_201 = arith.constant 464 : index
      %swap3A_202 = tpu.vector_load %arg4[%swap3A_200, %swap3A_201] {strides = array<i32>} : memref<128x512xf32, #tpu.memory_space<vmem>>, vector<16xf32>,
      tpu.vector_store %arg4[%swap3A_200, %swap3A_201], %broadcast_in_dim3A_3 {strides = array<i32>} : memref<128x512xf32, #tpu.memory_space<vmem>>, vector<16xf32>,
      %swap3A_203 = arith.index_cast %scan3A_112 : i32 to index
      %swap3A_204 = arith.constant 480 : index
      %swap3A_205 = tpu.vector_load %arg4[%swap3A_203, %swap3A_204] {strides = array<i32>} : memref<128x512xf32, #tpu.memory_space<vmem>>, vector<16xf32>,
      tpu.vector_store %arg4[%swap3A_203, %swap3A_204], %broadcast_in_dim3A_3 {strides = array<i32>} : memref<128x512xf32, #tpu.memory_space<vmem>>, vector<16xf32>,
      %swap3A_206 = arith.index_cast %scan3A_112 : i32 to index
      %swap3A_207 = arith.constant 496 : index
      %swap3A_208 = tpu.vector_load %arg4[%swap3A_206, %swap3A_207] {strides = array<i32>} : memref<128x512xf32, #tpu.memory_space<vmem>>, vector<16xf32>,
      tpu.vector_store %arg4[%swap3A_206, %swap3A_207], %broadcast_in_dim3A_3 {strides = array<i32>} : memref<128x512xf32, #tpu.memory_space<vmem>>, vector<16xf32>,
      %scan3A_209 = arith.constant 0 : i32
      scf.yield %scan3A_209 : i32
    }
    %scan3A_44 = arith.constant 128 : i32
    %scan3A_45 = arith.constant 0 : i32
    %scan3A_46 = arith.constant 0 : i32
    %scan3A_47 = arith.constant 512 : i32
    %scan3A_48 = arith.addi %scan3A_46, %scan3A_47 : i32
    %scan3A_49 = arith.constant 4 : i32
    %scan3A_50 = scf.for %scan3A_112 = %scan3A_46 to %scan3A_48 step %scan3A_49 iter_args(%scan3A_113 = %scan3A_45) -> (i32)  : i32 {
      %mul3A_114 = arith.constant 16 : i32
      %mul3A_115 = arith.muli %scan3A_112, %mul3A_114 : i32
      %get3A = arith.index_cast %mul3A_115 : i32 to index
      %get3A_116 = tpu.vector_load %arg5[%get3A] {strides = array<i32>} : memref<8192xi32, #tpu.memory_space<vmem>>, vector<16xi32>,
      %mul3A_117 = arith.constant 16 : i32
      %mul3A_118 = arith.muli %scan3A_112, %mul3A_117 : i32
      %get3A_119 = arith.index_cast %mul3A_118 : i32 to index
      %get3A_120 = tpu.vector_load %arg6[%get3A_119] {strides = array<i32>} : memref<8192xi32, #tpu.memory_space<vmem>>, vector<16xi32>,
      %sub3A_121 = vector.broadcast %mul3A_37 : i32 to vector<16xi32>
      %sub3A_122 = arith.subi %get3A_120, %sub3A_121 : vector<16xi32>
      %ge3A = arith.constant 0 : i32
      %ge3A_123 = vector.broadcast %ge3A : i32 to vector<16xi32>
      %ge3A_124 = arith.cmpi sge, %sub3A_122, %ge3A_123 : vector<16xi32>
      %lt3A_125 = arith.constant 128 : i32
      %lt3A_126 = vector.broadcast %lt3A_125 : i32 to vector<16xi32>
      %lt3A_127 = arith.cmpi slt, %sub3A_122, %lt3A_126 : vector<16xi32>
      %and3A_128 = arith.andi %ge3A_124, %lt3A_127 : vector<16xi1>
      %jit3A_129 = arith.constant 0 : i32
      %broadcast_in_dim3A_130 = vector.broadcast %jit3A_129 : i32 to vector<16xi32>
      %select_n3A_131 = arith.select %and3A_128, %sub3A_122, %broadcast_in_dim3A_130 : vector<16xi1>, vector<16xi32>
      tpu.vector_store_idx %arg4[%select_n3A_131, %get3A_116], %broadcast_in_dim3A_1 masked %and3A_128 {add = true} : memref<128x512xf32, #tpu.memory_space<vmem>>[vector<16xi32>, vector<16xi32>], vector<16xf32>, vector<16xi1>
      %scan3A_132 = arith.constant 0 : i32
      %scan3A_133 = arith.constant 1 : i32
      %scan3A_134 = arith.addi %scan3A_112, %scan3A_133 : i32
      %mul3A_135 = arith.constant 16 : i32
      %mul3A_136 = arith.muli %scan3A_134, %mul3A_135 : i32
      %get3A_137 = arith.index_cast %mul3A_136 : i32 to index
      %get3A_138 = tpu.vector_load %arg5[%get3A_137] {strides = array<i32>} : memref<8192xi32, #tpu.memory_space<vmem>>, vector<16xi32>,
      %mul3A_139 = arith.constant 16 : i32
      %mul3A_140 = arith.muli %scan3A_134, %mul3A_139 : i32
      %get3A_141 = arith.index_cast %mul3A_140 : i32 to index
      %get3A_142 = tpu.vector_load %arg6[%get3A_141] {strides = array<i32>} : memref<8192xi32, #tpu.memory_space<vmem>>, vector<16xi32>,
      %sub3A_143 = vector.broadcast %mul3A_37 : i32 to vector<16xi32>
      %sub3A_144 = arith.subi %get3A_142, %sub3A_143 : vector<16xi32>
      %ge3A_145 = arith.constant 0 : i32
      %ge3A_146 = vector.broadcast %ge3A_145 : i32 to vector<16xi32>
      %ge3A_147 = arith.cmpi sge, %sub3A_144, %ge3A_146 : vector<16xi32>
      %lt3A_148 = arith.constant 128 : i32
      %lt3A_149 = vector.broadcast %lt3A_148 : i32 to vector<16xi32>
      %lt3A_150 = arith.cmpi slt, %sub3A_144, %lt3A_149 : vector<16xi32>
      %and3A_151 = arith.andi %ge3A_147, %lt3A_150 : vector<16xi1>
      %jit3A_152 = arith.constant 0 : i32
      %broadcast_in_dim3A_153 = vector.broadcast %jit3A_152 : i32 to vector<16xi32>
      %select_n3A_154 = arith.select %and3A_151, %sub3A_144, %broadcast_in_dim3A_153 : vector<16xi1>, vector<16xi32>
      tpu.vector_store_idx %arg4[%select_n3A_154, %get3A_138], %broadcast_in_dim3A_1 masked %and3A_151 {add = true} : memref<128x512xf32, #tpu.memory_space<vmem>>[vector<16xi32>, vector<16xi32>], vector<16xf32>, vector<16xi1>
      %scan3A_155 = arith.constant 0 : i32
      %scan3A_156 = arith.constant 2 : i32
      %scan3A_157 = arith.addi %scan3A_112, %scan3A_156 : i32
      %mul3A_158 = arith.constant 16 : i32
      %mul3A_159 = arith.muli %scan3A_157, %mul3A_158 : i32
      %get3A_160 = arith.index_cast %mul3A_159 : i32 to index
      %get3A_161 = tpu.vector_load %arg5[%get3A_160] {strides = array<i32>} : memref<8192xi32, #tpu.memory_space<vmem>>, vector<16xi32>,
      %mul3A_162 = arith.constant 16 : i32
      %mul3A_163 = arith.muli %scan3A_157, %mul3A_162 : i32
      %get3A_164 = arith.index_cast %mul3A_163 : i32 to index
      %get3A_165 = tpu.vector_load %arg6[%get3A_164] {strides = array<i32>} : memref<8192xi32, #tpu.memory_space<vmem>>, vector<16xi32>,
      %sub3A_166 = vector.broadcast %mul3A_37 : i32 to vector<16xi32>
      %sub3A_167 = arith.subi %get3A_165, %sub3A_166 : vector<16xi32>
      %ge3A_168 = arith.constant 0 : i32
      %ge3A_169 = vector.broadcast %ge3A_168 : i32 to vector<16xi32>
      %ge3A_170 = arith.cmpi sge, %sub3A_167, %ge3A_169 : vector<16xi32>
      %lt3A_171 = arith.constant 128 : i32
      %lt3A_172 = vector.broadcast %lt3A_171 : i32 to vector<16xi32>
      %lt3A_173 = arith.cmpi slt, %sub3A_167, %lt3A_172 : vector<16xi32>
      %and3A_174 = arith.andi %ge3A_170, %lt3A_173 : vector<16xi1>
      %jit3A_175 = arith.constant 0 : i32
      %broadcast_in_dim3A_176 = vector.broadcast %jit3A_175 : i32 to vector<16xi32>
      %select_n3A_177 = arith.select %and3A_174, %sub3A_167, %broadcast_in_dim3A_176 : vector<16xi1>, vector<16xi32>
      tpu.vector_store_idx %arg4[%select_n3A_177, %get3A_161], %broadcast_in_dim3A_1 masked %and3A_174 {add = true} : memref<128x512xf32, #tpu.memory_space<vmem>>[vector<16xi32>, vector<16xi32>], vector<16xf32>, vector<16xi1>
      %scan3A_178 = arith.constant 0 : i32
      %scan3A_179 = arith.constant 3 : i32
      %scan3A_180 = arith.addi %scan3A_112, %scan3A_179 : i32
      %mul3A_181 = arith.constant 16 : i32
      %mul3A_182 = arith.muli %scan3A_180, %mul3A_181 : i32
      %get3A_183 = arith.index_cast %mul3A_182 : i32 to index
      %get3A_184 = tpu.vector_load %arg5[%get3A_183] {strides = array<i32>} : memref<8192xi32, #tpu.memory_space<vmem>>, vector<16xi32>,
      %mul3A_185 = arith.constant 16 : i32
      %mul3A_186 = arith.muli %scan3A_180, %mul3A_185 : i32
      %get3A_187 = arith.index_cast %mul3A_186 : i32 to index
      %get3A_188 = tpu.vector_load %arg6[%get3A_187] {strides = array<i32>} : memref<8192xi32, #tpu.memory_space<vmem>>, vector<16xi32>,
      %sub3A_189 = vector.broadcast %mul3A_37 : i32 to vector<16xi32>
      %sub3A_190 = arith.subi %get3A_188, %sub3A_189 : vector<16xi32>
      %ge3A_191 = arith.constant 0 : i32
      %ge3A_192 = vector.broadcast %ge3A_191 : i32 to vector<16xi32>
      %ge3A_193 = arith.cmpi sge, %sub3A_190, %ge3A_192 : vector<16xi32>
      %lt3A_194 = arith.constant 128 : i32
      %lt3A_195 = vector.broadcast %lt3A_194 : i32 to vector<16xi32>
      %lt3A_196 = arith.cmpi slt, %sub3A_190, %lt3A_195 : vector<16xi32>
      %and3A_197 = arith.andi %ge3A_193, %lt3A_196 : vector<16xi1>
      %jit3A_198 = arith.constant 0 : i32
      %broadcast_in_dim3A_199 = vector.broadcast %jit3A_198 : i32 to vector<16xi32>
      %select_n3A_200 = arith.select %and3A_197, %sub3A_190, %broadcast_in_dim3A_199 : vector<16xi1>, vector<16xi32>
      tpu.vector_store_idx %arg4[%select_n3A_200, %get3A_184], %broadcast_in_dim3A_1 masked %and3A_197 {add = true} : memref<128x512xf32, #tpu.memory_space<vmem>>[vector<16xi32>, vector<16xi32>], vector<16xf32>, vector<16xi1>
      %scan3A_201 = arith.constant 0 : i32
      scf.yield %scan3A_201 : i32
    }
    %scan3A_51 = arith.constant 512 : i32
    "tpu.region"() ({
      %run_scoped3A_112 = tpu.sem_alloc : memref<!tpu.dma_semaphore, #tpu.memory_space<semaphore_mem>>
      %dma_start3A = arith.constant 0 : i32
      %dma_start3A_113 = tpu.memref_slice %arg3[%select_n3A, %mul3A_37, %dma_start3A] : memref<16x512x512xf32, #tpu.memory_space<hbm>> -> memref<1x128x512xf32, #tpu.memory_space<hbm>>
      %dma_start3A_114 = tpu.memref_squeeze %dma_start3A_113 : memref<1x128x512xf32, #tpu.memory_space<hbm>> -> memref<128x512xf32, #tpu.memory_space<hbm>>
      %dma_start3A_115 = arith.constant 0 : i32
      %dma_start3A_116 = tpu.memref_slice %arg3[%select_n3A, %mul3A_37, %dma_start3A_115] : memref<16x512x512xf32, #tpu.memory_space<hbm>> -> memref<1x128x512xf32, #tpu.memory_space<hbm>>
      %dma_start3A_117 = tpu.memref_squeeze %dma_start3A_116 : memref<1x128x512xf32, #tpu.memory_space<hbm>> -> memref<128x512xf32, #tpu.memory_space<hbm>>
      tpu.enqueue_dma source(%arg4 : memref<128x512xf32, #tpu.memory_space<vmem>>) target(%dma_start3A_117 : memref<128x512xf32, #tpu.memory_space<hbm>>) target_semaphore(%run_scoped3A_112 : memref<!tpu.dma_semaphore, #tpu.memory_space<semaphore_mem>>)
      %dma_wait3A = arith.constant 0 : i32
      %dma_wait3A_118 = tpu.memref_slice %arg3[%select_n3A, %mul3A_37, %dma_wait3A] : memref<16x512x512xf32, #tpu.memory_space<hbm>> -> memref<1x128x512xf32, #tpu.memory_space<hbm>>
      %dma_wait3A_119 = tpu.memref_squeeze %dma_wait3A_118 : memref<1x128x512xf32, #tpu.memory_space<hbm>> -> memref<128x512xf32, #tpu.memory_space<hbm>>
      %dma_wait3A_120 = arith.constant 0 : i32
      %dma_wait3A_121 = tpu.memref_slice %arg3[%select_n3A, %mul3A_37, %dma_wait3A_120] : memref<16x512x512xf32, #tpu.memory_space<hbm>> -> memref<1x128x512xf32, #tpu.memory_space<hbm>>
      %dma_wait3A_122 = tpu.memref_squeeze %dma_wait3A_121 : memref<1x128x512xf32, #tpu.memory_space<hbm>> -> memref<128x512xf32, #tpu.memory_space<hbm>>
      tpu.wait_dma2 semaphore(%run_scoped3A_112 : memref<!tpu.dma_semaphore, #tpu.memory_space<semaphore_mem>>) src(%arg4 : memref<128x512xf32, #tpu.memory_space<vmem>>) dst(%dma_wait3A_122 : memref<128x512xf32, #tpu.memory_space<hbm>>)
      tpu.yield
    }) : () -> ()
    %add3A_52 = arith.constant 32 : i32
    %add3A_53 = arith.addi %add3A, %add3A_52 : i32
    %jit3A_54 = arith.constant 4 : i32
    %div3A_55 = arith.divsi %add3A_53, %jit3A_54 : i32
    %sign3A_56 = arith.constant 0 : i32
    %sign3A_57 = arith.cmpi sgt, %add3A_53, %sign3A_56 : i32
    %sign3A_58 = arith.extui %sign3A_57 : i1 to i32
    %sign3A_59 = arith.constant 0 : i32
    %sign3A_60 = arith.cmpi slt, %add3A_53, %sign3A_59 : i32
    %sign3A_61 = arith.extui %sign3A_60 : i1 to i32
    %sign3A_62 = arith.subi %sign3A_58, %sign3A_61 : i32
    %sign3A_63 = arith.constant 0 : i32
    %sign3A_64 = arith.cmpi sgt, %jit3A_54, %sign3A_63 : i32
    %sign3A_65 = arith.extui %sign3A_64 : i1 to i32
    %sign3A_66 = arith.constant 0 : i32
    %sign3A_67 = arith.cmpi slt, %jit3A_54, %sign3A_66 : i32
    %sign3A_68 = arith.extui %sign3A_67 : i1 to i32
    %sign3A_69 = arith.subi %sign3A_65, %sign3A_68 : i32
    %ne3A_70 = arith.cmpi ne, %sign3A_62, %sign3A_69 : i32
    %rem3A_71 = arith.remsi %add3A_53, %jit3A_54 : i32
    %ne3A_72 = arith.constant 0 : i32
    %ne3A_73 = arith.cmpi ne, %rem3A_71, %ne3A_72 : i32
    %and3A_74 = arith.andi %ne3A_70, %ne3A_73 : i1
    %sub3A_75 = arith.constant 1 : i32
    %sub3A_76 = arith.subi %div3A_55, %sub3A_75 : i32
    %select_n3A_77 = arith.select %and3A_74, %sub3A_76, %div3A_55 : i32
    %jit3A_78 = arith.constant 4 : i32
    %eq3A_79 = arith.constant 0 : i32
    %eq3A_80 = arith.cmpi eq, %jit3A_78, %eq3A_79 : i32
    %jit3A_81 = arith.constant 1 : i32
    %select_n3A_82 = arith.select %eq3A_80, %jit3A_81, %jit3A_78 : i32
    %rem3A_83 = arith.remsi %add3A_53, %select_n3A_82 : i32
    %ne3A_84 = arith.constant 0 : i32
    %ne3A_85 = arith.cmpi ne, %rem3A_83, %ne3A_84 : i32
    %lt3A_86 = arith.constant 0 : i32
    %lt3A_87 = arith.cmpi slt, %rem3A_83, %lt3A_86 : i32
    %lt3A_88 = arith.constant 0 : i32
    %lt3A_89 = arith.cmpi slt, %select_n3A_82, %lt3A_88 : i32
    %ne3A_90 = arith.xori %lt3A_87, %lt3A_89 : i1
    %and3A_91 = arith.andi %ne3A_90, %ne3A_85 : i1
    %add3A_92 = arith.addi %rem3A_83, %select_n3A_82 : i32
    %select_n3A_93 = arith.select %and3A_91, %add3A_92, %rem3A_83 : i32
    %mul3A_94 = arith.constant 128 : i32
    %mul3A_95 = arith.muli %select_n3A_93, %mul3A_94 : i32
    %run_scoped3A_96 = arith.constant 0 : i32
    "tpu.region"() ({
      %run_scoped3A_112 = tpu.sem_alloc : memref<!tpu.dma_semaphore, #tpu.memory_space<semaphore_mem>>
      %dma_start3A = arith.constant 0 : i32
      %dma_start3A_113 = tpu.memref_slice %arg2[%select_n3A_77, %run_scoped3A_96, %dma_start3A] : memref<16x2x8192xi32, #tpu.memory_space<hbm>> -> memref<1x1x8192xi32, #tpu.memory_space<hbm>>
      %dma_start3A_114 = tpu.memref_squeeze %dma_start3A_113 : memref<1x1x8192xi32, #tpu.memory_space<hbm>> -> memref<8192xi32, #tpu.memory_space<hbm>>
      %dma_start3A_115 = arith.constant 0 : i32
      %dma_start3A_116 = tpu.memref_slice %arg2[%select_n3A_77, %run_scoped3A_96, %dma_start3A_115] : memref<16x2x8192xi32, #tpu.memory_space<hbm>> -> memref<1x1x8192xi32, #tpu.memory_space<hbm>>
      %dma_start3A_117 = tpu.memref_squeeze %dma_start3A_116 : memref<1x1x8192xi32, #tpu.memory_space<hbm>> -> memref<8192xi32, #tpu.memory_space<hbm>>
      tpu.enqueue_dma source(%dma_start3A_117 : memref<8192xi32, #tpu.memory_space<hbm>>) target(%arg5 : memref<8192xi32, #tpu.memory_space<vmem>>) target_semaphore(%run_scoped3A_112 : memref<!tpu.dma_semaphore, #tpu.memory_space<semaphore_mem>>)
      %dma_wait3A = arith.constant 0 : i32
      %dma_wait3A_118 = tpu.memref_slice %arg2[%select_n3A_77, %run_scoped3A_96, %dma_wait3A] : memref<16x2x8192xi32, #tpu.memory_space<hbm>> -> memref<1x1x8192xi32, #tpu.memory_space<hbm>>
      %dma_wait3A_119 = tpu.memref_squeeze %dma_wait3A_118 : memref<1x1x8192xi32, #tpu.memory_space<hbm>> -> memref<8192xi32, #tpu.memory_space<hbm>>
      %dma_wait3A_120 = arith.constant 0 : i32
      %dma_wait3A_121 = tpu.memref_slice %arg2[%select_n3A_77, %run_scoped3A_96, %dma_wait3A_120] : memref<16x2x8192xi32, #tpu.memory_space<hbm>> -> memref<1x1x8192xi32, #tpu.memory_space<hbm>>
      %dma_wait3A_122 = tpu.memref_squeeze %dma_wait3A_121 : memref<1x1x8192xi32, #tpu.memory_space<hbm>> -> memref<8192xi32, #tpu.memory_space<hbm>>
      tpu.wait_dma2 semaphore(%run_scoped3A_112 : memref<!tpu.dma_semaphore, #tpu.memory_space<semaphore_mem>>) src(%dma_wait3A_122 : memref<8192xi32, #tpu.memory_space<hbm>>) dst(%arg5 : memref<8192xi32, #tpu.memory_space<vmem>>)
      tpu.yield
    }) : () -> ()
    %run_scoped3A_97 = arith.constant 1 : i32
    "tpu.region"() ({
      %run_scoped3A_112 = tpu.sem_alloc : memref<!tpu.dma_semaphore, #tpu.memory_space<semaphore_mem>>
      %dma_start3A = arith.constant 0 : i32
      %dma_start3A_113 = tpu.memref_slice %arg2[%select_n3A_77, %run_scoped3A_97, %dma_start3A] : memref<16x2x8192xi32, #tpu.memory_space<hbm>> -> memref<1x1x8192xi32, #tpu.memory_space<hbm>>
      %dma_start3A_114 = tpu.memref_squeeze %dma_start3A_113 : memref<1x1x8192xi32, #tpu.memory_space<hbm>> -> memref<8192xi32, #tpu.memory_space<hbm>>
      %dma_start3A_115 = arith.constant 0 : i32
      %dma_start3A_116 = tpu.memref_slice %arg2[%select_n3A_77, %run_scoped3A_97, %dma_start3A_115] : memref<16x2x8192xi32, #tpu.memory_space<hbm>> -> memref<1x1x8192xi32, #tpu.memory_space<hbm>>
      %dma_start3A_117 = tpu.memref_squeeze %dma_start3A_116 : memref<1x1x8192xi32, #tpu.memory_space<hbm>> -> memref<8192xi32, #tpu.memory_space<hbm>>
      tpu.enqueue_dma source(%dma_start3A_117 : memref<8192xi32, #tpu.memory_space<hbm>>) target(%arg6 : memref<8192xi32, #tpu.memory_space<vmem>>) target_semaphore(%run_scoped3A_112 : memref<!tpu.dma_semaphore, #tpu.memory_space<semaphore_mem>>)
      %dma_wait3A = arith.constant 0 : i32
      %dma_wait3A_118 = tpu.memref_slice %arg2[%select_n3A_77, %run_scoped3A_97, %dma_wait3A] : memref<16x2x8192xi32, #tpu.memory_space<hbm>> -> memref<1x1x8192xi32, #tpu.memory_space<hbm>>
      %dma_wait3A_119 = tpu.memref_squeeze %dma_wait3A_118 : memref<1x1x8192xi32, #tpu.memory_space<hbm>> -> memref<8192xi32, #tpu.memory_space<hbm>>
      %dma_wait3A_120 = arith.constant 0 : i32
      %dma_wait3A_121 = tpu.memref_slice %arg2[%select_n3A_77, %run_scoped3A_97, %dma_wait3A_120] : memref<16x2x8192xi32, #tpu.memory_space<hbm>> -> memref<1x1x8192xi32, #tpu.memory_space<hbm>>
      %dma_wait3A_122 = tpu.memref_squeeze %dma_wait3A_121 : memref<1x1x8192xi32, #tpu.memory_space<hbm>> -> memref<8192xi32, #tpu.memory_space<hbm>>
      tpu.wait_dma2 semaphore(%run_scoped3A_112 : memref<!tpu.dma_semaphore, #tpu.memory_space<semaphore_mem>>) src(%dma_wait3A_122 : memref<8192xi32, #tpu.memory_space<hbm>>) dst(%arg6 : memref<8192xi32, #tpu.memory_space<vmem>>)
      tpu.yield
    }) : () -> ()
    %scan3A_98 = arith.constant 0 : i32
    %scan3A_99 = arith.constant 0 : i32
    %scan3A_100 = arith.constant 128 : i32
    %scan3A_101 = arith.addi %scan3A_99, %scan3A_100 : i32
    %scan3A_102 = arith.constant 1 : i32
    %scan3A_103 = scf.for %scan3A_112 = %scan3A_99 to %scan3A_101 step %scan3A_102 iter_args(%scan3A_113 = %scan3A_98) -> (i32)  : i32 {
      %swap3A = arith.index_cast %scan3A_112 : i32 to index
      %swap3A_114 = arith.constant 0 : index
      %swap3A_115 = tpu.vector_load %arg4[%swap3A, %swap3A_114] {strides = array<i32>} : memref<128x512xf32, #tpu.memory_space<vmem>>, vector<16xf32>,
      tpu.vector_store %arg4[%swap3A, %swap3A_114], %broadcast_in_dim3A_3 {strides = array<i32>} : memref<128x512xf32, #tpu.memory_space<vmem>>, vector<16xf32>,
      %swap3A_116 = arith.index_cast %scan3A_112 : i32 to index
      %swap3A_117 = arith.constant 16 : index
      %swap3A_118 = tpu.vector_load %arg4[%swap3A_116, %swap3A_117] {strides = array<i32>} : memref<128x512xf32, #tpu.memory_space<vmem>>, vector<16xf32>,
      tpu.vector_store %arg4[%swap3A_116, %swap3A_117], %broadcast_in_dim3A_3 {strides = array<i32>} : memref<128x512xf32, #tpu.memory_space<vmem>>, vector<16xf32>,
      %swap3A_119 = arith.index_cast %scan3A_112 : i32 to index
      %swap3A_120 = arith.constant 32 : index
      %swap3A_121 = tpu.vector_load %arg4[%swap3A_119, %swap3A_120] {strides = array<i32>} : memref<128x512xf32, #tpu.memory_space<vmem>>, vector<16xf32>,
      tpu.vector_store %arg4[%swap3A_119, %swap3A_120], %broadcast_in_dim3A_3 {strides = array<i32>} : memref<128x512xf32, #tpu.memory_space<vmem>>, vector<16xf32>,
      %swap3A_122 = arith.index_cast %scan3A_112 : i32 to index
      %swap3A_123 = arith.constant 48 : index
      %swap3A_124 = tpu.vector_load %arg4[%swap3A_122, %swap3A_123] {strides = array<i32>} : memref<128x512xf32, #tpu.memory_space<vmem>>, vector<16xf32>,
      tpu.vector_store %arg4[%swap3A_122, %swap3A_123], %broadcast_in_dim3A_3 {strides = array<i32>} : memref<128x512xf32, #tpu.memory_space<vmem>>, vector<16xf32>,
      %swap3A_125 = arith.index_cast %scan3A_112 : i32 to index
      %swap3A_126 = arith.constant 64 : index
      %swap3A_127 = tpu.vector_load %arg4[%swap3A_125, %swap3A_126] {strides = array<i32>} : memref<128x512xf32, #tpu.memory_space<vmem>>, vector<16xf32>,
      tpu.vector_store %arg4[%swap3A_125, %swap3A_126], %broadcast_in_dim3A_3 {strides = array<i32>} : memref<128x512xf32, #tpu.memory_space<vmem>>, vector<16xf32>,
      %swap3A_128 = arith.index_cast %scan3A_112 : i32 to index
      %swap3A_129 = arith.constant 80 : index
      %swap3A_130 = tpu.vector_load %arg4[%swap3A_128, %swap3A_129] {strides = array<i32>} : memref<128x512xf32, #tpu.memory_space<vmem>>, vector<16xf32>,
      tpu.vector_store %arg4[%swap3A_128, %swap3A_129], %broadcast_in_dim3A_3 {strides = array<i32>} : memref<128x512xf32, #tpu.memory_space<vmem>>, vector<16xf32>,
      %swap3A_131 = arith.index_cast %scan3A_112 : i32 to index
      %swap3A_132 = arith.constant 96 : index
      %swap3A_133 = tpu.vector_load %arg4[%swap3A_131, %swap3A_132] {strides = array<i32>} : memref<128x512xf32, #tpu.memory_space<vmem>>, vector<16xf32>,
      tpu.vector_store %arg4[%swap3A_131, %swap3A_132], %broadcast_in_dim3A_3 {strides = array<i32>} : memref<128x512xf32, #tpu.memory_space<vmem>>, vector<16xf32>,
      %swap3A_134 = arith.index_cast %scan3A_112 : i32 to index
      %swap3A_135 = arith.constant 112 : index
      %swap3A_136 = tpu.vector_load %arg4[%swap3A_134, %swap3A_135] {strides = array<i32>} : memref<128x512xf32, #tpu.memory_space<vmem>>, vector<16xf32>,
      tpu.vector_store %arg4[%swap3A_134, %swap3A_135], %broadcast_in_dim3A_3 {strides = array<i32>} : memref<128x512xf32, #tpu.memory_space<vmem>>, vector<16xf32>,
      %swap3A_137 = arith.index_cast %scan3A_112 : i32 to index
      %swap3A_138 = arith.constant 128 : index
      %swap3A_139 = tpu.vector_load %arg4[%swap3A_137, %swap3A_138] {strides = array<i32>} : memref<128x512xf32, #tpu.memory_space<vmem>>, vector<16xf32>,
      tpu.vector_store %arg4[%swap3A_137, %swap3A_138], %broadcast_in_dim3A_3 {strides = array<i32>} : memref<128x512xf32, #tpu.memory_space<vmem>>, vector<16xf32>,
      %swap3A_140 = arith.index_cast %scan3A_112 : i32 to index
      %swap3A_141 = arith.constant 144 : index
      %swap3A_142 = tpu.vector_load %arg4[%swap3A_140, %swap3A_141] {strides = array<i32>} : memref<128x512xf32, #tpu.memory_space<vmem>>, vector<16xf32>,
      tpu.vector_store %arg4[%swap3A_140, %swap3A_141], %broadcast_in_dim3A_3 {strides = array<i32>} : memref<128x512xf32, #tpu.memory_space<vmem>>, vector<16xf32>,
      %swap3A_143 = arith.index_cast %scan3A_112 : i32 to index
      %swap3A_144 = arith.constant 160 : index
      %swap3A_145 = tpu.vector_load %arg4[%swap3A_143, %swap3A_144] {strides = array<i32>} : memref<128x512xf32, #tpu.memory_space<vmem>>, vector<16xf32>,
      tpu.vector_store %arg4[%swap3A_143, %swap3A_144], %broadcast_in_dim3A_3 {strides = array<i32>} : memref<128x512xf32, #tpu.memory_space<vmem>>, vector<16xf32>,
      %swap3A_146 = arith.index_cast %scan3A_112 : i32 to index
      %swap3A_147 = arith.constant 176 : index
      %swap3A_148 = tpu.vector_load %arg4[%swap3A_146, %swap3A_147] {strides = array<i32>} : memref<128x512xf32, #tpu.memory_space<vmem>>, vector<16xf32>,
      tpu.vector_store %arg4[%swap3A_146, %swap3A_147], %broadcast_in_dim3A_3 {strides = array<i32>} : memref<128x512xf32, #tpu.memory_space<vmem>>, vector<16xf32>,
      %swap3A_149 = arith.index_cast %scan3A_112 : i32 to index
      %swap3A_150 = arith.constant 192 : index
      %swap3A_151 = tpu.vector_load %arg4[%swap3A_149, %swap3A_150] {strides = array<i32>} : memref<128x512xf32, #tpu.memory_space<vmem>>, vector<16xf32>,
      tpu.vector_store %arg4[%swap3A_149, %swap3A_150], %broadcast_in_dim3A_3 {strides = array<i32>} : memref<128x512xf32, #tpu.memory_space<vmem>>, vector<16xf32>,
      %swap3A_152 = arith.index_cast %scan3A_112 : i32 to index
      %swap3A_153 = arith.constant 208 : index
      %swap3A_154 = tpu.vector_load %arg4[%swap3A_152, %swap3A_153] {strides = array<i32>} : memref<128x512xf32, #tpu.memory_space<vmem>>, vector<16xf32>,
      tpu.vector_store %arg4[%swap3A_152, %swap3A_153], %broadcast_in_dim3A_3 {strides = array<i32>} : memref<128x512xf32, #tpu.memory_space<vmem>>, vector<16xf32>,
      %swap3A_155 = arith.index_cast %scan3A_112 : i32 to index
      %swap3A_156 = arith.constant 224 : index
      %swap3A_157 = tpu.vector_load %arg4[%swap3A_155, %swap3A_156] {strides = array<i32>} : memref<128x512xf32, #tpu.memory_space<vmem>>, vector<16xf32>,
      tpu.vector_store %arg4[%swap3A_155, %swap3A_156], %broadcast_in_dim3A_3 {strides = array<i32>} : memref<128x512xf32, #tpu.memory_space<vmem>>, vector<16xf32>,
      %swap3A_158 = arith.index_cast %scan3A_112 : i32 to index
      %swap3A_159 = arith.constant 240 : index
      %swap3A_160 = tpu.vector_load %arg4[%swap3A_158, %swap3A_159] {strides = array<i32>} : memref<128x512xf32, #tpu.memory_space<vmem>>, vector<16xf32>,
      tpu.vector_store %arg4[%swap3A_158, %swap3A_159], %broadcast_in_dim3A_3 {strides = array<i32>} : memref<128x512xf32, #tpu.memory_space<vmem>>, vector<16xf32>,
      %swap3A_161 = arith.index_cast %scan3A_112 : i32 to index
      %swap3A_162 = arith.constant 256 : index
      %swap3A_163 = tpu.vector_load %arg4[%swap3A_161, %swap3A_162] {strides = array<i32>} : memref<128x512xf32, #tpu.memory_space<vmem>>, vector<16xf32>,
      tpu.vector_store %arg4[%swap3A_161, %swap3A_162], %broadcast_in_dim3A_3 {strides = array<i32>} : memref<128x512xf32, #tpu.memory_space<vmem>>, vector<16xf32>,
      %swap3A_164 = arith.index_cast %scan3A_112 : i32 to index
      %swap3A_165 = arith.constant 272 : index
      %swap3A_166 = tpu.vector_load %arg4[%swap3A_164, %swap3A_165] {strides = array<i32>} : memref<128x512xf32, #tpu.memory_space<vmem>>, vector<16xf32>,
      tpu.vector_store %arg4[%swap3A_164, %swap3A_165], %broadcast_in_dim3A_3 {strides = array<i32>} : memref<128x512xf32, #tpu.memory_space<vmem>>, vector<16xf32>,
      %swap3A_167 = arith.index_cast %scan3A_112 : i32 to index
      %swap3A_168 = arith.constant 288 : index
      %swap3A_169 = tpu.vector_load %arg4[%swap3A_167, %swap3A_168] {strides = array<i32>} : memref<128x512xf32, #tpu.memory_space<vmem>>, vector<16xf32>,
      tpu.vector_store %arg4[%swap3A_167, %swap3A_168], %broadcast_in_dim3A_3 {strides = array<i32>} : memref<128x512xf32, #tpu.memory_space<vmem>>, vector<16xf32>,
      %swap3A_170 = arith.index_cast %scan3A_112 : i32 to index
      %swap3A_171 = arith.constant 304 : index
      %swap3A_172 = tpu.vector_load %arg4[%swap3A_170, %swap3A_171] {strides = array<i32>} : memref<128x512xf32, #tpu.memory_space<vmem>>, vector<16xf32>,
      tpu.vector_store %arg4[%swap3A_170, %swap3A_171], %broadcast_in_dim3A_3 {strides = array<i32>} : memref<128x512xf32, #tpu.memory_space<vmem>>, vector<16xf32>,
      %swap3A_173 = arith.index_cast %scan3A_112 : i32 to index
      %swap3A_174 = arith.constant 320 : index
      %swap3A_175 = tpu.vector_load %arg4[%swap3A_173, %swap3A_174] {strides = array<i32>} : memref<128x512xf32, #tpu.memory_space<vmem>>, vector<16xf32>,
      tpu.vector_store %arg4[%swap3A_173, %swap3A_174], %broadcast_in_dim3A_3 {strides = array<i32>} : memref<128x512xf32, #tpu.memory_space<vmem>>, vector<16xf32>,
      %swap3A_176 = arith.index_cast %scan3A_112 : i32 to index
      %swap3A_177 = arith.constant 336 : index
      %swap3A_178 = tpu.vector_load %arg4[%swap3A_176, %swap3A_177] {strides = array<i32>} : memref<128x512xf32, #tpu.memory_space<vmem>>, vector<16xf32>,
      tpu.vector_store %arg4[%swap3A_176, %swap3A_177], %broadcast_in_dim3A_3 {strides = array<i32>} : memref<128x512xf32, #tpu.memory_space<vmem>>, vector<16xf32>,
      %swap3A_179 = arith.index_cast %scan3A_112 : i32 to index
      %swap3A_180 = arith.constant 352 : index
      %swap3A_181 = tpu.vector_load %arg4[%swap3A_179, %swap3A_180] {strides = array<i32>} : memref<128x512xf32, #tpu.memory_space<vmem>>, vector<16xf32>,
      tpu.vector_store %arg4[%swap3A_179, %swap3A_180], %broadcast_in_dim3A_3 {strides = array<i32>} : memref<128x512xf32, #tpu.memory_space<vmem>>, vector<16xf32>,
      %swap3A_182 = arith.index_cast %scan3A_112 : i32 to index
      %swap3A_183 = arith.constant 368 : index
      %swap3A_184 = tpu.vector_load %arg4[%swap3A_182, %swap3A_183] {strides = array<i32>} : memref<128x512xf32, #tpu.memory_space<vmem>>, vector<16xf32>,
      tpu.vector_store %arg4[%swap3A_182, %swap3A_183], %broadcast_in_dim3A_3 {strides = array<i32>} : memref<128x512xf32, #tpu.memory_space<vmem>>, vector<16xf32>,
      %swap3A_185 = arith.index_cast %scan3A_112 : i32 to index
      %swap3A_186 = arith.constant 384 : index
      %swap3A_187 = tpu.vector_load %arg4[%swap3A_185, %swap3A_186] {strides = array<i32>} : memref<128x512xf32, #tpu.memory_space<vmem>>, vector<16xf32>,
      tpu.vector_store %arg4[%swap3A_185, %swap3A_186], %broadcast_in_dim3A_3 {strides = array<i32>} : memref<128x512xf32, #tpu.memory_space<vmem>>, vector<16xf32>,
      %swap3A_188 = arith.index_cast %scan3A_112 : i32 to index
      %swap3A_189 = arith.constant 400 : index
      %swap3A_190 = tpu.vector_load %arg4[%swap3A_188, %swap3A_189] {strides = array<i32>} : memref<128x512xf32, #tpu.memory_space<vmem>>, vector<16xf32>,
      tpu.vector_store %arg4[%swap3A_188, %swap3A_189], %broadcast_in_dim3A_3 {strides = array<i32>} : memref<128x512xf32, #tpu.memory_space<vmem>>, vector<16xf32>,
      %swap3A_191 = arith.index_cast %scan3A_112 : i32 to index
      %swap3A_192 = arith.constant 416 : index
      %swap3A_193 = tpu.vector_load %arg4[%swap3A_191, %swap3A_192] {strides = array<i32>} : memref<128x512xf32, #tpu.memory_space<vmem>>, vector<16xf32>,
      tpu.vector_store %arg4[%swap3A_191, %swap3A_192], %broadcast_in_dim3A_3 {strides = array<i32>} : memref<128x512xf32, #tpu.memory_space<vmem>>, vector<16xf32>,
      %swap3A_194 = arith.index_cast %scan3A_112 : i32 to index
      %swap3A_195 = arith.constant 432 : index
      %swap3A_196 = tpu.vector_load %arg4[%swap3A_194, %swap3A_195] {strides = array<i32>} : memref<128x512xf32, #tpu.memory_space<vmem>>, vector<16xf32>,
      tpu.vector_store %arg4[%swap3A_194, %swap3A_195], %broadcast_in_dim3A_3 {strides = array<i32>} : memref<128x512xf32, #tpu.memory_space<vmem>>, vector<16xf32>,
      %swap3A_197 = arith.index_cast %scan3A_112 : i32 to index
      %swap3A_198 = arith.constant 448 : index
      %swap3A_199 = tpu.vector_load %arg4[%swap3A_197, %swap3A_198] {strides = array<i32>} : memref<128x512xf32, #tpu.memory_space<vmem>>, vector<16xf32>,
      tpu.vector_store %arg4[%swap3A_197, %swap3A_198], %broadcast_in_dim3A_3 {strides = array<i32>} : memref<128x512xf32, #tpu.memory_space<vmem>>, vector<16xf32>,
      %swap3A_200 = arith.index_cast %scan3A_112 : i32 to index
      %swap3A_201 = arith.constant 464 : index
      %swap3A_202 = tpu.vector_load %arg4[%swap3A_200, %swap3A_201] {strides = array<i32>} : memref<128x512xf32, #tpu.memory_space<vmem>>, vector<16xf32>,
      tpu.vector_store %arg4[%swap3A_200, %swap3A_201], %broadcast_in_dim3A_3 {strides = array<i32>} : memref<128x512xf32, #tpu.memory_space<vmem>>, vector<16xf32>,
      %swap3A_203 = arith.index_cast %scan3A_112 : i32 to index
      %swap3A_204 = arith.constant 480 : index
      %swap3A_205 = tpu.vector_load %arg4[%swap3A_203, %swap3A_204] {strides = array<i32>} : memref<128x512xf32, #tpu.memory_space<vmem>>, vector<16xf32>,
      tpu.vector_store %arg4[%swap3A_203, %swap3A_204], %broadcast_in_dim3A_3 {strides = array<i32>} : memref<128x512xf32, #tpu.memory_space<vmem>>, vector<16xf32>,
      %swap3A_206 = arith.index_cast %scan3A_112 : i32 to index
      %swap3A_207 = arith.constant 496 : index
      %swap3A_208 = tpu.vector_load %arg4[%swap3A_206, %swap3A_207] {strides = array<i32>} : memref<128x512xf32, #tpu.memory_space<vmem>>, vector<16xf32>,
      tpu.vector_store %arg4[%swap3A_206, %swap3A_207], %broadcast_in_dim3A_3 {strides = array<i32>} : memref<128x512xf32, #tpu.memory_space<vmem>>, vector<16xf32>,
      %scan3A_209 = arith.constant 0 : i32
      scf.yield %scan3A_209 : i32
    }
    %scan3A_104 = arith.constant 128 : i32
    %scan3A_105 = arith.constant 0 : i32
    %scan3A_106 = arith.constant 0 : i32
    %scan3A_107 = arith.constant 512 : i32
    %scan3A_108 = arith.addi %scan3A_106, %scan3A_107 : i32
    %scan3A_109 = arith.constant 4 : i32
    %scan3A_110 = scf.for %scan3A_112 = %scan3A_106 to %scan3A_108 step %scan3A_109 iter_args(%scan3A_113 = %scan3A_105) -> (i32)  : i32 {
      %mul3A_114 = arith.constant 16 : i32
      %mul3A_115 = arith.muli %scan3A_112, %mul3A_114 : i32
      %get3A = arith.index_cast %mul3A_115 : i32 to index
      %get3A_116 = tpu.vector_load %arg5[%get3A] {strides = array<i32>} : memref<8192xi32, #tpu.memory_space<vmem>>, vector<16xi32>,
      %mul3A_117 = arith.constant 16 : i32
      %mul3A_118 = arith.muli %scan3A_112, %mul3A_117 : i32
      %get3A_119 = arith.index_cast %mul3A_118 : i32 to index
      %get3A_120 = tpu.vector_load %arg6[%get3A_119] {strides = array<i32>} : memref<8192xi32, #tpu.memory_space<vmem>>, vector<16xi32>,
      %sub3A_121 = vector.broadcast %mul3A_95 : i32 to vector<16xi32>
      %sub3A_122 = arith.subi %get3A_120, %sub3A_121 : vector<16xi32>
      %ge3A = arith.constant 0 : i32
      %ge3A_123 = vector.broadcast %ge3A : i32 to vector<16xi32>
      %ge3A_124 = arith.cmpi sge, %sub3A_122, %ge3A_123 : vector<16xi32>
      %lt3A_125 = arith.constant 128 : i32
      %lt3A_126 = vector.broadcast %lt3A_125 : i32 to vector<16xi32>
      %lt3A_127 = arith.cmpi slt, %sub3A_122, %lt3A_126 : vector<16xi32>
      %and3A_128 = arith.andi %ge3A_124, %lt3A_127 : vector<16xi1>
      %jit3A_129 = arith.constant 0 : i32
      %broadcast_in_dim3A_130 = vector.broadcast %jit3A_129 : i32 to vector<16xi32>
      %select_n3A_131 = arith.select %and3A_128, %sub3A_122, %broadcast_in_dim3A_130 : vector<16xi1>, vector<16xi32>
      tpu.vector_store_idx %arg4[%select_n3A_131, %get3A_116], %broadcast_in_dim3A_1 masked %and3A_128 {add = true} : memref<128x512xf32, #tpu.memory_space<vmem>>[vector<16xi32>, vector<16xi32>], vector<16xf32>, vector<16xi1>
      %scan3A_132 = arith.constant 0 : i32
      %scan3A_133 = arith.constant 1 : i32
      %scan3A_134 = arith.addi %scan3A_112, %scan3A_133 : i32
      %mul3A_135 = arith.constant 16 : i32
      %mul3A_136 = arith.muli %scan3A_134, %mul3A_135 : i32
      %get3A_137 = arith.index_cast %mul3A_136 : i32 to index
      %get3A_138 = tpu.vector_load %arg5[%get3A_137] {strides = array<i32>} : memref<8192xi32, #tpu.memory_space<vmem>>, vector<16xi32>,
      %mul3A_139 = arith.constant 16 : i32
      %mul3A_140 = arith.muli %scan3A_134, %mul3A_139 : i32
      %get3A_141 = arith.index_cast %mul3A_140 : i32 to index
      %get3A_142 = tpu.vector_load %arg6[%get3A_141] {strides = array<i32>} : memref<8192xi32, #tpu.memory_space<vmem>>, vector<16xi32>,
      %sub3A_143 = vector.broadcast %mul3A_95 : i32 to vector<16xi32>
      %sub3A_144 = arith.subi %get3A_142, %sub3A_143 : vector<16xi32>
      %ge3A_145 = arith.constant 0 : i32
      %ge3A_146 = vector.broadcast %ge3A_145 : i32 to vector<16xi32>
      %ge3A_147 = arith.cmpi sge, %sub3A_144, %ge3A_146 : vector<16xi32>
      %lt3A_148 = arith.constant 128 : i32
      %lt3A_149 = vector.broadcast %lt3A_148 : i32 to vector<16xi32>
      %lt3A_150 = arith.cmpi slt, %sub3A_144, %lt3A_149 : vector<16xi32>
      %and3A_151 = arith.andi %ge3A_147, %lt3A_150 : vector<16xi1>
      %jit3A_152 = arith.constant 0 : i32
      %broadcast_in_dim3A_153 = vector.broadcast %jit3A_152 : i32 to vector<16xi32>
      %select_n3A_154 = arith.select %and3A_151, %sub3A_144, %broadcast_in_dim3A_153 : vector<16xi1>, vector<16xi32>
      tpu.vector_store_idx %arg4[%select_n3A_154, %get3A_138], %broadcast_in_dim3A_1 masked %and3A_151 {add = true} : memref<128x512xf32, #tpu.memory_space<vmem>>[vector<16xi32>, vector<16xi32>], vector<16xf32>, vector<16xi1>
      %scan3A_155 = arith.constant 0 : i32
      %scan3A_156 = arith.constant 2 : i32
      %scan3A_157 = arith.addi %scan3A_112, %scan3A_156 : i32
      %mul3A_158 = arith.constant 16 : i32
      %mul3A_159 = arith.muli %scan3A_157, %mul3A_158 : i32
      %get3A_160 = arith.index_cast %mul3A_159 : i32 to index
      %get3A_161 = tpu.vector_load %arg5[%get3A_160] {strides = array<i32>} : memref<8192xi32, #tpu.memory_space<vmem>>, vector<16xi32>,
      %mul3A_162 = arith.constant 16 : i32
      %mul3A_163 = arith.muli %scan3A_157, %mul3A_162 : i32
      %get3A_164 = arith.index_cast %mul3A_163 : i32 to index
      %get3A_165 = tpu.vector_load %arg6[%get3A_164] {strides = array<i32>} : memref<8192xi32, #tpu.memory_space<vmem>>, vector<16xi32>,
      %sub3A_166 = vector.broadcast %mul3A_95 : i32 to vector<16xi32>
      %sub3A_167 = arith.subi %get3A_165, %sub3A_166 : vector<16xi32>
      %ge3A_168 = arith.constant 0 : i32
      %ge3A_169 = vector.broadcast %ge3A_168 : i32 to vector<16xi32>
      %ge3A_170 = arith.cmpi sge, %sub3A_167, %ge3A_169 : vector<16xi32>
      %lt3A_171 = arith.constant 128 : i32
      %lt3A_172 = vector.broadcast %lt3A_171 : i32 to vector<16xi32>
      %lt3A_173 = arith.cmpi slt, %sub3A_167, %lt3A_172 : vector<16xi32>
      %and3A_174 = arith.andi %ge3A_170, %lt3A_173 : vector<16xi1>
      %jit3A_175 = arith.constant 0 : i32
      %broadcast_in_dim3A_176 = vector.broadcast %jit3A_175 : i32 to vector<16xi32>
      %select_n3A_177 = arith.select %and3A_174, %sub3A_167, %broadcast_in_dim3A_176 : vector<16xi1>, vector<16xi32>
      tpu.vector_store_idx %arg4[%select_n3A_177, %get3A_161], %broadcast_in_dim3A_1 masked %and3A_174 {add = true} : memref<128x512xf32, #tpu.memory_space<vmem>>[vector<16xi32>, vector<16xi32>], vector<16xf32>, vector<16xi1>
      %scan3A_178 = arith.constant 0 : i32
      %scan3A_179 = arith.constant 3 : i32
      %scan3A_180 = arith.addi %scan3A_112, %scan3A_179 : i32
      %mul3A_181 = arith.constant 16 : i32
      %mul3A_182 = arith.muli %scan3A_180, %mul3A_181 : i32
      %get3A_183 = arith.index_cast %mul3A_182 : i32 to index
      %get3A_184 = tpu.vector_load %arg5[%get3A_183] {strides = array<i32>} : memref<8192xi32, #tpu.memory_space<vmem>>, vector<16xi32>,
      %mul3A_185 = arith.constant 16 : i32
      %mul3A_186 = arith.muli %scan3A_180, %mul3A_185 : i32
      %get3A_187 = arith.index_cast %mul3A_186 : i32 to index
      %get3A_188 = tpu.vector_load %arg6[%get3A_187] {strides = array<i32>} : memref<8192xi32, #tpu.memory_space<vmem>>, vector<16xi32>,
      %sub3A_189 = vector.broadcast %mul3A_95 : i32 to vector<16xi32>
      %sub3A_190 = arith.subi %get3A_188, %sub3A_189 : vector<16xi32>
      %ge3A_191 = arith.constant 0 : i32
      %ge3A_192 = vector.broadcast %ge3A_191 : i32 to vector<16xi32>
      %ge3A_193 = arith.cmpi sge, %sub3A_190, %ge3A_192 : vector<16xi32>
      %lt3A_194 = arith.constant 128 : i32
      %lt3A_195 = vector.broadcast %lt3A_194 : i32 to vector<16xi32>
      %lt3A_196 = arith.cmpi slt, %sub3A_190, %lt3A_195 : vector<16xi32>
      %and3A_197 = arith.andi %ge3A_193, %lt3A_196 : vector<16xi1>
      %jit3A_198 = arith.constant 0 : i32
      %broadcast_in_dim3A_199 = vector.broadcast %jit3A_198 : i32 to vector<16xi32>
      %select_n3A_200 = arith.select %and3A_197, %sub3A_190, %broadcast_in_dim3A_199 : vector<16xi1>, vector<16xi32>
      tpu.vector_store_idx %arg4[%select_n3A_200, %get3A_184], %broadcast_in_dim3A_1 masked %and3A_197 {add = true} : memref<128x512xf32, #tpu.memory_space<vmem>>[vector<16xi32>, vector<16xi32>], vector<16xf32>, vector<16xi1>
      %scan3A_201 = arith.constant 0 : i32
      scf.yield %scan3A_201 : i32
    }
    %scan3A_111 = arith.constant 512 : i32
    "tpu.region"() ({
      %run_scoped3A_112 = tpu.sem_alloc : memref<!tpu.dma_semaphore, #tpu.memory_space<semaphore_mem>>
      %dma_start3A = arith.constant 0 : i32
      %dma_start3A_113 = tpu.memref_slice %arg3[%select_n3A_77, %mul3A_95, %dma_start3A] : memref<16x512x512xf32, #tpu.memory_space<hbm>> -> memref<1x128x512xf32, #tpu.memory_space<hbm>>
      %dma_start3A_114 = tpu.memref_squeeze %dma_start3A_113 : memref<1x128x512xf32, #tpu.memory_space<hbm>> -> memref<128x512xf32, #tpu.memory_space<hbm>>
      %dma_start3A_115 = arith.constant 0 : i32
      %dma_start3A_116 = tpu.memref_slice %arg3[%select_n3A_77, %mul3A_95, %dma_start3A_115] : memref<16x512x512xf32, #tpu.memory_space<hbm>> -> memref<1x128x512xf32, #tpu.memory_space<hbm>>
      %dma_start3A_117 = tpu.memref_squeeze %dma_start3A_116 : memref<1x128x512xf32, #tpu.memory_space<hbm>> -> memref<128x512xf32, #tpu.memory_space<hbm>>
      tpu.enqueue_dma source(%arg4 : memref<128x512xf32, #tpu.memory_space<vmem>>) target(%dma_start3A_117 : memref<128x512xf32, #tpu.memory_space<hbm>>) target_semaphore(%run_scoped3A_112 : memref<!tpu.dma_semaphore, #tpu.memory_space<semaphore_mem>>)
      %dma_wait3A = arith.constant 0 : i32
      %dma_wait3A_118 = tpu.memref_slice %arg3[%select_n3A_77, %mul3A_95, %dma_wait3A] : memref<16x512x512xf32, #tpu.memory_space<hbm>> -> memref<1x128x512xf32, #tpu.memory_space<hbm>>
      %dma_wait3A_119 = tpu.memref_squeeze %dma_wait3A_118 : memref<1x128x512xf32, #tpu.memory_space<hbm>> -> memref<128x512xf32, #tpu.memory_space<hbm>>
      %dma_wait3A_120 = arith.constant 0 : i32
      %dma_wait3A_121 = tpu.memref_slice %arg3[%select_n3A_77, %mul3A_95, %dma_wait3A_120] : memref<16x512x512xf32, #tpu.memory_space<hbm>> -> memref<1x128x512xf32, #tpu.memory_space<hbm>>
      %dma_wait3A_122 = tpu.memref_squeeze %dma_wait3A_121 : memref<1x128x512xf32, #tpu.memory_space<hbm>> -> memref<128x512xf32, #tpu.memory_space<hbm>>
      tpu.wait_dma2 semaphore(%run_scoped3A_112 : memref<!tpu.dma_semaphore, #tpu.memory_space<semaphore_mem>>) src(%arg4 : memref<128x512xf32, #tpu.memory_space<vmem>>) dst(%dma_wait3A_122 : memref<128x512xf32, #tpu.memory_space<hbm>>)
      tpu.yield
    }) : () -> ()
    return
  }
}

module attributes {stable_mosaic.version = 14 : i64} {
  func.func @_mha_body(%arg0: i32, %arg1: memref<1x512x128xf32, #tpu.memory_space<vmem>>, %arg2: memref<1x512x128xf32, #tpu.memory_space<vmem>>, %arg3: memref<1x512x128xf32, #tpu.memory_space<vmem>>, %arg4: memref<128x128xf32, #tpu.memory_space<vmem>>, %arg5: memref<128x128xf32, #tpu.memory_space<vmem>>, %arg6: memref<128x128xf32, #tpu.memory_space<vmem>>, %arg7: memref<1x512x128xf32, #tpu.memory_space<vmem>>, %arg8: memref<1x2x512x512xf32, #tpu.memory_space<vmem>>) attributes {dimension_semantics = [#tpu.dimension_semantics<arbitrary>], iteration_bounds = array<i64: 16>, scalar_prefetch = 0 : i64, scratch_operands = 0 : i64, tpu.core_type = #tpu.core_type<tc>, window_params = [{transform_indices = @transform_0, window_bounds = array<i64: 1, 512, 128>}, {transform_indices = @transform_1, window_bounds = array<i64: 1, 512, 128>}, {transform_indices = @transform_2, window_bounds = array<i64: 1, 512, 128>}, {pipeline_mode = #tpu.pipeline_mode<synchronous>, transform_indices = @transform_3, window_bounds = array<i64: 128, 128>}, {pipeline_mode = #tpu.pipeline_mode<synchronous>, transform_indices = @transform_4, window_bounds = array<i64: 128, 128>}, {pipeline_mode = #tpu.pipeline_mode<synchronous>, transform_indices = @transform_5, window_bounds = array<i64: 128, 128>}, {transform_indices = @transform_6, window_bounds = array<i64: 1, 512, 128>}, {transform_indices = @transform_7, window_bounds = array<i64: 1, 2, 512, 512>}]} {
    %get3A = arith.constant 0 : index
    %get3A_0 = arith.constant 0 : index
    %get3A_1 = arith.constant 0 : index
    %get3A_2 = vector.load %arg1[%get3A, %get3A_0, %get3A_1] : memref<1x512x128xf32, #tpu.memory_space<vmem>>, vector<1x512x128xf32>
    %get3A_3 = vector.shape_cast %get3A_2 : vector<1x512x128xf32> to vector<512x128xf32>
    %get3A_4 = arith.constant 0 : index
    %get3A_5 = arith.constant 0 : index
    %get3A_6 = vector.load %arg4[%get3A_4, %get3A_5] : memref<128x128xf32, #tpu.memory_space<vmem>>, vector<128x128xf32>
    %dot_general3A = arith.constant dense<0.000000e+00> : vector<512x128xf32>
    %dot_general3A_7 = tpu.matmul %get3A_3, %get3A_6, %dot_general3A {dimension_numbers = #tpu.dot_dimension_numbers<[1], [0], [0], [1], [0, 0, 1, 1], [], []>, transpose_lhs_hint = false} : vector<512x128xf32>, vector<128x128xf32>, vector<512x128xf32> -> vector<512x128xf32>
    %get3A_8 = arith.constant 0 : index
    %get3A_9 = arith.constant 0 : index
    %get3A_10 = arith.constant 0 : index
    %get3A_11 = vector.load %arg2[%get3A_8, %get3A_9, %get3A_10] : memref<1x512x128xf32, #tpu.memory_space<vmem>>, vector<1x512x128xf32>
    %get3A_12 = vector.shape_cast %get3A_11 : vector<1x512x128xf32> to vector<512x128xf32>
    %get3A_13 = arith.constant 0 : index
    %get3A_14 = arith.constant 0 : index
    %get3A_15 = vector.load %arg5[%get3A_13, %get3A_14] : memref<128x128xf32, #tpu.memory_space<vmem>>, vector<128x128xf32>
    %dot_general3A_16 = arith.constant dense<0.000000e+00> : vector<512x128xf32>
    %dot_general3A_17 = tpu.matmul %get3A_12, %get3A_15, %dot_general3A_16 {dimension_numbers = #tpu.dot_dimension_numbers<[1], [0], [0], [1], [0, 0, 1, 1], [], []>, transpose_lhs_hint = false} : vector<512x128xf32>, vector<128x128xf32>, vector<512x128xf32> -> vector<512x128xf32>
    %get3A_18 = arith.constant 0 : index
    %get3A_19 = arith.constant 0 : index
    %get3A_20 = arith.constant 0 : index
    %get3A_21 = vector.load %arg3[%get3A_18, %get3A_19, %get3A_20] : memref<1x512x128xf32, #tpu.memory_space<vmem>>, vector<1x512x128xf32>
    %get3A_22 = vector.shape_cast %get3A_21 : vector<1x512x128xf32> to vector<512x128xf32>
    %get3A_23 = arith.constant 0 : index
    %get3A_24 = arith.constant 0 : index
    %get3A_25 = vector.load %arg6[%get3A_23, %get3A_24] : memref<128x128xf32, #tpu.memory_space<vmem>>, vector<128x128xf32>
    %dot_general3A_26 = arith.constant dense<0.000000e+00> : vector<512x128xf32>
    %dot_general3A_27 = tpu.matmul %get3A_22, %get3A_25, %dot_general3A_26 {dimension_numbers = #tpu.dot_dimension_numbers<[1], [0], [0], [1], [0, 0, 1, 1], [], []>, transpose_lhs_hint = false} : vector<512x128xf32>, vector<128x128xf32>, vector<512x128xf32> -> vector<512x128xf32>
    %slice3A = vector.extract_strided_slice %dot_general3A_7 {offsets = [0, 0], sizes = [512, 64], strides = [1, 1]} : vector<512x128xf32> to vector<512x64xf32>
    %slice3A_28 = vector.extract_strided_slice %dot_general3A_17 {offsets = [0, 0], sizes = [512, 64], strides = [1, 1]} : vector<512x128xf32> to vector<512x64xf32>
    %slice3A_29 = vector.extract_strided_slice %dot_general3A_27 {offsets = [0, 0], sizes = [512, 64], strides = [1, 1]} : vector<512x128xf32> to vector<512x64xf32>
    %dot_general3A_30 = arith.constant dense<0.000000e+00> : vector<512x512xf32>
    %dot_general3A_31 = tpu.matmul %slice3A, %slice3A_28, %dot_general3A_30 {dimension_numbers = #tpu.dot_dimension_numbers<[1], [1], [0], [0], [0, 0, 1, 0], [], []>, transpose_lhs_hint = false} : vector<512x64xf32>, vector<512x64xf32>, vector<512x512xf32> -> vector<512x512xf32>
    %exp23A = math.exp2 %dot_general3A_31 : vector<512x512xf32>
    %reduce_sum3A = arith.constant dense<0.000000e+00> : vector<512xf32>
    %reduce_sum3A_32 = vector.multi_reduction <add>, %exp23A, %reduce_sum3A [1] : vector<512x512xf32> to vector<512xf32>
    %broadcast_in_dim3A = vector.shape_cast %reduce_sum3A_32 : vector<512xf32> to vector<512x1xf32>
    %div3A = arith.constant 1.000000e+00 : f32
    %div3A_33 = vector.broadcast %div3A : f32 to vector<512x1xf32>
    %div3A_34 = arith.divf %div3A_33, %broadcast_in_dim3A : vector<512x1xf32>
    %mul3A = vector.broadcast %div3A_34 : vector<512x1xf32> to vector<512x512xf32>
    %mul3A_35 = arith.mulf %exp23A, %mul3A : vector<512x512xf32>
    %swap3A = arith.constant 0 : index
    %swap3A_36 = arith.constant 0 : index
    %swap3A_37 = arith.constant 0 : index
    %swap3A_38 = arith.constant 0 : index
    %swap3A_39 = vector.load %arg8[%swap3A, %swap3A_36, %swap3A_37, %swap3A_38] : memref<1x2x512x512xf32, #tpu.memory_space<vmem>>, vector<1x1x512x512xf32>
    %swap3A_40 = vector.shape_cast %swap3A_39 : vector<1x1x512x512xf32> to vector<512x512xf32>
    %swap3A_41 = vector.shape_cast %mul3A_35 : vector<512x512xf32> to vector<1x1x512x512xf32>
    tpu.vector_store %arg8[%swap3A, %swap3A_36, %swap3A_37, %swap3A_38], %swap3A_41 {strides = array<i32>} : memref<1x2x512x512xf32, #tpu.memory_space<vmem>>, vector<1x1x512x512xf32>,
    %dot_general3A_42 = arith.constant dense<0.000000e+00> : vector<512x64xf32>
    %dot_general3A_43 = tpu.matmul %exp23A, %slice3A_29, %dot_general3A_42 {dimension_numbers = #tpu.dot_dimension_numbers<[1], [0], [0], [1], [0, 0, 1, 1], [], []>, transpose_lhs_hint = false} : vector<512x512xf32>, vector<512x64xf32>, vector<512x64xf32> -> vector<512x64xf32>
    %mul3A_44 = vector.broadcast %div3A_34 : vector<512x1xf32> to vector<512x64xf32>
    %mul3A_45 = arith.mulf %dot_general3A_43, %mul3A_44 : vector<512x64xf32>
    %slice3A_46 = vector.extract_strided_slice %dot_general3A_7 {offsets = [0, 64], sizes = [512, 64], strides = [1, 1]} : vector<512x128xf32> to vector<512x64xf32>
    %slice3A_47 = vector.extract_strided_slice %dot_general3A_17 {offsets = [0, 64], sizes = [512, 64], strides = [1, 1]} : vector<512x128xf32> to vector<512x64xf32>
    %slice3A_48 = vector.extract_strided_slice %dot_general3A_27 {offsets = [0, 64], sizes = [512, 64], strides = [1, 1]} : vector<512x128xf32> to vector<512x64xf32>
    %dot_general3A_49 = arith.constant dense<0.000000e+00> : vector<512x512xf32>
    %dot_general3A_50 = tpu.matmul %slice3A_46, %slice3A_47, %dot_general3A_49 {dimension_numbers = #tpu.dot_dimension_numbers<[1], [1], [0], [0], [0, 0, 1, 0], [], []>, transpose_lhs_hint = false} : vector<512x64xf32>, vector<512x64xf32>, vector<512x512xf32> -> vector<512x512xf32>
    %exp23A_51 = math.exp2 %dot_general3A_50 : vector<512x512xf32>
    %reduce_sum3A_52 = arith.constant dense<0.000000e+00> : vector<512xf32>
    %reduce_sum3A_53 = vector.multi_reduction <add>, %exp23A_51, %reduce_sum3A_52 [1] : vector<512x512xf32> to vector<512xf32>
    %broadcast_in_dim3A_54 = vector.shape_cast %reduce_sum3A_53 : vector<512xf32> to vector<512x1xf32>
    %div3A_55 = arith.constant 1.000000e+00 : f32
    %div3A_56 = vector.broadcast %div3A_55 : f32 to vector<512x1xf32>
    %div3A_57 = arith.divf %div3A_56, %broadcast_in_dim3A_54 : vector<512x1xf32>
    %mul3A_58 = vector.broadcast %div3A_57 : vector<512x1xf32> to vector<512x512xf32>
    %mul3A_59 = arith.mulf %exp23A_51, %mul3A_58 : vector<512x512xf32>
    %swap3A_60 = arith.constant 0 : index
    %swap3A_61 = arith.constant 1 : index
    %swap3A_62 = arith.constant 0 : index
    %swap3A_63 = arith.constant 0 : index
    %swap3A_64 = vector.load %arg8[%swap3A_60, %swap3A_61, %swap3A_62, %swap3A_63] : memref<1x2x512x512xf32, #tpu.memory_space<vmem>>, vector<1x1x512x512xf32>
    %swap3A_65 = vector.shape_cast %swap3A_64 : vector<1x1x512x512xf32> to vector<512x512xf32>
    %swap3A_66 = vector.shape_cast %mul3A_59 : vector<512x512xf32> to vector<1x1x512x512xf32>
    tpu.vector_store %arg8[%swap3A_60, %swap3A_61, %swap3A_62, %swap3A_63], %swap3A_66 {strides = array<i32>} : memref<1x2x512x512xf32, #tpu.memory_space<vmem>>, vector<1x1x512x512xf32>,
    %dot_general3A_67 = arith.constant dense<0.000000e+00> : vector<512x64xf32>
    %dot_general3A_68 = tpu.matmul %exp23A_51, %slice3A_48, %dot_general3A_67 {dimension_numbers = #tpu.dot_dimension_numbers<[1], [0], [0], [1], [0, 0, 1, 1], [], []>, transpose_lhs_hint = false} : vector<512x512xf32>, vector<512x64xf32>, vector<512x64xf32> -> vector<512x64xf32>
    %mul3A_69 = vector.broadcast %div3A_57 : vector<512x1xf32> to vector<512x64xf32>
    %mul3A_70 = arith.mulf %dot_general3A_68, %mul3A_69 : vector<512x64xf32>
    %concatenate3A = tpu.concatenate %mul3A_45, %mul3A_70 in 1 : vector<512x64xf32>, vector<512x64xf32> -> vector<512x128xf32>
    %swap3A_71 = arith.constant 0 : index
    %swap3A_72 = arith.constant 0 : index
    %swap3A_73 = arith.constant 0 : index
    %swap3A_74 = vector.load %arg7[%swap3A_71, %swap3A_72, %swap3A_73] : memref<1x512x128xf32, #tpu.memory_space<vmem>>, vector<1x512x128xf32>
    %swap3A_75 = vector.shape_cast %swap3A_74 : vector<1x512x128xf32> to vector<512x128xf32>
    %swap3A_76 = vector.shape_cast %concatenate3A : vector<512x128xf32> to vector<1x512x128xf32>
    tpu.vector_store %arg7[%swap3A_71, %swap3A_72, %swap3A_73], %swap3A_76 {strides = array<i32>} : memref<1x512x128xf32, #tpu.memory_space<vmem>>, vector<1x512x128xf32>,
    return
  }
  func.func @transform_0(%arg0: i32) -> (i32, i32, i32) {
    %c0_i32 = arith.constant 0 : i32
    %c0_i32_0 = arith.constant 0 : i32
    %c0_i32_1 = arith.constant 0 : i32
    return %arg0, %c0_i32, %c0_i32_0 : i32, i32, i32
  }
  func.func @transform_1(%arg0: i32) -> (i32, i32, i32) {
    %c0_i32 = arith.constant 0 : i32
    %c0_i32_0 = arith.constant 0 : i32
    %c0_i32_1 = arith.constant 0 : i32
    return %arg0, %c0_i32, %c0_i32_0 : i32, i32, i32
  }
  func.func @transform_2(%arg0: i32) -> (i32, i32, i32) {
    %c0_i32 = arith.constant 0 : i32
    %c0_i32_0 = arith.constant 0 : i32
    %c0_i32_1 = arith.constant 0 : i32
    return %arg0, %c0_i32, %c0_i32_0 : i32, i32, i32
  }
  func.func @transform_3(%arg0: i32) -> (i32, i32) {
    %c0_i32 = arith.constant 0 : i32
    %c0_i32_0 = arith.constant 0 : i32
    %c0_i32_1 = arith.constant 0 : i32
    return %c0_i32, %c0_i32_0 : i32, i32
  }
  func.func @transform_4(%arg0: i32) -> (i32, i32) {
    %c0_i32 = arith.constant 0 : i32
    %c0_i32_0 = arith.constant 0 : i32
    %c0_i32_1 = arith.constant 0 : i32
    return %c0_i32, %c0_i32_0 : i32, i32
  }
  func.func @transform_5(%arg0: i32) -> (i32, i32) {
    %c0_i32 = arith.constant 0 : i32
    %c0_i32_0 = arith.constant 0 : i32
    %c0_i32_1 = arith.constant 0 : i32
    return %c0_i32, %c0_i32_0 : i32, i32
  }
  func.func @transform_6(%arg0: i32) -> (i32, i32, i32) {
    %c0_i32 = arith.constant 0 : i32
    %c0_i32_0 = arith.constant 0 : i32
    %c0_i32_1 = arith.constant 0 : i32
    return %arg0, %c0_i32, %c0_i32_0 : i32, i32, i32
  }
  func.func @transform_7(%arg0: i32) -> (i32, i32, i32, i32) {
    %c0_i32 = arith.constant 0 : i32
    %c0_i32_0 = arith.constant 0 : i32
    %c0_i32_1 = arith.constant 0 : i32
    %c0_i32_2 = arith.constant 0 : i32
    return %arg0, %c0_i32, %c0_i32_0, %c0_i32_1 : i32, i32, i32, i32
  }
}

module attributes {stable_mosaic.version = 14 : i64} {
  func.func @_tc_body(%arg0: i32, %arg1: memref<4x512x512xf32, #tpu.memory_space<vmem>>, %arg2: memref<4x512x128xf32, #tpu.memory_space<vmem>>, %arg3: memref<4x512x128xf32, #tpu.memory_space<vmem>>, %arg4: memref<128x512xf32, #tpu.memory_space<vmem>>, %arg5: memref<128x512xf32, #tpu.memory_space<vmem>>, %arg6: memref<128x2xf32, #tpu.memory_space<vmem>>, %arg7: memref<2x128xf32, #tpu.memory_space<vmem>>, %arg8: memref<1x512xf32, #tpu.memory_space<vmem>>, %arg9: memref<512x512xf32, #tpu.memory_space<vmem>>, %arg10: memref<512x512xf32, #tpu.memory_space<vmem>>, %arg11: memref<512x2xf32, #tpu.memory_space<vmem>>, %arg12: memref<2x512xf32, #tpu.memory_space<vmem>>, %arg13: memref<1x512xf32, #tpu.memory_space<vmem>>, %arg14: memref<512x256xf32, #tpu.memory_space<vmem>>, %arg15: memref<512x128xf32, #tpu.memory_space<vmem>>, %arg16: memref<512x2xf32, #tpu.memory_space<vmem>>, %arg17: memref<2x512xf32, #tpu.memory_space<vmem>>, %arg18: memref<1x128xf32, #tpu.memory_space<vmem>>, %arg19: memref<256x128xf32, #tpu.memory_space<vmem>>, %arg20: memref<1x128xf32, #tpu.memory_space<vmem>>, %arg21: memref<1x128xf32, #tpu.memory_space<vmem>>, %arg22: memref<4x512x128xf32, #tpu.memory_space<vmem>>) attributes {dimension_semantics = [#tpu.dimension_semantics<arbitrary>], iteration_bounds = array<i64: 4>, scalar_prefetch = 0 : i64, scratch_operands = 0 : i64, tpu.core_type = #tpu.core_type<tc>, window_params = [{transform_indices = @transform_0, window_bounds = array<i64: 4, 512, 512>}, {transform_indices = @transform_1, window_bounds = array<i64: 4, 512, 128>}, {transform_indices = @transform_2, window_bounds = array<i64: 4, 512, 128>}, {pipeline_mode = #tpu.pipeline_mode<synchronous>, transform_indices = @transform_3, window_bounds = array<i64: 128, 512>}, {pipeline_mode = #tpu.pipeline_mode<synchronous>, transform_indices = @transform_4, window_bounds = array<i64: 128, 512>}, {pipeline_mode = #tpu.pipeline_mode<synchronous>, transform_indices = @transform_5, window_bounds = array<i64: 128, 2>}, {pipeline_mode = #tpu.pipeline_mode<synchronous>, transform_indices = @transform_6, window_bounds = array<i64: 2, 128>}, {pipeline_mode = #tpu.pipeline_mode<synchronous>, transform_indices = @transform_7, window_bounds = array<i64: 1, 512>}, {pipeline_mode = #tpu.pipeline_mode<synchronous>, transform_indices = @transform_8, window_bounds = array<i64: 512, 512>}, {pipeline_mode = #tpu.pipeline_mode<synchronous>, transform_indices = @transform_9, window_bounds = array<i64: 512, 512>}, {pipeline_mode = #tpu.pipeline_mode<synchronous>, transform_indices = @transform_10, window_bounds = array<i64: 512, 2>}, {pipeline_mode = #tpu.pipeline_mode<synchronous>, transform_indices = @transform_11, window_bounds = array<i64: 2, 512>}, {pipeline_mode = #tpu.pipeline_mode<synchronous>, transform_indices = @transform_12, window_bounds = array<i64: 1, 512>}, {pipeline_mode = #tpu.pipeline_mode<synchronous>, transform_indices = @transform_13, window_bounds = array<i64: 512, 256>}, {pipeline_mode = #tpu.pipeline_mode<synchronous>, transform_indices = @transform_14, window_bounds = array<i64: 512, 128>}, {pipeline_mode = #tpu.pipeline_mode<synchronous>, transform_indices = @transform_15, window_bounds = array<i64: 512, 2>}, {pipeline_mode = #tpu.pipeline_mode<synchronous>, transform_indices = @transform_16, window_bounds = array<i64: 2, 512>}, {pipeline_mode = #tpu.pipeline_mode<synchronous>, transform_indices = @transform_17, window_bounds = array<i64: 1, 128>}, {pipeline_mode = #tpu.pipeline_mode<synchronous>, transform_indices = @transform_18, window_bounds = array<i64: 256, 128>}, {pipeline_mode = #tpu.pipeline_mode<synchronous>, transform_indices = @transform_19, window_bounds = array<i64: 1, 128>}, {pipeline_mode = #tpu.pipeline_mode<synchronous>, transform_indices = @transform_20, window_bounds = array<i64: 1, 128>}, {transform_indices = @transform_21, window_bounds = array<i64: 4, 512, 128>}]} {
    %get3A = arith.constant 0 : index
    %get3A_0 = arith.constant 0 : index
    %get3A_1 = arith.constant 0 : index
    %get3A_2 = vector.load %arg1[%get3A, %get3A_0, %get3A_1] : memref<4x512x512xf32, #tpu.memory_space<vmem>>, vector<1x512x512xf32>
    %get3A_3 = vector.shape_cast %get3A_2 : vector<1x512x512xf32> to vector<512x512xf32>
    %get3A_4 = arith.constant 0 : index
    %get3A_5 = arith.constant 0 : index
    %get3A_6 = arith.constant 0 : index
    %get3A_7 = vector.load %arg2[%get3A_4, %get3A_5, %get3A_6] : memref<4x512x128xf32, #tpu.memory_space<vmem>>, vector<1x512x128xf32>
    %get3A_8 = vector.shape_cast %get3A_7 : vector<1x512x128xf32> to vector<512x128xf32>
    %get3A_9 = arith.constant 0 : index
    %get3A_10 = arith.constant 0 : index
    %get3A_11 = arith.constant 0 : index
    %get3A_12 = vector.load %arg3[%get3A_9, %get3A_10, %get3A_11] : memref<4x512x128xf32, #tpu.memory_space<vmem>>, vector<1x512x128xf32>
    %get3A_13 = vector.shape_cast %get3A_12 : vector<1x512x128xf32> to vector<512x128xf32>
    %get3A_14 = arith.constant 0 : index
    %get3A_15 = arith.constant 0 : index
    %get3A_16 = vector.load %arg4[%get3A_14, %get3A_15] : memref<128x512xf32, #tpu.memory_space<vmem>>, vector<128x512xf32>
    %dot_general3A = arith.constant dense<0.000000e+00> : vector<512x512xf32>
    %dot_general3A_17 = tpu.matmul %get3A_8, %get3A_16, %dot_general3A {dimension_numbers = #tpu.dot_dimension_numbers<[1], [0], [0], [1], [0, 0, 1, 1], [], []>, transpose_lhs_hint = false} : vector<512x128xf32>, vector<128x512xf32>, vector<512x512xf32> -> vector<512x512xf32>
    %get3A_18 = arith.constant 0 : index
    %get3A_19 = arith.constant 0 : index
    %get3A_20 = vector.load %arg6[%get3A_18, %get3A_19] : memref<128x2xf32, #tpu.memory_space<vmem>>, vector<128x2xf32>
    %dot_general3A_21 = arith.constant dense<0.000000e+00> : vector<512x2xf32>
    %dot_general3A_22 = tpu.matmul %get3A_8, %get3A_20, %dot_general3A_21 {dimension_numbers = #tpu.dot_dimension_numbers<[1], [0], [0], [1], [0, 0, 1, 1], [], []>, transpose_lhs_hint = false} : vector<512x128xf32>, vector<128x2xf32>, vector<512x2xf32> -> vector<512x2xf32>
    %get3A_23 = arith.constant 0 : index
    %get3A_24 = arith.constant 0 : index
    %get3A_25 = vector.load %arg7[%get3A_23, %get3A_24] : memref<2x128xf32, #tpu.memory_space<vmem>>, vector<2x128xf32>
    %dot_general3A_26 = arith.constant dense<0.000000e+00> : vector<2x512xf32>
    %dot_general3A_27 = tpu.matmul %get3A_25, %get3A_8, %dot_general3A_26 {dimension_numbers = #tpu.dot_dimension_numbers<[1], [1], [0], [0], [0, 0, 1, 0], [], []>, transpose_lhs_hint = false} : vector<2x128xf32>, vector<512x128xf32>, vector<2x512xf32> -> vector<2x512xf32>
    %slice3A = vector.extract_strided_slice %dot_general3A_17 {offsets = [0, 0], sizes = [512, 256], strides = [1, 1]} : vector<512x512xf32> to vector<512x256xf32>
    %slice3A_28 = vector.extract_strided_slice %dot_general3A_27 {offsets = [0, 0], sizes = [1, 512], strides = [1, 1]} : vector<2x512xf32> to vector<1x512xf32>
    %slice3A_29 = vector.extract_strided_slice %dot_general3A_22 {offsets = [0, 0], sizes = [512, 1], strides = [1, 1]} : vector<512x2xf32> to vector<512x1xf32>
    %add3A = vector.broadcast %slice3A_29 : vector<512x1xf32> to vector<512x512xf32>
    %add3A_30 = vector.broadcast %slice3A_28 : vector<1x512xf32> to vector<512x512xf32>
    %add3A_31 = arith.addf %add3A, %add3A_30 : vector<512x512xf32>
    %mul3A = arith.constant 2.000000e-01 : f32
    %mul3A_32 = vector.broadcast %mul3A : f32 to vector<512x512xf32>
    %mul3A_33 = arith.mulf %mul3A_32, %add3A_31 : vector<512x512xf32>
    %max3A = arith.maximumf %add3A_31, %mul3A_33 : vector<512x512xf32>
    %exp23A = math.exp2 %max3A : vector<512x512xf32>
    %mul3A_34 = arith.mulf %get3A_3, %exp23A : vector<512x512xf32>
    %reduce_sum3A = arith.constant dense<0.000000e+00> : vector<512xf32>
    %reduce_sum3A_35 = vector.multi_reduction <add>, %mul3A_34, %reduce_sum3A [1] : vector<512x512xf32> to vector<512xf32>
    %broadcast_in_dim3A = vector.shape_cast %reduce_sum3A_35 : vector<512xf32> to vector<512x1xf32>
    %dot_general3A_36 = arith.constant dense<0.000000e+00> : vector<512x256xf32>
    %dot_general3A_37 = tpu.matmul %mul3A_34, %slice3A, %dot_general3A_36 {dimension_numbers = #tpu.dot_dimension_numbers<[1], [0], [0], [1], [0, 0, 1, 1], [], []>, transpose_lhs_hint = false} : vector<512x512xf32>, vector<512x256xf32>, vector<512x256xf32> -> vector<512x256xf32>
    %add3A_38 = arith.constant 1.000000e-16 : f32
    %add3A_39 = vector.broadcast %add3A_38 : f32 to vector<512x1xf32>
    %add3A_40 = arith.addf %broadcast_in_dim3A, %add3A_39 : vector<512x1xf32>
    %div3A = arith.constant 1.000000e+00 : f32
    %div3A_41 = vector.broadcast %div3A : f32 to vector<512x1xf32>
    %div3A_42 = arith.divf %div3A_41, %add3A_40 : vector<512x1xf32>
    %mul3A_43 = vector.broadcast %div3A_42 : vector<512x1xf32> to vector<512x256xf32>
    %mul3A_44 = arith.mulf %dot_general3A_37, %mul3A_43 : vector<512x256xf32>
    %slice3A_45 = vector.extract_strided_slice %dot_general3A_17 {offsets = [0, 256], sizes = [512, 256], strides = [1, 1]} : vector<512x512xf32> to vector<512x256xf32>
    %slice3A_46 = vector.extract_strided_slice %dot_general3A_27 {offsets = [1, 0], sizes = [1, 512], strides = [1, 1]} : vector<2x512xf32> to vector<1x512xf32>
    %slice3A_47 = vector.extract_strided_slice %dot_general3A_22 {offsets = [0, 1], sizes = [512, 1], strides = [1, 1]} : vector<512x2xf32> to vector<512x1xf32>
    %add3A_48 = vector.broadcast %slice3A_47 : vector<512x1xf32> to vector<512x512xf32>
    %add3A_49 = vector.broadcast %slice3A_46 : vector<1x512xf32> to vector<512x512xf32>
    %add3A_50 = arith.addf %add3A_48, %add3A_49 : vector<512x512xf32>
    %mul3A_51 = arith.constant 2.000000e-01 : f32
    %mul3A_52 = vector.broadcast %mul3A_51 : f32 to vector<512x512xf32>
    %mul3A_53 = arith.mulf %mul3A_52, %add3A_50 : vector<512x512xf32>
    %max3A_54 = arith.maximumf %add3A_50, %mul3A_53 : vector<512x512xf32>
    %exp23A_55 = math.exp2 %max3A_54 : vector<512x512xf32>
    %mul3A_56 = arith.mulf %get3A_3, %exp23A_55 : vector<512x512xf32>
    %reduce_sum3A_57 = arith.constant dense<0.000000e+00> : vector<512xf32>
    %reduce_sum3A_58 = vector.multi_reduction <add>, %mul3A_56, %reduce_sum3A_57 [1] : vector<512x512xf32> to vector<512xf32>
    %broadcast_in_dim3A_59 = vector.shape_cast %reduce_sum3A_58 : vector<512xf32> to vector<512x1xf32>
    %dot_general3A_60 = arith.constant dense<0.000000e+00> : vector<512x256xf32>
    %dot_general3A_61 = tpu.matmul %mul3A_56, %slice3A_45, %dot_general3A_60 {dimension_numbers = #tpu.dot_dimension_numbers<[1], [0], [0], [1], [0, 0, 1, 1], [], []>, transpose_lhs_hint = false} : vector<512x512xf32>, vector<512x256xf32>, vector<512x256xf32> -> vector<512x256xf32>
    %add3A_62 = arith.constant 1.000000e-16 : f32
    %add3A_63 = vector.broadcast %add3A_62 : f32 to vector<512x1xf32>
    %add3A_64 = arith.addf %broadcast_in_dim3A_59, %add3A_63 : vector<512x1xf32>
    %div3A_65 = arith.constant 1.000000e+00 : f32
    %div3A_66 = vector.broadcast %div3A_65 : f32 to vector<512x1xf32>
    %div3A_67 = arith.divf %div3A_66, %add3A_64 : vector<512x1xf32>
    %mul3A_68 = vector.broadcast %div3A_67 : vector<512x1xf32> to vector<512x256xf32>
    %mul3A_69 = arith.mulf %dot_general3A_61, %mul3A_68 : vector<512x256xf32>
    %concatenate3A = tpu.concatenate %mul3A_44, %mul3A_69 in 1 : vector<512x256xf32>, vector<512x256xf32> -> vector<512x512xf32>
    %get3A_70 = arith.constant 0 : index
    %get3A_71 = arith.constant 0 : index
    %get3A_72 = vector.load %arg5[%get3A_70, %get3A_71] : memref<128x512xf32, #tpu.memory_space<vmem>>, vector<128x512xf32>
    %dot_general3A_73 = arith.constant dense<0.000000e+00> : vector<512x512xf32>
    %dot_general3A_74 = tpu.matmul %get3A_8, %get3A_72, %dot_general3A_73 {dimension_numbers = #tpu.dot_dimension_numbers<[1], [0], [0], [1], [0, 0, 1, 1], [], []>, transpose_lhs_hint = false} : vector<512x128xf32>, vector<128x512xf32>, vector<512x512xf32> -> vector<512x512xf32>
    %add3A_75 = arith.addf %concatenate3A, %dot_general3A_74 : vector<512x512xf32>
    %get3A_76 = arith.constant 0 : index
    %get3A_77 = arith.constant 0 : index
    %get3A_78 = vector.load %arg8[%get3A_76, %get3A_77] : memref<1x512xf32, #tpu.memory_space<vmem>>, vector<1x512xf32>
    %add3A_79 = vector.broadcast %get3A_78 : vector<1x512xf32> to vector<512x512xf32>
    %add3A_80 = arith.addf %add3A_75, %add3A_79 : vector<512x512xf32>
    %gt3A = arith.constant 0.000000e+00 : f32
    %gt3A_81 = vector.broadcast %gt3A : f32 to vector<512x512xf32>
    %gt3A_82 = arith.cmpf ogt, %add3A_80, %gt3A_81 : vector<512x512xf32>
    %exp3A = math.exp %add3A_80 : vector<512x512xf32>
    %sub3A = arith.constant 1.000000e+00 : f32
    %sub3A_83 = vector.broadcast %sub3A : f32 to vector<512x512xf32>
    %sub3A_84 = arith.subf %exp3A, %sub3A_83 : vector<512x512xf32>
    %select_n3A = arith.select %gt3A_82, %add3A_80, %sub3A_84 : vector<512x512xi1>, vector<512x512xf32>
    %get3A_85 = arith.constant 0 : index
    %get3A_86 = arith.constant 0 : index
    %get3A_87 = vector.load %arg9[%get3A_85, %get3A_86] : memref<512x512xf32, #tpu.memory_space<vmem>>, vector<512x512xf32>
    %dot_general3A_88 = arith.constant dense<0.000000e+00> : vector<512x512xf32>
    %dot_general3A_89 = tpu.matmul %select_n3A, %get3A_87, %dot_general3A_88 {dimension_numbers = #tpu.dot_dimension_numbers<[1], [0], [0], [1], [0, 0, 1, 1], [], []>, transpose_lhs_hint = false} : vector<512x512xf32>, vector<512x512xf32>, vector<512x512xf32> -> vector<512x512xf32>
    %get3A_90 = arith.constant 0 : index
    %get3A_91 = arith.constant 0 : index
    %get3A_92 = vector.load %arg11[%get3A_90, %get3A_91] : memref<512x2xf32, #tpu.memory_space<vmem>>, vector<512x2xf32>
    %dot_general3A_93 = arith.constant dense<0.000000e+00> : vector<512x2xf32>
    %dot_general3A_94 = tpu.matmul %select_n3A, %get3A_92, %dot_general3A_93 {dimension_numbers = #tpu.dot_dimension_numbers<[1], [0], [0], [1], [0, 0, 1, 1], [], []>, transpose_lhs_hint = false} : vector<512x512xf32>, vector<512x2xf32>, vector<512x2xf32> -> vector<512x2xf32>
    %get3A_95 = arith.constant 0 : index
    %get3A_96 = arith.constant 0 : index
    %get3A_97 = vector.load %arg12[%get3A_95, %get3A_96] : memref<2x512xf32, #tpu.memory_space<vmem>>, vector<2x512xf32>
    %dot_general3A_98 = arith.constant dense<0.000000e+00> : vector<2x512xf32>
    %dot_general3A_99 = tpu.matmul %get3A_97, %select_n3A, %dot_general3A_98 {dimension_numbers = #tpu.dot_dimension_numbers<[1], [1], [0], [0], [0, 0, 1, 0], [], []>, transpose_lhs_hint = false} : vector<2x512xf32>, vector<512x512xf32>, vector<2x512xf32> -> vector<2x512xf32>
    %slice3A_100 = vector.extract_strided_slice %dot_general3A_89 {offsets = [0, 0], sizes = [512, 256], strides = [1, 1]} : vector<512x512xf32> to vector<512x256xf32>
    %slice3A_101 = vector.extract_strided_slice %dot_general3A_99 {offsets = [0, 0], sizes = [1, 512], strides = [1, 1]} : vector<2x512xf32> to vector<1x512xf32>
    %slice3A_102 = vector.extract_strided_slice %dot_general3A_94 {offsets = [0, 0], sizes = [512, 1], strides = [1, 1]} : vector<512x2xf32> to vector<512x1xf32>
    %add3A_103 = vector.broadcast %slice3A_102 : vector<512x1xf32> to vector<512x512xf32>
    %add3A_104 = vector.broadcast %slice3A_101 : vector<1x512xf32> to vector<512x512xf32>
    %add3A_105 = arith.addf %add3A_103, %add3A_104 : vector<512x512xf32>
    %mul3A_106 = arith.constant 2.000000e-01 : f32
    %mul3A_107 = vector.broadcast %mul3A_106 : f32 to vector<512x512xf32>
    %mul3A_108 = arith.mulf %mul3A_107, %add3A_105 : vector<512x512xf32>
    %max3A_109 = arith.maximumf %add3A_105, %mul3A_108 : vector<512x512xf32>
    %exp23A_110 = math.exp2 %max3A_109 : vector<512x512xf32>
    %mul3A_111 = arith.mulf %get3A_3, %exp23A_110 : vector<512x512xf32>
    %reduce_sum3A_112 = arith.constant dense<0.000000e+00> : vector<512xf32>
    %reduce_sum3A_113 = vector.multi_reduction <add>, %mul3A_111, %reduce_sum3A_112 [1] : vector<512x512xf32> to vector<512xf32>
    %broadcast_in_dim3A_114 = vector.shape_cast %reduce_sum3A_113 : vector<512xf32> to vector<512x1xf32>
    %dot_general3A_115 = arith.constant dense<0.000000e+00> : vector<512x256xf32>
    %dot_general3A_116 = tpu.matmul %mul3A_111, %slice3A_100, %dot_general3A_115 {dimension_numbers = #tpu.dot_dimension_numbers<[1], [0], [0], [1], [0, 0, 1, 1], [], []>, transpose_lhs_hint = false} : vector<512x512xf32>, vector<512x256xf32>, vector<512x256xf32> -> vector<512x256xf32>
    %add3A_117 = arith.constant 1.000000e-16 : f32
    %add3A_118 = vector.broadcast %add3A_117 : f32 to vector<512x1xf32>
    %add3A_119 = arith.addf %broadcast_in_dim3A_114, %add3A_118 : vector<512x1xf32>
    %div3A_120 = arith.constant 1.000000e+00 : f32
    %div3A_121 = vector.broadcast %div3A_120 : f32 to vector<512x1xf32>
    %div3A_122 = arith.divf %div3A_121, %add3A_119 : vector<512x1xf32>
    %mul3A_123 = vector.broadcast %div3A_122 : vector<512x1xf32> to vector<512x256xf32>
    %mul3A_124 = arith.mulf %dot_general3A_116, %mul3A_123 : vector<512x256xf32>
    %slice3A_125 = vector.extract_strided_slice %dot_general3A_89 {offsets = [0, 256], sizes = [512, 256], strides = [1, 1]} : vector<512x512xf32> to vector<512x256xf32>
    %slice3A_126 = vector.extract_strided_slice %dot_general3A_99 {offsets = [1, 0], sizes = [1, 512], strides = [1, 1]} : vector<2x512xf32> to vector<1x512xf32>
    %slice3A_127 = vector.extract_strided_slice %dot_general3A_94 {offsets = [0, 1], sizes = [512, 1], strides = [1, 1]} : vector<512x2xf32> to vector<512x1xf32>
    %add3A_128 = vector.broadcast %slice3A_127 : vector<512x1xf32> to vector<512x512xf32>
    %add3A_129 = vector.broadcast %slice3A_126 : vector<1x512xf32> to vector<512x512xf32>
    %add3A_130 = arith.addf %add3A_128, %add3A_129 : vector<512x512xf32>
    %mul3A_131 = arith.constant 2.000000e-01 : f32
    %mul3A_132 = vector.broadcast %mul3A_131 : f32 to vector<512x512xf32>
    %mul3A_133 = arith.mulf %mul3A_132, %add3A_130 : vector<512x512xf32>
    %max3A_134 = arith.maximumf %add3A_130, %mul3A_133 : vector<512x512xf32>
    %exp23A_135 = math.exp2 %max3A_134 : vector<512x512xf32>
    %mul3A_136 = arith.mulf %get3A_3, %exp23A_135 : vector<512x512xf32>
    %reduce_sum3A_137 = arith.constant dense<0.000000e+00> : vector<512xf32>
    %reduce_sum3A_138 = vector.multi_reduction <add>, %mul3A_136, %reduce_sum3A_137 [1] : vector<512x512xf32> to vector<512xf32>
    %broadcast_in_dim3A_139 = vector.shape_cast %reduce_sum3A_138 : vector<512xf32> to vector<512x1xf32>
    %dot_general3A_140 = arith.constant dense<0.000000e+00> : vector<512x256xf32>
    %dot_general3A_141 = tpu.matmul %mul3A_136, %slice3A_125, %dot_general3A_140 {dimension_numbers = #tpu.dot_dimension_numbers<[1], [0], [0], [1], [0, 0, 1, 1], [], []>, transpose_lhs_hint = false} : vector<512x512xf32>, vector<512x256xf32>, vector<512x256xf32> -> vector<512x256xf32>
    %add3A_142 = arith.constant 1.000000e-16 : f32
    %add3A_143 = vector.broadcast %add3A_142 : f32 to vector<512x1xf32>
    %add3A_144 = arith.addf %broadcast_in_dim3A_139, %add3A_143 : vector<512x1xf32>
    %div3A_145 = arith.constant 1.000000e+00 : f32
    %div3A_146 = vector.broadcast %div3A_145 : f32 to vector<512x1xf32>
    %div3A_147 = arith.divf %div3A_146, %add3A_144 : vector<512x1xf32>
    %mul3A_148 = vector.broadcast %div3A_147 : vector<512x1xf32> to vector<512x256xf32>
    %mul3A_149 = arith.mulf %dot_general3A_141, %mul3A_148 : vector<512x256xf32>
    %concatenate3A_150 = tpu.concatenate %mul3A_124, %mul3A_149 in 1 : vector<512x256xf32>, vector<512x256xf32> -> vector<512x512xf32>
    %get3A_151 = arith.constant 0 : index
    %get3A_152 = arith.constant 0 : index
    %get3A_153 = vector.load %arg10[%get3A_151, %get3A_152] : memref<512x512xf32, #tpu.memory_space<vmem>>, vector<512x512xf32>
    %dot_general3A_154 = arith.constant dense<0.000000e+00> : vector<512x512xf32>
    %dot_general3A_155 = tpu.matmul %select_n3A, %get3A_153, %dot_general3A_154 {dimension_numbers = #tpu.dot_dimension_numbers<[1], [0], [0], [1], [0, 0, 1, 1], [], []>, transpose_lhs_hint = false} : vector<512x512xf32>, vector<512x512xf32>, vector<512x512xf32> -> vector<512x512xf32>
    %add3A_156 = arith.addf %concatenate3A_150, %dot_general3A_155 : vector<512x512xf32>
    %get3A_157 = arith.constant 0 : index
    %get3A_158 = arith.constant 0 : index
    %get3A_159 = vector.load %arg13[%get3A_157, %get3A_158] : memref<1x512xf32, #tpu.memory_space<vmem>>, vector<1x512xf32>
    %add3A_160 = vector.broadcast %get3A_159 : vector<1x512xf32> to vector<512x512xf32>
    %add3A_161 = arith.addf %add3A_156, %add3A_160 : vector<512x512xf32>
    %gt3A_162 = arith.constant 0.000000e+00 : f32
    %gt3A_163 = vector.broadcast %gt3A_162 : f32 to vector<512x512xf32>
    %gt3A_164 = arith.cmpf ogt, %add3A_161, %gt3A_163 : vector<512x512xf32>
    %exp3A_165 = math.exp %add3A_161 : vector<512x512xf32>
    %sub3A_166 = arith.constant 1.000000e+00 : f32
    %sub3A_167 = vector.broadcast %sub3A_166 : f32 to vector<512x512xf32>
    %sub3A_168 = arith.subf %exp3A_165, %sub3A_167 : vector<512x512xf32>
    %select_n3A_169 = arith.select %gt3A_164, %add3A_161, %sub3A_168 : vector<512x512xi1>, vector<512x512xf32>
    %get3A_170 = arith.constant 0 : index
    %get3A_171 = arith.constant 0 : index
    %get3A_172 = vector.load %arg14[%get3A_170, %get3A_171] : memref<512x256xf32, #tpu.memory_space<vmem>>, vector<512x256xf32>
    %dot_general3A_173 = arith.constant dense<0.000000e+00> : vector<512x256xf32>
    %dot_general3A_174 = tpu.matmul %select_n3A_169, %get3A_172, %dot_general3A_173 {dimension_numbers = #tpu.dot_dimension_numbers<[1], [0], [0], [1], [0, 0, 1, 1], [], []>, transpose_lhs_hint = false} : vector<512x512xf32>, vector<512x256xf32>, vector<512x256xf32> -> vector<512x256xf32>
    %get3A_175 = arith.constant 0 : index
    %get3A_176 = arith.constant 0 : index
    %get3A_177 = vector.load %arg16[%get3A_175, %get3A_176] : memref<512x2xf32, #tpu.memory_space<vmem>>, vector<512x2xf32>
    %dot_general3A_178 = arith.constant dense<0.000000e+00> : vector<512x2xf32>
    %dot_general3A_179 = tpu.matmul %select_n3A_169, %get3A_177, %dot_general3A_178 {dimension_numbers = #tpu.dot_dimension_numbers<[1], [0], [0], [1], [0, 0, 1, 1], [], []>, transpose_lhs_hint = false} : vector<512x512xf32>, vector<512x2xf32>, vector<512x2xf32> -> vector<512x2xf32>
    %get3A_180 = arith.constant 0 : index
    %get3A_181 = arith.constant 0 : index
    %get3A_182 = vector.load %arg17[%get3A_180, %get3A_181] : memref<2x512xf32, #tpu.memory_space<vmem>>, vector<2x512xf32>
    %dot_general3A_183 = arith.constant dense<0.000000e+00> : vector<2x512xf32>
    %dot_general3A_184 = tpu.matmul %get3A_182, %select_n3A_169, %dot_general3A_183 {dimension_numbers = #tpu.dot_dimension_numbers<[1], [1], [0], [0], [0, 0, 1, 0], [], []>, transpose_lhs_hint = false} : vector<2x512xf32>, vector<512x512xf32>, vector<2x512xf32> -> vector<2x512xf32>
    %slice3A_185 = vector.extract_strided_slice %dot_general3A_174 {offsets = [0, 0], sizes = [512, 128], strides = [1, 1]} : vector<512x256xf32> to vector<512x128xf32>
    %slice3A_186 = vector.extract_strided_slice %dot_general3A_184 {offsets = [0, 0], sizes = [1, 512], strides = [1, 1]} : vector<2x512xf32> to vector<1x512xf32>
    %slice3A_187 = vector.extract_strided_slice %dot_general3A_179 {offsets = [0, 0], sizes = [512, 1], strides = [1, 1]} : vector<512x2xf32> to vector<512x1xf32>
    %add3A_188 = vector.broadcast %slice3A_187 : vector<512x1xf32> to vector<512x512xf32>
    %add3A_189 = vector.broadcast %slice3A_186 : vector<1x512xf32> to vector<512x512xf32>
    %add3A_190 = arith.addf %add3A_188, %add3A_189 : vector<512x512xf32>
    %mul3A_191 = arith.constant 2.000000e-01 : f32
    %mul3A_192 = vector.broadcast %mul3A_191 : f32 to vector<512x512xf32>
    %mul3A_193 = arith.mulf %mul3A_192, %add3A_190 : vector<512x512xf32>
    %max3A_194 = arith.maximumf %add3A_190, %mul3A_193 : vector<512x512xf32>
    %exp23A_195 = math.exp2 %max3A_194 : vector<512x512xf32>
    %mul3A_196 = arith.mulf %get3A_3, %exp23A_195 : vector<512x512xf32>
    %reduce_sum3A_197 = arith.constant dense<0.000000e+00> : vector<512xf32>
    %reduce_sum3A_198 = vector.multi_reduction <add>, %mul3A_196, %reduce_sum3A_197 [1] : vector<512x512xf32> to vector<512xf32>
    %broadcast_in_dim3A_199 = vector.shape_cast %reduce_sum3A_198 : vector<512xf32> to vector<512x1xf32>
    %dot_general3A_200 = arith.constant dense<0.000000e+00> : vector<512x128xf32>
    %dot_general3A_201 = tpu.matmul %mul3A_196, %slice3A_185, %dot_general3A_200 {dimension_numbers = #tpu.dot_dimension_numbers<[1], [0], [0], [1], [0, 0, 1, 1], [], []>, transpose_lhs_hint = false} : vector<512x512xf32>, vector<512x128xf32>, vector<512x128xf32> -> vector<512x128xf32>
    %add3A_202 = arith.constant 1.000000e-16 : f32
    %add3A_203 = vector.broadcast %add3A_202 : f32 to vector<512x1xf32>
    %add3A_204 = arith.addf %broadcast_in_dim3A_199, %add3A_203 : vector<512x1xf32>
    %div3A_205 = arith.constant 1.000000e+00 : f32
    %div3A_206 = vector.broadcast %div3A_205 : f32 to vector<512x1xf32>
    %div3A_207 = arith.divf %div3A_206, %add3A_204 : vector<512x1xf32>
    %mul3A_208 = vector.broadcast %div3A_207 : vector<512x1xf32> to vector<512x128xf32>
    %mul3A_209 = arith.mulf %dot_general3A_201, %mul3A_208 : vector<512x128xf32>
    %slice3A_210 = vector.extract_strided_slice %dot_general3A_174 {offsets = [0, 128], sizes = [512, 128], strides = [1, 1]} : vector<512x256xf32> to vector<512x128xf32>
    %slice3A_211 = vector.extract_strided_slice %dot_general3A_184 {offsets = [1, 0], sizes = [1, 512], strides = [1, 1]} : vector<2x512xf32> to vector<1x512xf32>
    %slice3A_212 = vector.extract_strided_slice %dot_general3A_179 {offsets = [0, 1], sizes = [512, 1], strides = [1, 1]} : vector<512x2xf32> to vector<512x1xf32>
    %add3A_213 = vector.broadcast %slice3A_212 : vector<512x1xf32> to vector<512x512xf32>
    %add3A_214 = vector.broadcast %slice3A_211 : vector<1x512xf32> to vector<512x512xf32>
    %add3A_215 = arith.addf %add3A_213, %add3A_214 : vector<512x512xf32>
    %mul3A_216 = arith.constant 2.000000e-01 : f32
    %mul3A_217 = vector.broadcast %mul3A_216 : f32 to vector<512x512xf32>
    %mul3A_218 = arith.mulf %mul3A_217, %add3A_215 : vector<512x512xf32>
    %max3A_219 = arith.maximumf %add3A_215, %mul3A_218 : vector<512x512xf32>
    %exp23A_220 = math.exp2 %max3A_219 : vector<512x512xf32>
    %mul3A_221 = arith.mulf %get3A_3, %exp23A_220 : vector<512x512xf32>
    %reduce_sum3A_222 = arith.constant dense<0.000000e+00> : vector<512xf32>
    %reduce_sum3A_223 = vector.multi_reduction <add>, %mul3A_221, %reduce_sum3A_222 [1] : vector<512x512xf32> to vector<512xf32>
    %broadcast_in_dim3A_224 = vector.shape_cast %reduce_sum3A_223 : vector<512xf32> to vector<512x1xf32>
    %dot_general3A_225 = arith.constant dense<0.000000e+00> : vector<512x128xf32>
    %dot_general3A_226 = tpu.matmul %mul3A_221, %slice3A_210, %dot_general3A_225 {dimension_numbers = #tpu.dot_dimension_numbers<[1], [0], [0], [1], [0, 0, 1, 1], [], []>, transpose_lhs_hint = false} : vector<512x512xf32>, vector<512x128xf32>, vector<512x128xf32> -> vector<512x128xf32>
    %add3A_227 = arith.constant 1.000000e-16 : f32
    %add3A_228 = vector.broadcast %add3A_227 : f32 to vector<512x1xf32>
    %add3A_229 = arith.addf %broadcast_in_dim3A_224, %add3A_228 : vector<512x1xf32>
    %div3A_230 = arith.constant 1.000000e+00 : f32
    %div3A_231 = vector.broadcast %div3A_230 : f32 to vector<512x1xf32>
    %div3A_232 = arith.divf %div3A_231, %add3A_229 : vector<512x1xf32>
    %mul3A_233 = vector.broadcast %div3A_232 : vector<512x1xf32> to vector<512x128xf32>
    %mul3A_234 = arith.mulf %dot_general3A_226, %mul3A_233 : vector<512x128xf32>
    %add3A_235 = arith.addf %mul3A_209, %mul3A_234 : vector<512x128xf32>
    %mul3A_236 = arith.constant 5.000000e-01 : f32
    %mul3A_237 = vector.broadcast %mul3A_236 : f32 to vector<512x128xf32>
    %mul3A_238 = arith.mulf %add3A_235, %mul3A_237 : vector<512x128xf32>
    %get3A_239 = arith.constant 0 : index
    %get3A_240 = arith.constant 0 : index
    %get3A_241 = vector.load %arg15[%get3A_239, %get3A_240] : memref<512x128xf32, #tpu.memory_space<vmem>>, vector<512x128xf32>
    %dot_general3A_242 = arith.constant dense<0.000000e+00> : vector<512x128xf32>
    %dot_general3A_243 = tpu.matmul %select_n3A_169, %get3A_241, %dot_general3A_242 {dimension_numbers = #tpu.dot_dimension_numbers<[1], [0], [0], [1], [0, 0, 1, 1], [], []>, transpose_lhs_hint = false} : vector<512x512xf32>, vector<512x128xf32>, vector<512x128xf32> -> vector<512x128xf32>
    %add3A_244 = arith.addf %mul3A_238, %dot_general3A_243 : vector<512x128xf32>
    %get3A_245 = arith.constant 0 : index
    %get3A_246 = arith.constant 0 : index
    %get3A_247 = vector.load %arg18[%get3A_245, %get3A_246] : memref<1x128xf32, #tpu.memory_space<vmem>>, vector<1x128xf32>
    %add3A_248 = vector.broadcast %get3A_247 : vector<1x128xf32> to vector<512x128xf32>
    %add3A_249 = arith.addf %add3A_244, %add3A_248 : vector<512x128xf32>
    %get3A_250 = arith.constant 0 : index
    %get3A_251 = arith.constant 0 : index
    %get3A_252 = vector.load %arg19[%get3A_250, %get3A_251] : memref<256x128xf32, #tpu.memory_space<vmem>>, vector<256x128xf32>
    %slice3A_253 = vector.extract_strided_slice %get3A_252 {offsets = [0, 0], sizes = [128, 128], strides = [1, 1]} : vector<256x128xf32> to vector<128x128xf32>
    %dot_general3A_254 = arith.constant dense<0.000000e+00> : vector<512x128xf32>
    %dot_general3A_255 = tpu.matmul %add3A_249, %slice3A_253, %dot_general3A_254 {dimension_numbers = #tpu.dot_dimension_numbers<[1], [0], [0], [1], [0, 0, 1, 1], [], []>, transpose_lhs_hint = false} : vector<512x128xf32>, vector<128x128xf32>, vector<512x128xf32> -> vector<512x128xf32>
    %slice3A_256 = vector.extract_strided_slice %get3A_252 {offsets = [128, 0], sizes = [128, 128], strides = [1, 1]} : vector<256x128xf32> to vector<128x128xf32>
    %dot_general3A_257 = arith.constant dense<0.000000e+00> : vector<512x128xf32>
    %dot_general3A_258 = tpu.matmul %get3A_13, %slice3A_256, %dot_general3A_257 {dimension_numbers = #tpu.dot_dimension_numbers<[1], [0], [0], [1], [0, 0, 1, 1], [], []>, transpose_lhs_hint = false} : vector<512x128xf32>, vector<128x128xf32>, vector<512x128xf32> -> vector<512x128xf32>
    %add3A_259 = arith.addf %dot_general3A_255, %dot_general3A_258 : vector<512x128xf32>
    %add3A_260 = arith.addf %add3A_259, %get3A_8 : vector<512x128xf32>
    %reduce_sum3A_261 = arith.constant dense<0.000000e+00> : vector<512xf32>
    %reduce_sum3A_262 = vector.multi_reduction <add>, %add3A_260, %reduce_sum3A_261 [1] : vector<512x128xf32> to vector<512xf32>
    %broadcast_in_dim3A_263 = vector.shape_cast %reduce_sum3A_262 : vector<512xf32> to vector<512x1xf32>
    %div3A_264 = arith.constant 1.280000e+02 : f32
    %div3A_265 = vector.broadcast %div3A_264 : f32 to vector<512x1xf32>
    %div3A_266 = arith.divf %broadcast_in_dim3A_263, %div3A_265 : vector<512x1xf32>
    %sub3A_267 = vector.broadcast %div3A_266 : vector<512x1xf32> to vector<512x128xf32>
    %sub3A_268 = arith.subf %add3A_260, %sub3A_267 : vector<512x128xf32>
    %mul3A_269 = arith.mulf %sub3A_268, %sub3A_268 : vector<512x128xf32>
    %reduce_sum3A_270 = arith.constant dense<0.000000e+00> : vector<512xf32>
    %reduce_sum3A_271 = vector.multi_reduction <add>, %mul3A_269, %reduce_sum3A_270 [1] : vector<512x128xf32> to vector<512xf32>
    %broadcast_in_dim3A_272 = vector.shape_cast %reduce_sum3A_271 : vector<512xf32> to vector<512x1xf32>
    %div3A_273 = arith.constant 1.280000e+02 : f32
    %div3A_274 = vector.broadcast %div3A_273 : f32 to vector<512x1xf32>
    %div3A_275 = arith.divf %broadcast_in_dim3A_272, %div3A_274 : vector<512x1xf32>
    %add3A_276 = arith.constant 9.99999997E-7 : f32
    %add3A_277 = vector.broadcast %add3A_276 : f32 to vector<512x1xf32>
    %add3A_278 = arith.addf %div3A_275, %add3A_277 : vector<512x1xf32>
    %rsqrt3A = math.rsqrt %add3A_278 : vector<512x1xf32>
    %mul3A_279 = vector.broadcast %rsqrt3A : vector<512x1xf32> to vector<512x128xf32>
    %mul3A_280 = arith.mulf %sub3A_268, %mul3A_279 : vector<512x128xf32>
    %get3A_281 = arith.constant 0 : index
    %get3A_282 = arith.constant 0 : index
    %get3A_283 = vector.load %arg20[%get3A_281, %get3A_282] : memref<1x128xf32, #tpu.memory_space<vmem>>, vector<1x128xf32>
    %mul3A_284 = vector.broadcast %get3A_283 : vector<1x128xf32> to vector<512x128xf32>
    %mul3A_285 = arith.mulf %mul3A_280, %mul3A_284 : vector<512x128xf32>
    %get3A_286 = arith.constant 0 : index
    %get3A_287 = arith.constant 0 : index
    %get3A_288 = vector.load %arg21[%get3A_286, %get3A_287] : memref<1x128xf32, #tpu.memory_space<vmem>>, vector<1x128xf32>
    %add3A_289 = vector.broadcast %get3A_288 : vector<1x128xf32> to vector<512x128xf32>
    %add3A_290 = arith.addf %mul3A_285, %add3A_289 : vector<512x128xf32>
    %swap3A = arith.constant 0 : index
    %swap3A_291 = arith.constant 0 : index
    %swap3A_292 = arith.constant 0 : index
    %swap3A_293 = vector.load %arg22[%swap3A, %swap3A_291, %swap3A_292] : memref<4x512x128xf32, #tpu.memory_space<vmem>>, vector<1x512x128xf32>
    %swap3A_294 = vector.shape_cast %swap3A_293 : vector<1x512x128xf32> to vector<512x128xf32>
    %swap3A_295 = vector.shape_cast %add3A_290 : vector<512x128xf32> to vector<1x512x128xf32>
    tpu.vector_store %arg22[%swap3A, %swap3A_291, %swap3A_292], %swap3A_295 {strides = array<i32>} : memref<4x512x128xf32, #tpu.memory_space<vmem>>, vector<1x512x128xf32>,
    %get3A_296 = arith.constant 1 : index
    %get3A_297 = arith.constant 0 : index
    %get3A_298 = arith.constant 0 : index
    %get3A_299 = vector.load %arg1[%get3A_296, %get3A_297, %get3A_298] : memref<4x512x512xf32, #tpu.memory_space<vmem>>, vector<1x512x512xf32>
    %get3A_300 = vector.shape_cast %get3A_299 : vector<1x512x512xf32> to vector<512x512xf32>
    %get3A_301 = arith.constant 1 : index
    %get3A_302 = arith.constant 0 : index
    %get3A_303 = arith.constant 0 : index
    %get3A_304 = vector.load %arg2[%get3A_301, %get3A_302, %get3A_303] : memref<4x512x128xf32, #tpu.memory_space<vmem>>, vector<1x512x128xf32>
    %get3A_305 = vector.shape_cast %get3A_304 : vector<1x512x128xf32> to vector<512x128xf32>
    %get3A_306 = arith.constant 1 : index
    %get3A_307 = arith.constant 0 : index
    %get3A_308 = arith.constant 0 : index
    %get3A_309 = vector.load %arg3[%get3A_306, %get3A_307, %get3A_308] : memref<4x512x128xf32, #tpu.memory_space<vmem>>, vector<1x512x128xf32>
    %get3A_310 = vector.shape_cast %get3A_309 : vector<1x512x128xf32> to vector<512x128xf32>
    %get3A_311 = arith.constant 0 : index
    %get3A_312 = arith.constant 0 : index
    %get3A_313 = vector.load %arg4[%get3A_311, %get3A_312] : memref<128x512xf32, #tpu.memory_space<vmem>>, vector<128x512xf32>
    %dot_general3A_314 = arith.constant dense<0.000000e+00> : vector<512x512xf32>
    %dot_general3A_315 = tpu.matmul %get3A_305, %get3A_313, %dot_general3A_314 {dimension_numbers = #tpu.dot_dimension_numbers<[1], [0], [0], [1], [0, 0, 1, 1], [], []>, transpose_lhs_hint = false} : vector<512x128xf32>, vector<128x512xf32>, vector<512x512xf32> -> vector<512x512xf32>
    %get3A_316 = arith.constant 0 : index
    %get3A_317 = arith.constant 0 : index
    %get3A_318 = vector.load %arg6[%get3A_316, %get3A_317] : memref<128x2xf32, #tpu.memory_space<vmem>>, vector<128x2xf32>
    %dot_general3A_319 = arith.constant dense<0.000000e+00> : vector<512x2xf32>
    %dot_general3A_320 = tpu.matmul %get3A_305, %get3A_318, %dot_general3A_319 {dimension_numbers = #tpu.dot_dimension_numbers<[1], [0], [0], [1], [0, 0, 1, 1], [], []>, transpose_lhs_hint = false} : vector<512x128xf32>, vector<128x2xf32>, vector<512x2xf32> -> vector<512x2xf32>
    %get3A_321 = arith.constant 0 : index
    %get3A_322 = arith.constant 0 : index
    %get3A_323 = vector.load %arg7[%get3A_321, %get3A_322] : memref<2x128xf32, #tpu.memory_space<vmem>>, vector<2x128xf32>
    %dot_general3A_324 = arith.constant dense<0.000000e+00> : vector<2x512xf32>
    %dot_general3A_325 = tpu.matmul %get3A_323, %get3A_305, %dot_general3A_324 {dimension_numbers = #tpu.dot_dimension_numbers<[1], [1], [0], [0], [0, 0, 1, 0], [], []>, transpose_lhs_hint = false} : vector<2x128xf32>, vector<512x128xf32>, vector<2x512xf32> -> vector<2x512xf32>
    %slice3A_326 = vector.extract_strided_slice %dot_general3A_315 {offsets = [0, 0], sizes = [512, 256], strides = [1, 1]} : vector<512x512xf32> to vector<512x256xf32>
    %slice3A_327 = vector.extract_strided_slice %dot_general3A_325 {offsets = [0, 0], sizes = [1, 512], strides = [1, 1]} : vector<2x512xf32> to vector<1x512xf32>
    %slice3A_328 = vector.extract_strided_slice %dot_general3A_320 {offsets = [0, 0], sizes = [512, 1], strides = [1, 1]} : vector<512x2xf32> to vector<512x1xf32>
    %add3A_329 = vector.broadcast %slice3A_328 : vector<512x1xf32> to vector<512x512xf32>
    %add3A_330 = vector.broadcast %slice3A_327 : vector<1x512xf32> to vector<512x512xf32>
    %add3A_331 = arith.addf %add3A_329, %add3A_330 : vector<512x512xf32>
    %mul3A_332 = arith.constant 2.000000e-01 : f32
    %mul3A_333 = vector.broadcast %mul3A_332 : f32 to vector<512x512xf32>
    %mul3A_334 = arith.mulf %mul3A_333, %add3A_331 : vector<512x512xf32>
    %max3A_335 = arith.maximumf %add3A_331, %mul3A_334 : vector<512x512xf32>
    %exp23A_336 = math.exp2 %max3A_335 : vector<512x512xf32>
    %mul3A_337 = arith.mulf %get3A_300, %exp23A_336 : vector<512x512xf32>
    %reduce_sum3A_338 = arith.constant dense<0.000000e+00> : vector<512xf32>
    %reduce_sum3A_339 = vector.multi_reduction <add>, %mul3A_337, %reduce_sum3A_338 [1] : vector<512x512xf32> to vector<512xf32>
    %broadcast_in_dim3A_340 = vector.shape_cast %reduce_sum3A_339 : vector<512xf32> to vector<512x1xf32>
    %dot_general3A_341 = arith.constant dense<0.000000e+00> : vector<512x256xf32>
    %dot_general3A_342 = tpu.matmul %mul3A_337, %slice3A_326, %dot_general3A_341 {dimension_numbers = #tpu.dot_dimension_numbers<[1], [0], [0], [1], [0, 0, 1, 1], [], []>, transpose_lhs_hint = false} : vector<512x512xf32>, vector<512x256xf32>, vector<512x256xf32> -> vector<512x256xf32>
    %add3A_343 = arith.constant 1.000000e-16 : f32
    %add3A_344 = vector.broadcast %add3A_343 : f32 to vector<512x1xf32>
    %add3A_345 = arith.addf %broadcast_in_dim3A_340, %add3A_344 : vector<512x1xf32>
    %div3A_346 = arith.constant 1.000000e+00 : f32
    %div3A_347 = vector.broadcast %div3A_346 : f32 to vector<512x1xf32>
    %div3A_348 = arith.divf %div3A_347, %add3A_345 : vector<512x1xf32>
    %mul3A_349 = vector.broadcast %div3A_348 : vector<512x1xf32> to vector<512x256xf32>
    %mul3A_350 = arith.mulf %dot_general3A_342, %mul3A_349 : vector<512x256xf32>
    %slice3A_351 = vector.extract_strided_slice %dot_general3A_315 {offsets = [0, 256], sizes = [512, 256], strides = [1, 1]} : vector<512x512xf32> to vector<512x256xf32>
    %slice3A_352 = vector.extract_strided_slice %dot_general3A_325 {offsets = [1, 0], sizes = [1, 512], strides = [1, 1]} : vector<2x512xf32> to vector<1x512xf32>
    %slice3A_353 = vector.extract_strided_slice %dot_general3A_320 {offsets = [0, 1], sizes = [512, 1], strides = [1, 1]} : vector<512x2xf32> to vector<512x1xf32>
    %add3A_354 = vector.broadcast %slice3A_353 : vector<512x1xf32> to vector<512x512xf32>
    %add3A_355 = vector.broadcast %slice3A_352 : vector<1x512xf32> to vector<512x512xf32>
    %add3A_356 = arith.addf %add3A_354, %add3A_355 : vector<512x512xf32>
    %mul3A_357 = arith.constant 2.000000e-01 : f32
    %mul3A_358 = vector.broadcast %mul3A_357 : f32 to vector<512x512xf32>
    %mul3A_359 = arith.mulf %mul3A_358, %add3A_356 : vector<512x512xf32>
    %max3A_360 = arith.maximumf %add3A_356, %mul3A_359 : vector<512x512xf32>
    %exp23A_361 = math.exp2 %max3A_360 : vector<512x512xf32>
    %mul3A_362 = arith.mulf %get3A_300, %exp23A_361 : vector<512x512xf32>
    %reduce_sum3A_363 = arith.constant dense<0.000000e+00> : vector<512xf32>
    %reduce_sum3A_364 = vector.multi_reduction <add>, %mul3A_362, %reduce_sum3A_363 [1] : vector<512x512xf32> to vector<512xf32>
    %broadcast_in_dim3A_365 = vector.shape_cast %reduce_sum3A_364 : vector<512xf32> to vector<512x1xf32>
    %dot_general3A_366 = arith.constant dense<0.000000e+00> : vector<512x256xf32>
    %dot_general3A_367 = tpu.matmul %mul3A_362, %slice3A_351, %dot_general3A_366 {dimension_numbers = #tpu.dot_dimension_numbers<[1], [0], [0], [1], [0, 0, 1, 1], [], []>, transpose_lhs_hint = false} : vector<512x512xf32>, vector<512x256xf32>, vector<512x256xf32> -> vector<512x256xf32>
    %add3A_368 = arith.constant 1.000000e-16 : f32
    %add3A_369 = vector.broadcast %add3A_368 : f32 to vector<512x1xf32>
    %add3A_370 = arith.addf %broadcast_in_dim3A_365, %add3A_369 : vector<512x1xf32>
    %div3A_371 = arith.constant 1.000000e+00 : f32
    %div3A_372 = vector.broadcast %div3A_371 : f32 to vector<512x1xf32>
    %div3A_373 = arith.divf %div3A_372, %add3A_370 : vector<512x1xf32>
    %mul3A_374 = vector.broadcast %div3A_373 : vector<512x1xf32> to vector<512x256xf32>
    %mul3A_375 = arith.mulf %dot_general3A_367, %mul3A_374 : vector<512x256xf32>
    %concatenate3A_376 = tpu.concatenate %mul3A_350, %mul3A_375 in 1 : vector<512x256xf32>, vector<512x256xf32> -> vector<512x512xf32>
    %get3A_377 = arith.constant 0 : index
    %get3A_378 = arith.constant 0 : index
    %get3A_379 = vector.load %arg5[%get3A_377, %get3A_378] : memref<128x512xf32, #tpu.memory_space<vmem>>, vector<128x512xf32>
    %dot_general3A_380 = arith.constant dense<0.000000e+00> : vector<512x512xf32>
    %dot_general3A_381 = tpu.matmul %get3A_305, %get3A_379, %dot_general3A_380 {dimension_numbers = #tpu.dot_dimension_numbers<[1], [0], [0], [1], [0, 0, 1, 1], [], []>, transpose_lhs_hint = false} : vector<512x128xf32>, vector<128x512xf32>, vector<512x512xf32> -> vector<512x512xf32>
    %add3A_382 = arith.addf %concatenate3A_376, %dot_general3A_381 : vector<512x512xf32>
    %get3A_383 = arith.constant 0 : index
    %get3A_384 = arith.constant 0 : index
    %get3A_385 = vector.load %arg8[%get3A_383, %get3A_384] : memref<1x512xf32, #tpu.memory_space<vmem>>, vector<1x512xf32>
    %add3A_386 = vector.broadcast %get3A_385 : vector<1x512xf32> to vector<512x512xf32>
    %add3A_387 = arith.addf %add3A_382, %add3A_386 : vector<512x512xf32>
    %gt3A_388 = arith.constant 0.000000e+00 : f32
    %gt3A_389 = vector.broadcast %gt3A_388 : f32 to vector<512x512xf32>
    %gt3A_390 = arith.cmpf ogt, %add3A_387, %gt3A_389 : vector<512x512xf32>
    %exp3A_391 = math.exp %add3A_387 : vector<512x512xf32>
    %sub3A_392 = arith.constant 1.000000e+00 : f32
    %sub3A_393 = vector.broadcast %sub3A_392 : f32 to vector<512x512xf32>
    %sub3A_394 = arith.subf %exp3A_391, %sub3A_393 : vector<512x512xf32>
    %select_n3A_395 = arith.select %gt3A_390, %add3A_387, %sub3A_394 : vector<512x512xi1>, vector<512x512xf32>
    %get3A_396 = arith.constant 0 : index
    %get3A_397 = arith.constant 0 : index
    %get3A_398 = vector.load %arg9[%get3A_396, %get3A_397] : memref<512x512xf32, #tpu.memory_space<vmem>>, vector<512x512xf32>
    %dot_general3A_399 = arith.constant dense<0.000000e+00> : vector<512x512xf32>
    %dot_general3A_400 = tpu.matmul %select_n3A_395, %get3A_398, %dot_general3A_399 {dimension_numbers = #tpu.dot_dimension_numbers<[1], [0], [0], [1], [0, 0, 1, 1], [], []>, transpose_lhs_hint = false} : vector<512x512xf32>, vector<512x512xf32>, vector<512x512xf32> -> vector<512x512xf32>
    %get3A_401 = arith.constant 0 : index
    %get3A_402 = arith.constant 0 : index
    %get3A_403 = vector.load %arg11[%get3A_401, %get3A_402] : memref<512x2xf32, #tpu.memory_space<vmem>>, vector<512x2xf32>
    %dot_general3A_404 = arith.constant dense<0.000000e+00> : vector<512x2xf32>
    %dot_general3A_405 = tpu.matmul %select_n3A_395, %get3A_403, %dot_general3A_404 {dimension_numbers = #tpu.dot_dimension_numbers<[1], [0], [0], [1], [0, 0, 1, 1], [], []>, transpose_lhs_hint = false} : vector<512x512xf32>, vector<512x2xf32>, vector<512x2xf32> -> vector<512x2xf32>
    %get3A_406 = arith.constant 0 : index
    %get3A_407 = arith.constant 0 : index
    %get3A_408 = vector.load %arg12[%get3A_406, %get3A_407] : memref<2x512xf32, #tpu.memory_space<vmem>>, vector<2x512xf32>
    %dot_general3A_409 = arith.constant dense<0.000000e+00> : vector<2x512xf32>
    %dot_general3A_410 = tpu.matmul %get3A_408, %select_n3A_395, %dot_general3A_409 {dimension_numbers = #tpu.dot_dimension_numbers<[1], [1], [0], [0], [0, 0, 1, 0], [], []>, transpose_lhs_hint = false} : vector<2x512xf32>, vector<512x512xf32>, vector<2x512xf32> -> vector<2x512xf32>
    %slice3A_411 = vector.extract_strided_slice %dot_general3A_400 {offsets = [0, 0], sizes = [512, 256], strides = [1, 1]} : vector<512x512xf32> to vector<512x256xf32>
    %slice3A_412 = vector.extract_strided_slice %dot_general3A_410 {offsets = [0, 0], sizes = [1, 512], strides = [1, 1]} : vector<2x512xf32> to vector<1x512xf32>
    %slice3A_413 = vector.extract_strided_slice %dot_general3A_405 {offsets = [0, 0], sizes = [512, 1], strides = [1, 1]} : vector<512x2xf32> to vector<512x1xf32>
    %add3A_414 = vector.broadcast %slice3A_413 : vector<512x1xf32> to vector<512x512xf32>
    %add3A_415 = vector.broadcast %slice3A_412 : vector<1x512xf32> to vector<512x512xf32>
    %add3A_416 = arith.addf %add3A_414, %add3A_415 : vector<512x512xf32>
    %mul3A_417 = arith.constant 2.000000e-01 : f32
    %mul3A_418 = vector.broadcast %mul3A_417 : f32 to vector<512x512xf32>
    %mul3A_419 = arith.mulf %mul3A_418, %add3A_416 : vector<512x512xf32>
    %max3A_420 = arith.maximumf %add3A_416, %mul3A_419 : vector<512x512xf32>
    %exp23A_421 = math.exp2 %max3A_420 : vector<512x512xf32>
    %mul3A_422 = arith.mulf %get3A_300, %exp23A_421 : vector<512x512xf32>
    %reduce_sum3A_423 = arith.constant dense<0.000000e+00> : vector<512xf32>
    %reduce_sum3A_424 = vector.multi_reduction <add>, %mul3A_422, %reduce_sum3A_423 [1] : vector<512x512xf32> to vector<512xf32>
    %broadcast_in_dim3A_425 = vector.shape_cast %reduce_sum3A_424 : vector<512xf32> to vector<512x1xf32>
    %dot_general3A_426 = arith.constant dense<0.000000e+00> : vector<512x256xf32>
    %dot_general3A_427 = tpu.matmul %mul3A_422, %slice3A_411, %dot_general3A_426 {dimension_numbers = #tpu.dot_dimension_numbers<[1], [0], [0], [1], [0, 0, 1, 1], [], []>, transpose_lhs_hint = false} : vector<512x512xf32>, vector<512x256xf32>, vector<512x256xf32> -> vector<512x256xf32>
    %add3A_428 = arith.constant 1.000000e-16 : f32
    %add3A_429 = vector.broadcast %add3A_428 : f32 to vector<512x1xf32>
    %add3A_430 = arith.addf %broadcast_in_dim3A_425, %add3A_429 : vector<512x1xf32>
    %div3A_431 = arith.constant 1.000000e+00 : f32
    %div3A_432 = vector.broadcast %div3A_431 : f32 to vector<512x1xf32>
    %div3A_433 = arith.divf %div3A_432, %add3A_430 : vector<512x1xf32>
    %mul3A_434 = vector.broadcast %div3A_433 : vector<512x1xf32> to vector<512x256xf32>
    %mul3A_435 = arith.mulf %dot_general3A_427, %mul3A_434 : vector<512x256xf32>
    %slice3A_436 = vector.extract_strided_slice %dot_general3A_400 {offsets = [0, 256], sizes = [512, 256], strides = [1, 1]} : vector<512x512xf32> to vector<512x256xf32>
    %slice3A_437 = vector.extract_strided_slice %dot_general3A_410 {offsets = [1, 0], sizes = [1, 512], strides = [1, 1]} : vector<2x512xf32> to vector<1x512xf32>
    %slice3A_438 = vector.extract_strided_slice %dot_general3A_405 {offsets = [0, 1], sizes = [512, 1], strides = [1, 1]} : vector<512x2xf32> to vector<512x1xf32>
    %add3A_439 = vector.broadcast %slice3A_438 : vector<512x1xf32> to vector<512x512xf32>
    %add3A_440 = vector.broadcast %slice3A_437 : vector<1x512xf32> to vector<512x512xf32>
    %add3A_441 = arith.addf %add3A_439, %add3A_440 : vector<512x512xf32>
    %mul3A_442 = arith.constant 2.000000e-01 : f32
    %mul3A_443 = vector.broadcast %mul3A_442 : f32 to vector<512x512xf32>
    %mul3A_444 = arith.mulf %mul3A_443, %add3A_441 : vector<512x512xf32>
    %max3A_445 = arith.maximumf %add3A_441, %mul3A_444 : vector<512x512xf32>
    %exp23A_446 = math.exp2 %max3A_445 : vector<512x512xf32>
    %mul3A_447 = arith.mulf %get3A_300, %exp23A_446 : vector<512x512xf32>
    %reduce_sum3A_448 = arith.constant dense<0.000000e+00> : vector<512xf32>
    %reduce_sum3A_449 = vector.multi_reduction <add>, %mul3A_447, %reduce_sum3A_448 [1] : vector<512x512xf32> to vector<512xf32>
    %broadcast_in_dim3A_450 = vector.shape_cast %reduce_sum3A_449 : vector<512xf32> to vector<512x1xf32>
    %dot_general3A_451 = arith.constant dense<0.000000e+00> : vector<512x256xf32>
    %dot_general3A_452 = tpu.matmul %mul3A_447, %slice3A_436, %dot_general3A_451 {dimension_numbers = #tpu.dot_dimension_numbers<[1], [0], [0], [1], [0, 0, 1, 1], [], []>, transpose_lhs_hint = false} : vector<512x512xf32>, vector<512x256xf32>, vector<512x256xf32> -> vector<512x256xf32>
    %add3A_453 = arith.constant 1.000000e-16 : f32
    %add3A_454 = vector.broadcast %add3A_453 : f32 to vector<512x1xf32>
    %add3A_455 = arith.addf %broadcast_in_dim3A_450, %add3A_454 : vector<512x1xf32>
    %div3A_456 = arith.constant 1.000000e+00 : f32
    %div3A_457 = vector.broadcast %div3A_456 : f32 to vector<512x1xf32>
    %div3A_458 = arith.divf %div3A_457, %add3A_455 : vector<512x1xf32>
    %mul3A_459 = vector.broadcast %div3A_458 : vector<512x1xf32> to vector<512x256xf32>
    %mul3A_460 = arith.mulf %dot_general3A_452, %mul3A_459 : vector<512x256xf32>
    %concatenate3A_461 = tpu.concatenate %mul3A_435, %mul3A_460 in 1 : vector<512x256xf32>, vector<512x256xf32> -> vector<512x512xf32>
    %get3A_462 = arith.constant 0 : index
    %get3A_463 = arith.constant 0 : index
    %get3A_464 = vector.load %arg10[%get3A_462, %get3A_463] : memref<512x512xf32, #tpu.memory_space<vmem>>, vector<512x512xf32>
    %dot_general3A_465 = arith.constant dense<0.000000e+00> : vector<512x512xf32>
    %dot_general3A_466 = tpu.matmul %select_n3A_395, %get3A_464, %dot_general3A_465 {dimension_numbers = #tpu.dot_dimension_numbers<[1], [0], [0], [1], [0, 0, 1, 1], [], []>, transpose_lhs_hint = false} : vector<512x512xf32>, vector<512x512xf32>, vector<512x512xf32> -> vector<512x512xf32>
    %add3A_467 = arith.addf %concatenate3A_461, %dot_general3A_466 : vector<512x512xf32>
    %get3A_468 = arith.constant 0 : index
    %get3A_469 = arith.constant 0 : index
    %get3A_470 = vector.load %arg13[%get3A_468, %get3A_469] : memref<1x512xf32, #tpu.memory_space<vmem>>, vector<1x512xf32>
    %add3A_471 = vector.broadcast %get3A_470 : vector<1x512xf32> to vector<512x512xf32>
    %add3A_472 = arith.addf %add3A_467, %add3A_471 : vector<512x512xf32>
    %gt3A_473 = arith.constant 0.000000e+00 : f32
    %gt3A_474 = vector.broadcast %gt3A_473 : f32 to vector<512x512xf32>
    %gt3A_475 = arith.cmpf ogt, %add3A_472, %gt3A_474 : vector<512x512xf32>
    %exp3A_476 = math.exp %add3A_472 : vector<512x512xf32>
    %sub3A_477 = arith.constant 1.000000e+00 : f32
    %sub3A_478 = vector.broadcast %sub3A_477 : f32 to vector<512x512xf32>
    %sub3A_479 = arith.subf %exp3A_476, %sub3A_478 : vector<512x512xf32>
    %select_n3A_480 = arith.select %gt3A_475, %add3A_472, %sub3A_479 : vector<512x512xi1>, vector<512x512xf32>
    %get3A_481 = arith.constant 0 : index
    %get3A_482 = arith.constant 0 : index
    %get3A_483 = vector.load %arg14[%get3A_481, %get3A_482] : memref<512x256xf32, #tpu.memory_space<vmem>>, vector<512x256xf32>
    %dot_general3A_484 = arith.constant dense<0.000000e+00> : vector<512x256xf32>
    %dot_general3A_485 = tpu.matmul %select_n3A_480, %get3A_483, %dot_general3A_484 {dimension_numbers = #tpu.dot_dimension_numbers<[1], [0], [0], [1], [0, 0, 1, 1], [], []>, transpose_lhs_hint = false} : vector<512x512xf32>, vector<512x256xf32>, vector<512x256xf32> -> vector<512x256xf32>
    %get3A_486 = arith.constant 0 : index
    %get3A_487 = arith.constant 0 : index
    %get3A_488 = vector.load %arg16[%get3A_486, %get3A_487] : memref<512x2xf32, #tpu.memory_space<vmem>>, vector<512x2xf32>
    %dot_general3A_489 = arith.constant dense<0.000000e+00> : vector<512x2xf32>
    %dot_general3A_490 = tpu.matmul %select_n3A_480, %get3A_488, %dot_general3A_489 {dimension_numbers = #tpu.dot_dimension_numbers<[1], [0], [0], [1], [0, 0, 1, 1], [], []>, transpose_lhs_hint = false} : vector<512x512xf32>, vector<512x2xf32>, vector<512x2xf32> -> vector<512x2xf32>
    %get3A_491 = arith.constant 0 : index
    %get3A_492 = arith.constant 0 : index
    %get3A_493 = vector.load %arg17[%get3A_491, %get3A_492] : memref<2x512xf32, #tpu.memory_space<vmem>>, vector<2x512xf32>
    %dot_general3A_494 = arith.constant dense<0.000000e+00> : vector<2x512xf32>
    %dot_general3A_495 = tpu.matmul %get3A_493, %select_n3A_480, %dot_general3A_494 {dimension_numbers = #tpu.dot_dimension_numbers<[1], [1], [0], [0], [0, 0, 1, 0], [], []>, transpose_lhs_hint = false} : vector<2x512xf32>, vector<512x512xf32>, vector<2x512xf32> -> vector<2x512xf32>
    %slice3A_496 = vector.extract_strided_slice %dot_general3A_485 {offsets = [0, 0], sizes = [512, 128], strides = [1, 1]} : vector<512x256xf32> to vector<512x128xf32>
    %slice3A_497 = vector.extract_strided_slice %dot_general3A_495 {offsets = [0, 0], sizes = [1, 512], strides = [1, 1]} : vector<2x512xf32> to vector<1x512xf32>
    %slice3A_498 = vector.extract_strided_slice %dot_general3A_490 {offsets = [0, 0], sizes = [512, 1], strides = [1, 1]} : vector<512x2xf32> to vector<512x1xf32>
    %add3A_499 = vector.broadcast %slice3A_498 : vector<512x1xf32> to vector<512x512xf32>
    %add3A_500 = vector.broadcast %slice3A_497 : vector<1x512xf32> to vector<512x512xf32>
    %add3A_501 = arith.addf %add3A_499, %add3A_500 : vector<512x512xf32>
    %mul3A_502 = arith.constant 2.000000e-01 : f32
    %mul3A_503 = vector.broadcast %mul3A_502 : f32 to vector<512x512xf32>
    %mul3A_504 = arith.mulf %mul3A_503, %add3A_501 : vector<512x512xf32>
    %max3A_505 = arith.maximumf %add3A_501, %mul3A_504 : vector<512x512xf32>
    %exp23A_506 = math.exp2 %max3A_505 : vector<512x512xf32>
    %mul3A_507 = arith.mulf %get3A_300, %exp23A_506 : vector<512x512xf32>
    %reduce_sum3A_508 = arith.constant dense<0.000000e+00> : vector<512xf32>
    %reduce_sum3A_509 = vector.multi_reduction <add>, %mul3A_507, %reduce_sum3A_508 [1] : vector<512x512xf32> to vector<512xf32>
    %broadcast_in_dim3A_510 = vector.shape_cast %reduce_sum3A_509 : vector<512xf32> to vector<512x1xf32>
    %dot_general3A_511 = arith.constant dense<0.000000e+00> : vector<512x128xf32>
    %dot_general3A_512 = tpu.matmul %mul3A_507, %slice3A_496, %dot_general3A_511 {dimension_numbers = #tpu.dot_dimension_numbers<[1], [0], [0], [1], [0, 0, 1, 1], [], []>, transpose_lhs_hint = false} : vector<512x512xf32>, vector<512x128xf32>, vector<512x128xf32> -> vector<512x128xf32>
    %add3A_513 = arith.constant 1.000000e-16 : f32
    %add3A_514 = vector.broadcast %add3A_513 : f32 to vector<512x1xf32>
    %add3A_515 = arith.addf %broadcast_in_dim3A_510, %add3A_514 : vector<512x1xf32>
    %div3A_516 = arith.constant 1.000000e+00 : f32
    %div3A_517 = vector.broadcast %div3A_516 : f32 to vector<512x1xf32>
    %div3A_518 = arith.divf %div3A_517, %add3A_515 : vector<512x1xf32>
    %mul3A_519 = vector.broadcast %div3A_518 : vector<512x1xf32> to vector<512x128xf32>
    %mul3A_520 = arith.mulf %dot_general3A_512, %mul3A_519 : vector<512x128xf32>
    %slice3A_521 = vector.extract_strided_slice %dot_general3A_485 {offsets = [0, 128], sizes = [512, 128], strides = [1, 1]} : vector<512x256xf32> to vector<512x128xf32>
    %slice3A_522 = vector.extract_strided_slice %dot_general3A_495 {offsets = [1, 0], sizes = [1, 512], strides = [1, 1]} : vector<2x512xf32> to vector<1x512xf32>
    %slice3A_523 = vector.extract_strided_slice %dot_general3A_490 {offsets = [0, 1], sizes = [512, 1], strides = [1, 1]} : vector<512x2xf32> to vector<512x1xf32>
    %add3A_524 = vector.broadcast %slice3A_523 : vector<512x1xf32> to vector<512x512xf32>
    %add3A_525 = vector.broadcast %slice3A_522 : vector<1x512xf32> to vector<512x512xf32>
    %add3A_526 = arith.addf %add3A_524, %add3A_525 : vector<512x512xf32>
    %mul3A_527 = arith.constant 2.000000e-01 : f32
    %mul3A_528 = vector.broadcast %mul3A_527 : f32 to vector<512x512xf32>
    %mul3A_529 = arith.mulf %mul3A_528, %add3A_526 : vector<512x512xf32>
    %max3A_530 = arith.maximumf %add3A_526, %mul3A_529 : vector<512x512xf32>
    %exp23A_531 = math.exp2 %max3A_530 : vector<512x512xf32>
    %mul3A_532 = arith.mulf %get3A_300, %exp23A_531 : vector<512x512xf32>
    %reduce_sum3A_533 = arith.constant dense<0.000000e+00> : vector<512xf32>
    %reduce_sum3A_534 = vector.multi_reduction <add>, %mul3A_532, %reduce_sum3A_533 [1] : vector<512x512xf32> to vector<512xf32>
    %broadcast_in_dim3A_535 = vector.shape_cast %reduce_sum3A_534 : vector<512xf32> to vector<512x1xf32>
    %dot_general3A_536 = arith.constant dense<0.000000e+00> : vector<512x128xf32>
    %dot_general3A_537 = tpu.matmul %mul3A_532, %slice3A_521, %dot_general3A_536 {dimension_numbers = #tpu.dot_dimension_numbers<[1], [0], [0], [1], [0, 0, 1, 1], [], []>, transpose_lhs_hint = false} : vector<512x512xf32>, vector<512x128xf32>, vector<512x128xf32> -> vector<512x128xf32>
    %add3A_538 = arith.constant 1.000000e-16 : f32
    %add3A_539 = vector.broadcast %add3A_538 : f32 to vector<512x1xf32>
    %add3A_540 = arith.addf %broadcast_in_dim3A_535, %add3A_539 : vector<512x1xf32>
    %div3A_541 = arith.constant 1.000000e+00 : f32
    %div3A_542 = vector.broadcast %div3A_541 : f32 to vector<512x1xf32>
    %div3A_543 = arith.divf %div3A_542, %add3A_540 : vector<512x1xf32>
    %mul3A_544 = vector.broadcast %div3A_543 : vector<512x1xf32> to vector<512x128xf32>
    %mul3A_545 = arith.mulf %dot_general3A_537, %mul3A_544 : vector<512x128xf32>
    %add3A_546 = arith.addf %mul3A_520, %mul3A_545 : vector<512x128xf32>
    %mul3A_547 = arith.constant 5.000000e-01 : f32
    %mul3A_548 = vector.broadcast %mul3A_547 : f32 to vector<512x128xf32>
    %mul3A_549 = arith.mulf %add3A_546, %mul3A_548 : vector<512x128xf32>
    %get3A_550 = arith.constant 0 : index
    %get3A_551 = arith.constant 0 : index
    %get3A_552 = vector.load %arg15[%get3A_550, %get3A_551] : memref<512x128xf32, #tpu.memory_space<vmem>>, vector<512x128xf32>
    %dot_general3A_553 = arith.constant dense<0.000000e+00> : vector<512x128xf32>
    %dot_general3A_554 = tpu.matmul %select_n3A_480, %get3A_552, %dot_general3A_553 {dimension_numbers = #tpu.dot_dimension_numbers<[1], [0], [0], [1], [0, 0, 1, 1], [], []>, transpose_lhs_hint = false} : vector<512x512xf32>, vector<512x128xf32>, vector<512x128xf32> -> vector<512x128xf32>
    %add3A_555 = arith.addf %mul3A_549, %dot_general3A_554 : vector<512x128xf32>
    %get3A_556 = arith.constant 0 : index
    %get3A_557 = arith.constant 0 : index
    %get3A_558 = vector.load %arg18[%get3A_556, %get3A_557] : memref<1x128xf32, #tpu.memory_space<vmem>>, vector<1x128xf32>
    %add3A_559 = vector.broadcast %get3A_558 : vector<1x128xf32> to vector<512x128xf32>
    %add3A_560 = arith.addf %add3A_555, %add3A_559 : vector<512x128xf32>
    %get3A_561 = arith.constant 0 : index
    %get3A_562 = arith.constant 0 : index
    %get3A_563 = vector.load %arg19[%get3A_561, %get3A_562] : memref<256x128xf32, #tpu.memory_space<vmem>>, vector<256x128xf32>
    %slice3A_564 = vector.extract_strided_slice %get3A_563 {offsets = [0, 0], sizes = [128, 128], strides = [1, 1]} : vector<256x128xf32> to vector<128x128xf32>
    %dot_general3A_565 = arith.constant dense<0.000000e+00> : vector<512x128xf32>
    %dot_general3A_566 = tpu.matmul %add3A_560, %slice3A_564, %dot_general3A_565 {dimension_numbers = #tpu.dot_dimension_numbers<[1], [0], [0], [1], [0, 0, 1, 1], [], []>, transpose_lhs_hint = false} : vector<512x128xf32>, vector<128x128xf32>, vector<512x128xf32> -> vector<512x128xf32>
    %slice3A_567 = vector.extract_strided_slice %get3A_563 {offsets = [128, 0], sizes = [128, 128], strides = [1, 1]} : vector<256x128xf32> to vector<128x128xf32>
    %dot_general3A_568 = arith.constant dense<0.000000e+00> : vector<512x128xf32>
    %dot_general3A_569 = tpu.matmul %get3A_310, %slice3A_567, %dot_general3A_568 {dimension_numbers = #tpu.dot_dimension_numbers<[1], [0], [0], [1], [0, 0, 1, 1], [], []>, transpose_lhs_hint = false} : vector<512x128xf32>, vector<128x128xf32>, vector<512x128xf32> -> vector<512x128xf32>
    %add3A_570 = arith.addf %dot_general3A_566, %dot_general3A_569 : vector<512x128xf32>
    %add3A_571 = arith.addf %add3A_570, %get3A_305 : vector<512x128xf32>
    %reduce_sum3A_572 = arith.constant dense<0.000000e+00> : vector<512xf32>
    %reduce_sum3A_573 = vector.multi_reduction <add>, %add3A_571, %reduce_sum3A_572 [1] : vector<512x128xf32> to vector<512xf32>
    %broadcast_in_dim3A_574 = vector.shape_cast %reduce_sum3A_573 : vector<512xf32> to vector<512x1xf32>
    %div3A_575 = arith.constant 1.280000e+02 : f32
    %div3A_576 = vector.broadcast %div3A_575 : f32 to vector<512x1xf32>
    %div3A_577 = arith.divf %broadcast_in_dim3A_574, %div3A_576 : vector<512x1xf32>
    %sub3A_578 = vector.broadcast %div3A_577 : vector<512x1xf32> to vector<512x128xf32>
    %sub3A_579 = arith.subf %add3A_571, %sub3A_578 : vector<512x128xf32>
    %mul3A_580 = arith.mulf %sub3A_579, %sub3A_579 : vector<512x128xf32>
    %reduce_sum3A_581 = arith.constant dense<0.000000e+00> : vector<512xf32>
    %reduce_sum3A_582 = vector.multi_reduction <add>, %mul3A_580, %reduce_sum3A_581 [1] : vector<512x128xf32> to vector<512xf32>
    %broadcast_in_dim3A_583 = vector.shape_cast %reduce_sum3A_582 : vector<512xf32> to vector<512x1xf32>
    %div3A_584 = arith.constant 1.280000e+02 : f32
    %div3A_585 = vector.broadcast %div3A_584 : f32 to vector<512x1xf32>
    %div3A_586 = arith.divf %broadcast_in_dim3A_583, %div3A_585 : vector<512x1xf32>
    %add3A_587 = arith.constant 9.99999997E-7 : f32
    %add3A_588 = vector.broadcast %add3A_587 : f32 to vector<512x1xf32>
    %add3A_589 = arith.addf %div3A_586, %add3A_588 : vector<512x1xf32>
    %rsqrt3A_590 = math.rsqrt %add3A_589 : vector<512x1xf32>
    %mul3A_591 = vector.broadcast %rsqrt3A_590 : vector<512x1xf32> to vector<512x128xf32>
    %mul3A_592 = arith.mulf %sub3A_579, %mul3A_591 : vector<512x128xf32>
    %get3A_593 = arith.constant 0 : index
    %get3A_594 = arith.constant 0 : index
    %get3A_595 = vector.load %arg20[%get3A_593, %get3A_594] : memref<1x128xf32, #tpu.memory_space<vmem>>, vector<1x128xf32>
    %mul3A_596 = vector.broadcast %get3A_595 : vector<1x128xf32> to vector<512x128xf32>
    %mul3A_597 = arith.mulf %mul3A_592, %mul3A_596 : vector<512x128xf32>
    %get3A_598 = arith.constant 0 : index
    %get3A_599 = arith.constant 0 : index
    %get3A_600 = vector.load %arg21[%get3A_598, %get3A_599] : memref<1x128xf32, #tpu.memory_space<vmem>>, vector<1x128xf32>
    %add3A_601 = vector.broadcast %get3A_600 : vector<1x128xf32> to vector<512x128xf32>
    %add3A_602 = arith.addf %mul3A_597, %add3A_601 : vector<512x128xf32>
    %swap3A_603 = arith.constant 1 : index
    %swap3A_604 = arith.constant 0 : index
    %swap3A_605 = arith.constant 0 : index
    %swap3A_606 = vector.load %arg22[%swap3A_603, %swap3A_604, %swap3A_605] : memref<4x512x128xf32, #tpu.memory_space<vmem>>, vector<1x512x128xf32>
    %swap3A_607 = vector.shape_cast %swap3A_606 : vector<1x512x128xf32> to vector<512x128xf32>
    %swap3A_608 = vector.shape_cast %add3A_602 : vector<512x128xf32> to vector<1x512x128xf32>
    tpu.vector_store %arg22[%swap3A_603, %swap3A_604, %swap3A_605], %swap3A_608 {strides = array<i32>} : memref<4x512x128xf32, #tpu.memory_space<vmem>>, vector<1x512x128xf32>,
    %get3A_609 = arith.constant 2 : index
    %get3A_610 = arith.constant 0 : index
    %get3A_611 = arith.constant 0 : index
    %get3A_612 = vector.load %arg1[%get3A_609, %get3A_610, %get3A_611] : memref<4x512x512xf32, #tpu.memory_space<vmem>>, vector<1x512x512xf32>
    %get3A_613 = vector.shape_cast %get3A_612 : vector<1x512x512xf32> to vector<512x512xf32>
    %get3A_614 = arith.constant 2 : index
    %get3A_615 = arith.constant 0 : index
    %get3A_616 = arith.constant 0 : index
    %get3A_617 = vector.load %arg2[%get3A_614, %get3A_615, %get3A_616] : memref<4x512x128xf32, #tpu.memory_space<vmem>>, vector<1x512x128xf32>
    %get3A_618 = vector.shape_cast %get3A_617 : vector<1x512x128xf32> to vector<512x128xf32>
    %get3A_619 = arith.constant 2 : index
    %get3A_620 = arith.constant 0 : index
    %get3A_621 = arith.constant 0 : index
    %get3A_622 = vector.load %arg3[%get3A_619, %get3A_620, %get3A_621] : memref<4x512x128xf32, #tpu.memory_space<vmem>>, vector<1x512x128xf32>
    %get3A_623 = vector.shape_cast %get3A_622 : vector<1x512x128xf32> to vector<512x128xf32>
    %get3A_624 = arith.constant 0 : index
    %get3A_625 = arith.constant 0 : index
    %get3A_626 = vector.load %arg4[%get3A_624, %get3A_625] : memref<128x512xf32, #tpu.memory_space<vmem>>, vector<128x512xf32>
    %dot_general3A_627 = arith.constant dense<0.000000e+00> : vector<512x512xf32>
    %dot_general3A_628 = tpu.matmul %get3A_618, %get3A_626, %dot_general3A_627 {dimension_numbers = #tpu.dot_dimension_numbers<[1], [0], [0], [1], [0, 0, 1, 1], [], []>, transpose_lhs_hint = false} : vector<512x128xf32>, vector<128x512xf32>, vector<512x512xf32> -> vector<512x512xf32>
    %get3A_629 = arith.constant 0 : index
    %get3A_630 = arith.constant 0 : index
    %get3A_631 = vector.load %arg6[%get3A_629, %get3A_630] : memref<128x2xf32, #tpu.memory_space<vmem>>, vector<128x2xf32>
    %dot_general3A_632 = arith.constant dense<0.000000e+00> : vector<512x2xf32>
    %dot_general3A_633 = tpu.matmul %get3A_618, %get3A_631, %dot_general3A_632 {dimension_numbers = #tpu.dot_dimension_numbers<[1], [0], [0], [1], [0, 0, 1, 1], [], []>, transpose_lhs_hint = false} : vector<512x128xf32>, vector<128x2xf32>, vector<512x2xf32> -> vector<512x2xf32>
    %get3A_634 = arith.constant 0 : index
    %get3A_635 = arith.constant 0 : index
    %get3A_636 = vector.load %arg7[%get3A_634, %get3A_635] : memref<2x128xf32, #tpu.memory_space<vmem>>, vector<2x128xf32>
    %dot_general3A_637 = arith.constant dense<0.000000e+00> : vector<2x512xf32>
    %dot_general3A_638 = tpu.matmul %get3A_636, %get3A_618, %dot_general3A_637 {dimension_numbers = #tpu.dot_dimension_numbers<[1], [1], [0], [0], [0, 0, 1, 0], [], []>, transpose_lhs_hint = false} : vector<2x128xf32>, vector<512x128xf32>, vector<2x512xf32> -> vector<2x512xf32>
    %slice3A_639 = vector.extract_strided_slice %dot_general3A_628 {offsets = [0, 0], sizes = [512, 256], strides = [1, 1]} : vector<512x512xf32> to vector<512x256xf32>
    %slice3A_640 = vector.extract_strided_slice %dot_general3A_638 {offsets = [0, 0], sizes = [1, 512], strides = [1, 1]} : vector<2x512xf32> to vector<1x512xf32>
    %slice3A_641 = vector.extract_strided_slice %dot_general3A_633 {offsets = [0, 0], sizes = [512, 1], strides = [1, 1]} : vector<512x2xf32> to vector<512x1xf32>
    %add3A_642 = vector.broadcast %slice3A_641 : vector<512x1xf32> to vector<512x512xf32>
    %add3A_643 = vector.broadcast %slice3A_640 : vector<1x512xf32> to vector<512x512xf32>
    %add3A_644 = arith.addf %add3A_642, %add3A_643 : vector<512x512xf32>
    %mul3A_645 = arith.constant 2.000000e-01 : f32
    %mul3A_646 = vector.broadcast %mul3A_645 : f32 to vector<512x512xf32>
    %mul3A_647 = arith.mulf %mul3A_646, %add3A_644 : vector<512x512xf32>
    %max3A_648 = arith.maximumf %add3A_644, %mul3A_647 : vector<512x512xf32>
    %exp23A_649 = math.exp2 %max3A_648 : vector<512x512xf32>
    %mul3A_650 = arith.mulf %get3A_613, %exp23A_649 : vector<512x512xf32>
    %reduce_sum3A_651 = arith.constant dense<0.000000e+00> : vector<512xf32>
    %reduce_sum3A_652 = vector.multi_reduction <add>, %mul3A_650, %reduce_sum3A_651 [1] : vector<512x512xf32> to vector<512xf32>
    %broadcast_in_dim3A_653 = vector.shape_cast %reduce_sum3A_652 : vector<512xf32> to vector<512x1xf32>
    %dot_general3A_654 = arith.constant dense<0.000000e+00> : vector<512x256xf32>
    %dot_general3A_655 = tpu.matmul %mul3A_650, %slice3A_639, %dot_general3A_654 {dimension_numbers = #tpu.dot_dimension_numbers<[1], [0], [0], [1], [0, 0, 1, 1], [], []>, transpose_lhs_hint = false} : vector<512x512xf32>, vector<512x256xf32>, vector<512x256xf32> -> vector<512x256xf32>
    %add3A_656 = arith.constant 1.000000e-16 : f32
    %add3A_657 = vector.broadcast %add3A_656 : f32 to vector<512x1xf32>
    %add3A_658 = arith.addf %broadcast_in_dim3A_653, %add3A_657 : vector<512x1xf32>
    %div3A_659 = arith.constant 1.000000e+00 : f32
    %div3A_660 = vector.broadcast %div3A_659 : f32 to vector<512x1xf32>
    %div3A_661 = arith.divf %div3A_660, %add3A_658 : vector<512x1xf32>
    %mul3A_662 = vector.broadcast %div3A_661 : vector<512x1xf32> to vector<512x256xf32>
    %mul3A_663 = arith.mulf %dot_general3A_655, %mul3A_662 : vector<512x256xf32>
    %slice3A_664 = vector.extract_strided_slice %dot_general3A_628 {offsets = [0, 256], sizes = [512, 256], strides = [1, 1]} : vector<512x512xf32> to vector<512x256xf32>
    %slice3A_665 = vector.extract_strided_slice %dot_general3A_638 {offsets = [1, 0], sizes = [1, 512], strides = [1, 1]} : vector<2x512xf32> to vector<1x512xf32>
    %slice3A_666 = vector.extract_strided_slice %dot_general3A_633 {offsets = [0, 1], sizes = [512, 1], strides = [1, 1]} : vector<512x2xf32> to vector<512x1xf32>
    %add3A_667 = vector.broadcast %slice3A_666 : vector<512x1xf32> to vector<512x512xf32>
    %add3A_668 = vector.broadcast %slice3A_665 : vector<1x512xf32> to vector<512x512xf32>
    %add3A_669 = arith.addf %add3A_667, %add3A_668 : vector<512x512xf32>
    %mul3A_670 = arith.constant 2.000000e-01 : f32
    %mul3A_671 = vector.broadcast %mul3A_670 : f32 to vector<512x512xf32>
    %mul3A_672 = arith.mulf %mul3A_671, %add3A_669 : vector<512x512xf32>
    %max3A_673 = arith.maximumf %add3A_669, %mul3A_672 : vector<512x512xf32>
    %exp23A_674 = math.exp2 %max3A_673 : vector<512x512xf32>
    %mul3A_675 = arith.mulf %get3A_613, %exp23A_674 : vector<512x512xf32>
    %reduce_sum3A_676 = arith.constant dense<0.000000e+00> : vector<512xf32>
    %reduce_sum3A_677 = vector.multi_reduction <add>, %mul3A_675, %reduce_sum3A_676 [1] : vector<512x512xf32> to vector<512xf32>
    %broadcast_in_dim3A_678 = vector.shape_cast %reduce_sum3A_677 : vector<512xf32> to vector<512x1xf32>
    %dot_general3A_679 = arith.constant dense<0.000000e+00> : vector<512x256xf32>
    %dot_general3A_680 = tpu.matmul %mul3A_675, %slice3A_664, %dot_general3A_679 {dimension_numbers = #tpu.dot_dimension_numbers<[1], [0], [0], [1], [0, 0, 1, 1], [], []>, transpose_lhs_hint = false} : vector<512x512xf32>, vector<512x256xf32>, vector<512x256xf32> -> vector<512x256xf32>
    %add3A_681 = arith.constant 1.000000e-16 : f32
    %add3A_682 = vector.broadcast %add3A_681 : f32 to vector<512x1xf32>
    %add3A_683 = arith.addf %broadcast_in_dim3A_678, %add3A_682 : vector<512x1xf32>
    %div3A_684 = arith.constant 1.000000e+00 : f32
    %div3A_685 = vector.broadcast %div3A_684 : f32 to vector<512x1xf32>
    %div3A_686 = arith.divf %div3A_685, %add3A_683 : vector<512x1xf32>
    %mul3A_687 = vector.broadcast %div3A_686 : vector<512x1xf32> to vector<512x256xf32>
    %mul3A_688 = arith.mulf %dot_general3A_680, %mul3A_687 : vector<512x256xf32>
    %concatenate3A_689 = tpu.concatenate %mul3A_663, %mul3A_688 in 1 : vector<512x256xf32>, vector<512x256xf32> -> vector<512x512xf32>
    %get3A_690 = arith.constant 0 : index
    %get3A_691 = arith.constant 0 : index
    %get3A_692 = vector.load %arg5[%get3A_690, %get3A_691] : memref<128x512xf32, #tpu.memory_space<vmem>>, vector<128x512xf32>
    %dot_general3A_693 = arith.constant dense<0.000000e+00> : vector<512x512xf32>
    %dot_general3A_694 = tpu.matmul %get3A_618, %get3A_692, %dot_general3A_693 {dimension_numbers = #tpu.dot_dimension_numbers<[1], [0], [0], [1], [0, 0, 1, 1], [], []>, transpose_lhs_hint = false} : vector<512x128xf32>, vector<128x512xf32>, vector<512x512xf32> -> vector<512x512xf32>
    %add3A_695 = arith.addf %concatenate3A_689, %dot_general3A_694 : vector<512x512xf32>
    %get3A_696 = arith.constant 0 : index
    %get3A_697 = arith.constant 0 : index
    %get3A_698 = vector.load %arg8[%get3A_696, %get3A_697] : memref<1x512xf32, #tpu.memory_space<vmem>>, vector<1x512xf32>
    %add3A_699 = vector.broadcast %get3A_698 : vector<1x512xf32> to vector<512x512xf32>
    %add3A_700 = arith.addf %add3A_695, %add3A_699 : vector<512x512xf32>
    %gt3A_701 = arith.constant 0.000000e+00 : f32
    %gt3A_702 = vector.broadcast %gt3A_701 : f32 to vector<512x512xf32>
    %gt3A_703 = arith.cmpf ogt, %add3A_700, %gt3A_702 : vector<512x512xf32>
    %exp3A_704 = math.exp %add3A_700 : vector<512x512xf32>
    %sub3A_705 = arith.constant 1.000000e+00 : f32
    %sub3A_706 = vector.broadcast %sub3A_705 : f32 to vector<512x512xf32>
    %sub3A_707 = arith.subf %exp3A_704, %sub3A_706 : vector<512x512xf32>
    %select_n3A_708 = arith.select %gt3A_703, %add3A_700, %sub3A_707 : vector<512x512xi1>, vector<512x512xf32>
    %get3A_709 = arith.constant 0 : index
    %get3A_710 = arith.constant 0 : index
    %get3A_711 = vector.load %arg9[%get3A_709, %get3A_710] : memref<512x512xf32, #tpu.memory_space<vmem>>, vector<512x512xf32>
    %dot_general3A_712 = arith.constant dense<0.000000e+00> : vector<512x512xf32>
    %dot_general3A_713 = tpu.matmul %select_n3A_708, %get3A_711, %dot_general3A_712 {dimension_numbers = #tpu.dot_dimension_numbers<[1], [0], [0], [1], [0, 0, 1, 1], [], []>, transpose_lhs_hint = false} : vector<512x512xf32>, vector<512x512xf32>, vector<512x512xf32> -> vector<512x512xf32>
    %get3A_714 = arith.constant 0 : index
    %get3A_715 = arith.constant 0 : index
    %get3A_716 = vector.load %arg11[%get3A_714, %get3A_715] : memref<512x2xf32, #tpu.memory_space<vmem>>, vector<512x2xf32>
    %dot_general3A_717 = arith.constant dense<0.000000e+00> : vector<512x2xf32>
    %dot_general3A_718 = tpu.matmul %select_n3A_708, %get3A_716, %dot_general3A_717 {dimension_numbers = #tpu.dot_dimension_numbers<[1], [0], [0], [1], [0, 0, 1, 1], [], []>, transpose_lhs_hint = false} : vector<512x512xf32>, vector<512x2xf32>, vector<512x2xf32> -> vector<512x2xf32>
    %get3A_719 = arith.constant 0 : index
    %get3A_720 = arith.constant 0 : index
    %get3A_721 = vector.load %arg12[%get3A_719, %get3A_720] : memref<2x512xf32, #tpu.memory_space<vmem>>, vector<2x512xf32>
    %dot_general3A_722 = arith.constant dense<0.000000e+00> : vector<2x512xf32>
    %dot_general3A_723 = tpu.matmul %get3A_721, %select_n3A_708, %dot_general3A_722 {dimension_numbers = #tpu.dot_dimension_numbers<[1], [1], [0], [0], [0, 0, 1, 0], [], []>, transpose_lhs_hint = false} : vector<2x512xf32>, vector<512x512xf32>, vector<2x512xf32> -> vector<2x512xf32>
    %slice3A_724 = vector.extract_strided_slice %dot_general3A_713 {offsets = [0, 0], sizes = [512, 256], strides = [1, 1]} : vector<512x512xf32> to vector<512x256xf32>
    %slice3A_725 = vector.extract_strided_slice %dot_general3A_723 {offsets = [0, 0], sizes = [1, 512], strides = [1, 1]} : vector<2x512xf32> to vector<1x512xf32>
    %slice3A_726 = vector.extract_strided_slice %dot_general3A_718 {offsets = [0, 0], sizes = [512, 1], strides = [1, 1]} : vector<512x2xf32> to vector<512x1xf32>
    %add3A_727 = vector.broadcast %slice3A_726 : vector<512x1xf32> to vector<512x512xf32>
    %add3A_728 = vector.broadcast %slice3A_725 : vector<1x512xf32> to vector<512x512xf32>
    %add3A_729 = arith.addf %add3A_727, %add3A_728 : vector<512x512xf32>
    %mul3A_730 = arith.constant 2.000000e-01 : f32
    %mul3A_731 = vector.broadcast %mul3A_730 : f32 to vector<512x512xf32>
    %mul3A_732 = arith.mulf %mul3A_731, %add3A_729 : vector<512x512xf32>
    %max3A_733 = arith.maximumf %add3A_729, %mul3A_732 : vector<512x512xf32>
    %exp23A_734 = math.exp2 %max3A_733 : vector<512x512xf32>
    %mul3A_735 = arith.mulf %get3A_613, %exp23A_734 : vector<512x512xf32>
    %reduce_sum3A_736 = arith.constant dense<0.000000e+00> : vector<512xf32>
    %reduce_sum3A_737 = vector.multi_reduction <add>, %mul3A_735, %reduce_sum3A_736 [1] : vector<512x512xf32> to vector<512xf32>
    %broadcast_in_dim3A_738 = vector.shape_cast %reduce_sum3A_737 : vector<512xf32> to vector<512x1xf32>
    %dot_general3A_739 = arith.constant dense<0.000000e+00> : vector<512x256xf32>
    %dot_general3A_740 = tpu.matmul %mul3A_735, %slice3A_724, %dot_general3A_739 {dimension_numbers = #tpu.dot_dimension_numbers<[1], [0], [0], [1], [0, 0, 1, 1], [], []>, transpose_lhs_hint = false} : vector<512x512xf32>, vector<512x256xf32>, vector<512x256xf32> -> vector<512x256xf32>
    %add3A_741 = arith.constant 1.000000e-16 : f32
    %add3A_742 = vector.broadcast %add3A_741 : f32 to vector<512x1xf32>
    %add3A_743 = arith.addf %broadcast_in_dim3A_738, %add3A_742 : vector<512x1xf32>
    %div3A_744 = arith.constant 1.000000e+00 : f32
    %div3A_745 = vector.broadcast %div3A_744 : f32 to vector<512x1xf32>
    %div3A_746 = arith.divf %div3A_745, %add3A_743 : vector<512x1xf32>
    %mul3A_747 = vector.broadcast %div3A_746 : vector<512x1xf32> to vector<512x256xf32>
    %mul3A_748 = arith.mulf %dot_general3A_740, %mul3A_747 : vector<512x256xf32>
    %slice3A_749 = vector.extract_strided_slice %dot_general3A_713 {offsets = [0, 256], sizes = [512, 256], strides = [1, 1]} : vector<512x512xf32> to vector<512x256xf32>
    %slice3A_750 = vector.extract_strided_slice %dot_general3A_723 {offsets = [1, 0], sizes = [1, 512], strides = [1, 1]} : vector<2x512xf32> to vector<1x512xf32>
    %slice3A_751 = vector.extract_strided_slice %dot_general3A_718 {offsets = [0, 1], sizes = [512, 1], strides = [1, 1]} : vector<512x2xf32> to vector<512x1xf32>
    %add3A_752 = vector.broadcast %slice3A_751 : vector<512x1xf32> to vector<512x512xf32>
    %add3A_753 = vector.broadcast %slice3A_750 : vector<1x512xf32> to vector<512x512xf32>
    %add3A_754 = arith.addf %add3A_752, %add3A_753 : vector<512x512xf32>
    %mul3A_755 = arith.constant 2.000000e-01 : f32
    %mul3A_756 = vector.broadcast %mul3A_755 : f32 to vector<512x512xf32>
    %mul3A_757 = arith.mulf %mul3A_756, %add3A_754 : vector<512x512xf32>
    %max3A_758 = arith.maximumf %add3A_754, %mul3A_757 : vector<512x512xf32>
    %exp23A_759 = math.exp2 %max3A_758 : vector<512x512xf32>
    %mul3A_760 = arith.mulf %get3A_613, %exp23A_759 : vector<512x512xf32>
    %reduce_sum3A_761 = arith.constant dense<0.000000e+00> : vector<512xf32>
    %reduce_sum3A_762 = vector.multi_reduction <add>, %mul3A_760, %reduce_sum3A_761 [1] : vector<512x512xf32> to vector<512xf32>
    %broadcast_in_dim3A_763 = vector.shape_cast %reduce_sum3A_762 : vector<512xf32> to vector<512x1xf32>
    %dot_general3A_764 = arith.constant dense<0.000000e+00> : vector<512x256xf32>
    %dot_general3A_765 = tpu.matmul %mul3A_760, %slice3A_749, %dot_general3A_764 {dimension_numbers = #tpu.dot_dimension_numbers<[1], [0], [0], [1], [0, 0, 1, 1], [], []>, transpose_lhs_hint = false} : vector<512x512xf32>, vector<512x256xf32>, vector<512x256xf32> -> vector<512x256xf32>
    %add3A_766 = arith.constant 1.000000e-16 : f32
    %add3A_767 = vector.broadcast %add3A_766 : f32 to vector<512x1xf32>
    %add3A_768 = arith.addf %broadcast_in_dim3A_763, %add3A_767 : vector<512x1xf32>
    %div3A_769 = arith.constant 1.000000e+00 : f32
    %div3A_770 = vector.broadcast %div3A_769 : f32 to vector<512x1xf32>
    %div3A_771 = arith.divf %div3A_770, %add3A_768 : vector<512x1xf32>
    %mul3A_772 = vector.broadcast %div3A_771 : vector<512x1xf32> to vector<512x256xf32>
    %mul3A_773 = arith.mulf %dot_general3A_765, %mul3A_772 : vector<512x256xf32>
    %concatenate3A_774 = tpu.concatenate %mul3A_748, %mul3A_773 in 1 : vector<512x256xf32>, vector<512x256xf32> -> vector<512x512xf32>
    %get3A_775 = arith.constant 0 : index
    %get3A_776 = arith.constant 0 : index
    %get3A_777 = vector.load %arg10[%get3A_775, %get3A_776] : memref<512x512xf32, #tpu.memory_space<vmem>>, vector<512x512xf32>
    %dot_general3A_778 = arith.constant dense<0.000000e+00> : vector<512x512xf32>
    %dot_general3A_779 = tpu.matmul %select_n3A_708, %get3A_777, %dot_general3A_778 {dimension_numbers = #tpu.dot_dimension_numbers<[1], [0], [0], [1], [0, 0, 1, 1], [], []>, transpose_lhs_hint = false} : vector<512x512xf32>, vector<512x512xf32>, vector<512x512xf32> -> vector<512x512xf32>
    %add3A_780 = arith.addf %concatenate3A_774, %dot_general3A_779 : vector<512x512xf32>
    %get3A_781 = arith.constant 0 : index
    %get3A_782 = arith.constant 0 : index
    %get3A_783 = vector.load %arg13[%get3A_781, %get3A_782] : memref<1x512xf32, #tpu.memory_space<vmem>>, vector<1x512xf32>
    %add3A_784 = vector.broadcast %get3A_783 : vector<1x512xf32> to vector<512x512xf32>
    %add3A_785 = arith.addf %add3A_780, %add3A_784 : vector<512x512xf32>
    %gt3A_786 = arith.constant 0.000000e+00 : f32
    %gt3A_787 = vector.broadcast %gt3A_786 : f32 to vector<512x512xf32>
    %gt3A_788 = arith.cmpf ogt, %add3A_785, %gt3A_787 : vector<512x512xf32>
    %exp3A_789 = math.exp %add3A_785 : vector<512x512xf32>
    %sub3A_790 = arith.constant 1.000000e+00 : f32
    %sub3A_791 = vector.broadcast %sub3A_790 : f32 to vector<512x512xf32>
    %sub3A_792 = arith.subf %exp3A_789, %sub3A_791 : vector<512x512xf32>
    %select_n3A_793 = arith.select %gt3A_788, %add3A_785, %sub3A_792 : vector<512x512xi1>, vector<512x512xf32>
    %get3A_794 = arith.constant 0 : index
    %get3A_795 = arith.constant 0 : index
    %get3A_796 = vector.load %arg14[%get3A_794, %get3A_795] : memref<512x256xf32, #tpu.memory_space<vmem>>, vector<512x256xf32>
    %dot_general3A_797 = arith.constant dense<0.000000e+00> : vector<512x256xf32>
    %dot_general3A_798 = tpu.matmul %select_n3A_793, %get3A_796, %dot_general3A_797 {dimension_numbers = #tpu.dot_dimension_numbers<[1], [0], [0], [1], [0, 0, 1, 1], [], []>, transpose_lhs_hint = false} : vector<512x512xf32>, vector<512x256xf32>, vector<512x256xf32> -> vector<512x256xf32>
    %get3A_799 = arith.constant 0 : index
    %get3A_800 = arith.constant 0 : index
    %get3A_801 = vector.load %arg16[%get3A_799, %get3A_800] : memref<512x2xf32, #tpu.memory_space<vmem>>, vector<512x2xf32>
    %dot_general3A_802 = arith.constant dense<0.000000e+00> : vector<512x2xf32>
    %dot_general3A_803 = tpu.matmul %select_n3A_793, %get3A_801, %dot_general3A_802 {dimension_numbers = #tpu.dot_dimension_numbers<[1], [0], [0], [1], [0, 0, 1, 1], [], []>, transpose_lhs_hint = false} : vector<512x512xf32>, vector<512x2xf32>, vector<512x2xf32> -> vector<512x2xf32>
    %get3A_804 = arith.constant 0 : index
    %get3A_805 = arith.constant 0 : index
    %get3A_806 = vector.load %arg17[%get3A_804, %get3A_805] : memref<2x512xf32, #tpu.memory_space<vmem>>, vector<2x512xf32>
    %dot_general3A_807 = arith.constant dense<0.000000e+00> : vector<2x512xf32>
    %dot_general3A_808 = tpu.matmul %get3A_806, %select_n3A_793, %dot_general3A_807 {dimension_numbers = #tpu.dot_dimension_numbers<[1], [1], [0], [0], [0, 0, 1, 0], [], []>, transpose_lhs_hint = false} : vector<2x512xf32>, vector<512x512xf32>, vector<2x512xf32> -> vector<2x512xf32>
    %slice3A_809 = vector.extract_strided_slice %dot_general3A_798 {offsets = [0, 0], sizes = [512, 128], strides = [1, 1]} : vector<512x256xf32> to vector<512x128xf32>
    %slice3A_810 = vector.extract_strided_slice %dot_general3A_808 {offsets = [0, 0], sizes = [1, 512], strides = [1, 1]} : vector<2x512xf32> to vector<1x512xf32>
    %slice3A_811 = vector.extract_strided_slice %dot_general3A_803 {offsets = [0, 0], sizes = [512, 1], strides = [1, 1]} : vector<512x2xf32> to vector<512x1xf32>
    %add3A_812 = vector.broadcast %slice3A_811 : vector<512x1xf32> to vector<512x512xf32>
    %add3A_813 = vector.broadcast %slice3A_810 : vector<1x512xf32> to vector<512x512xf32>
    %add3A_814 = arith.addf %add3A_812, %add3A_813 : vector<512x512xf32>
    %mul3A_815 = arith.constant 2.000000e-01 : f32
    %mul3A_816 = vector.broadcast %mul3A_815 : f32 to vector<512x512xf32>
    %mul3A_817 = arith.mulf %mul3A_816, %add3A_814 : vector<512x512xf32>
    %max3A_818 = arith.maximumf %add3A_814, %mul3A_817 : vector<512x512xf32>
    %exp23A_819 = math.exp2 %max3A_818 : vector<512x512xf32>
    %mul3A_820 = arith.mulf %get3A_613, %exp23A_819 : vector<512x512xf32>
    %reduce_sum3A_821 = arith.constant dense<0.000000e+00> : vector<512xf32>
    %reduce_sum3A_822 = vector.multi_reduction <add>, %mul3A_820, %reduce_sum3A_821 [1] : vector<512x512xf32> to vector<512xf32>
    %broadcast_in_dim3A_823 = vector.shape_cast %reduce_sum3A_822 : vector<512xf32> to vector<512x1xf32>
    %dot_general3A_824 = arith.constant dense<0.000000e+00> : vector<512x128xf32>
    %dot_general3A_825 = tpu.matmul %mul3A_820, %slice3A_809, %dot_general3A_824 {dimension_numbers = #tpu.dot_dimension_numbers<[1], [0], [0], [1], [0, 0, 1, 1], [], []>, transpose_lhs_hint = false} : vector<512x512xf32>, vector<512x128xf32>, vector<512x128xf32> -> vector<512x128xf32>
    %add3A_826 = arith.constant 1.000000e-16 : f32
    %add3A_827 = vector.broadcast %add3A_826 : f32 to vector<512x1xf32>
    %add3A_828 = arith.addf %broadcast_in_dim3A_823, %add3A_827 : vector<512x1xf32>
    %div3A_829 = arith.constant 1.000000e+00 : f32
    %div3A_830 = vector.broadcast %div3A_829 : f32 to vector<512x1xf32>
    %div3A_831 = arith.divf %div3A_830, %add3A_828 : vector<512x1xf32>
    %mul3A_832 = vector.broadcast %div3A_831 : vector<512x1xf32> to vector<512x128xf32>
    %mul3A_833 = arith.mulf %dot_general3A_825, %mul3A_832 : vector<512x128xf32>
    %slice3A_834 = vector.extract_strided_slice %dot_general3A_798 {offsets = [0, 128], sizes = [512, 128], strides = [1, 1]} : vector<512x256xf32> to vector<512x128xf32>
    %slice3A_835 = vector.extract_strided_slice %dot_general3A_808 {offsets = [1, 0], sizes = [1, 512], strides = [1, 1]} : vector<2x512xf32> to vector<1x512xf32>
    %slice3A_836 = vector.extract_strided_slice %dot_general3A_803 {offsets = [0, 1], sizes = [512, 1], strides = [1, 1]} : vector<512x2xf32> to vector<512x1xf32>
    %add3A_837 = vector.broadcast %slice3A_836 : vector<512x1xf32> to vector<512x512xf32>
    %add3A_838 = vector.broadcast %slice3A_835 : vector<1x512xf32> to vector<512x512xf32>
    %add3A_839 = arith.addf %add3A_837, %add3A_838 : vector<512x512xf32>
    %mul3A_840 = arith.constant 2.000000e-01 : f32
    %mul3A_841 = vector.broadcast %mul3A_840 : f32 to vector<512x512xf32>
    %mul3A_842 = arith.mulf %mul3A_841, %add3A_839 : vector<512x512xf32>
    %max3A_843 = arith.maximumf %add3A_839, %mul3A_842 : vector<512x512xf32>
    %exp23A_844 = math.exp2 %max3A_843 : vector<512x512xf32>
    %mul3A_845 = arith.mulf %get3A_613, %exp23A_844 : vector<512x512xf32>
    %reduce_sum3A_846 = arith.constant dense<0.000000e+00> : vector<512xf32>
    %reduce_sum3A_847 = vector.multi_reduction <add>, %mul3A_845, %reduce_sum3A_846 [1] : vector<512x512xf32> to vector<512xf32>
    %broadcast_in_dim3A_848 = vector.shape_cast %reduce_sum3A_847 : vector<512xf32> to vector<512x1xf32>
    %dot_general3A_849 = arith.constant dense<0.000000e+00> : vector<512x128xf32>
    %dot_general3A_850 = tpu.matmul %mul3A_845, %slice3A_834, %dot_general3A_849 {dimension_numbers = #tpu.dot_dimension_numbers<[1], [0], [0], [1], [0, 0, 1, 1], [], []>, transpose_lhs_hint = false} : vector<512x512xf32>, vector<512x128xf32>, vector<512x128xf32> -> vector<512x128xf32>
    %add3A_851 = arith.constant 1.000000e-16 : f32
    %add3A_852 = vector.broadcast %add3A_851 : f32 to vector<512x1xf32>
    %add3A_853 = arith.addf %broadcast_in_dim3A_848, %add3A_852 : vector<512x1xf32>
    %div3A_854 = arith.constant 1.000000e+00 : f32
    %div3A_855 = vector.broadcast %div3A_854 : f32 to vector<512x1xf32>
    %div3A_856 = arith.divf %div3A_855, %add3A_853 : vector<512x1xf32>
    %mul3A_857 = vector.broadcast %div3A_856 : vector<512x1xf32> to vector<512x128xf32>
    %mul3A_858 = arith.mulf %dot_general3A_850, %mul3A_857 : vector<512x128xf32>
    %add3A_859 = arith.addf %mul3A_833, %mul3A_858 : vector<512x128xf32>
    %mul3A_860 = arith.constant 5.000000e-01 : f32
    %mul3A_861 = vector.broadcast %mul3A_860 : f32 to vector<512x128xf32>
    %mul3A_862 = arith.mulf %add3A_859, %mul3A_861 : vector<512x128xf32>
    %get3A_863 = arith.constant 0 : index
    %get3A_864 = arith.constant 0 : index
    %get3A_865 = vector.load %arg15[%get3A_863, %get3A_864] : memref<512x128xf32, #tpu.memory_space<vmem>>, vector<512x128xf32>
    %dot_general3A_866 = arith.constant dense<0.000000e+00> : vector<512x128xf32>
    %dot_general3A_867 = tpu.matmul %select_n3A_793, %get3A_865, %dot_general3A_866 {dimension_numbers = #tpu.dot_dimension_numbers<[1], [0], [0], [1], [0, 0, 1, 1], [], []>, transpose_lhs_hint = false} : vector<512x512xf32>, vector<512x128xf32>, vector<512x128xf32> -> vector<512x128xf32>
    %add3A_868 = arith.addf %mul3A_862, %dot_general3A_867 : vector<512x128xf32>
    %get3A_869 = arith.constant 0 : index
    %get3A_870 = arith.constant 0 : index
    %get3A_871 = vector.load %arg18[%get3A_869, %get3A_870] : memref<1x128xf32, #tpu.memory_space<vmem>>, vector<1x128xf32>
    %add3A_872 = vector.broadcast %get3A_871 : vector<1x128xf32> to vector<512x128xf32>
    %add3A_873 = arith.addf %add3A_868, %add3A_872 : vector<512x128xf32>
    %get3A_874 = arith.constant 0 : index
    %get3A_875 = arith.constant 0 : index
    %get3A_876 = vector.load %arg19[%get3A_874, %get3A_875] : memref<256x128xf32, #tpu.memory_space<vmem>>, vector<256x128xf32>
    %slice3A_877 = vector.extract_strided_slice %get3A_876 {offsets = [0, 0], sizes = [128, 128], strides = [1, 1]} : vector<256x128xf32> to vector<128x128xf32>
    %dot_general3A_878 = arith.constant dense<0.000000e+00> : vector<512x128xf32>
    %dot_general3A_879 = tpu.matmul %add3A_873, %slice3A_877, %dot_general3A_878 {dimension_numbers = #tpu.dot_dimension_numbers<[1], [0], [0], [1], [0, 0, 1, 1], [], []>, transpose_lhs_hint = false} : vector<512x128xf32>, vector<128x128xf32>, vector<512x128xf32> -> vector<512x128xf32>
    %slice3A_880 = vector.extract_strided_slice %get3A_876 {offsets = [128, 0], sizes = [128, 128], strides = [1, 1]} : vector<256x128xf32> to vector<128x128xf32>
    %dot_general3A_881 = arith.constant dense<0.000000e+00> : vector<512x128xf32>
    %dot_general3A_882 = tpu.matmul %get3A_623, %slice3A_880, %dot_general3A_881 {dimension_numbers = #tpu.dot_dimension_numbers<[1], [0], [0], [1], [0, 0, 1, 1], [], []>, transpose_lhs_hint = false} : vector<512x128xf32>, vector<128x128xf32>, vector<512x128xf32> -> vector<512x128xf32>
    %add3A_883 = arith.addf %dot_general3A_879, %dot_general3A_882 : vector<512x128xf32>
    %add3A_884 = arith.addf %add3A_883, %get3A_618 : vector<512x128xf32>
    %reduce_sum3A_885 = arith.constant dense<0.000000e+00> : vector<512xf32>
    %reduce_sum3A_886 = vector.multi_reduction <add>, %add3A_884, %reduce_sum3A_885 [1] : vector<512x128xf32> to vector<512xf32>
    %broadcast_in_dim3A_887 = vector.shape_cast %reduce_sum3A_886 : vector<512xf32> to vector<512x1xf32>
    %div3A_888 = arith.constant 1.280000e+02 : f32
    %div3A_889 = vector.broadcast %div3A_888 : f32 to vector<512x1xf32>
    %div3A_890 = arith.divf %broadcast_in_dim3A_887, %div3A_889 : vector<512x1xf32>
    %sub3A_891 = vector.broadcast %div3A_890 : vector<512x1xf32> to vector<512x128xf32>
    %sub3A_892 = arith.subf %add3A_884, %sub3A_891 : vector<512x128xf32>
    %mul3A_893 = arith.mulf %sub3A_892, %sub3A_892 : vector<512x128xf32>
    %reduce_sum3A_894 = arith.constant dense<0.000000e+00> : vector<512xf32>
    %reduce_sum3A_895 = vector.multi_reduction <add>, %mul3A_893, %reduce_sum3A_894 [1] : vector<512x128xf32> to vector<512xf32>
    %broadcast_in_dim3A_896 = vector.shape_cast %reduce_sum3A_895 : vector<512xf32> to vector<512x1xf32>
    %div3A_897 = arith.constant 1.280000e+02 : f32
    %div3A_898 = vector.broadcast %div3A_897 : f32 to vector<512x1xf32>
    %div3A_899 = arith.divf %broadcast_in_dim3A_896, %div3A_898 : vector<512x1xf32>
    %add3A_900 = arith.constant 9.99999997E-7 : f32
    %add3A_901 = vector.broadcast %add3A_900 : f32 to vector<512x1xf32>
    %add3A_902 = arith.addf %div3A_899, %add3A_901 : vector<512x1xf32>
    %rsqrt3A_903 = math.rsqrt %add3A_902 : vector<512x1xf32>
    %mul3A_904 = vector.broadcast %rsqrt3A_903 : vector<512x1xf32> to vector<512x128xf32>
    %mul3A_905 = arith.mulf %sub3A_892, %mul3A_904 : vector<512x128xf32>
    %get3A_906 = arith.constant 0 : index
    %get3A_907 = arith.constant 0 : index
    %get3A_908 = vector.load %arg20[%get3A_906, %get3A_907] : memref<1x128xf32, #tpu.memory_space<vmem>>, vector<1x128xf32>
    %mul3A_909 = vector.broadcast %get3A_908 : vector<1x128xf32> to vector<512x128xf32>
    %mul3A_910 = arith.mulf %mul3A_905, %mul3A_909 : vector<512x128xf32>
    %get3A_911 = arith.constant 0 : index
    %get3A_912 = arith.constant 0 : index
    %get3A_913 = vector.load %arg21[%get3A_911, %get3A_912] : memref<1x128xf32, #tpu.memory_space<vmem>>, vector<1x128xf32>
    %add3A_914 = vector.broadcast %get3A_913 : vector<1x128xf32> to vector<512x128xf32>
    %add3A_915 = arith.addf %mul3A_910, %add3A_914 : vector<512x128xf32>
    %swap3A_916 = arith.constant 2 : index
    %swap3A_917 = arith.constant 0 : index
    %swap3A_918 = arith.constant 0 : index
    %swap3A_919 = vector.load %arg22[%swap3A_916, %swap3A_917, %swap3A_918] : memref<4x512x128xf32, #tpu.memory_space<vmem>>, vector<1x512x128xf32>
    %swap3A_920 = vector.shape_cast %swap3A_919 : vector<1x512x128xf32> to vector<512x128xf32>
    %swap3A_921 = vector.shape_cast %add3A_915 : vector<512x128xf32> to vector<1x512x128xf32>
    tpu.vector_store %arg22[%swap3A_916, %swap3A_917, %swap3A_918], %swap3A_921 {strides = array<i32>} : memref<4x512x128xf32, #tpu.memory_space<vmem>>, vector<1x512x128xf32>,
    %get3A_922 = arith.constant 3 : index
    %get3A_923 = arith.constant 0 : index
    %get3A_924 = arith.constant 0 : index
    %get3A_925 = vector.load %arg1[%get3A_922, %get3A_923, %get3A_924] : memref<4x512x512xf32, #tpu.memory_space<vmem>>, vector<1x512x512xf32>
    %get3A_926 = vector.shape_cast %get3A_925 : vector<1x512x512xf32> to vector<512x512xf32>
    %get3A_927 = arith.constant 3 : index
    %get3A_928 = arith.constant 0 : index
    %get3A_929 = arith.constant 0 : index
    %get3A_930 = vector.load %arg2[%get3A_927, %get3A_928, %get3A_929] : memref<4x512x128xf32, #tpu.memory_space<vmem>>, vector<1x512x128xf32>
    %get3A_931 = vector.shape_cast %get3A_930 : vector<1x512x128xf32> to vector<512x128xf32>
    %get3A_932 = arith.constant 3 : index
    %get3A_933 = arith.constant 0 : index
    %get3A_934 = arith.constant 0 : index
    %get3A_935 = vector.load %arg3[%get3A_932, %get3A_933, %get3A_934] : memref<4x512x128xf32, #tpu.memory_space<vmem>>, vector<1x512x128xf32>
    %get3A_936 = vector.shape_cast %get3A_935 : vector<1x512x128xf32> to vector<512x128xf32>
    %get3A_937 = arith.constant 0 : index
    %get3A_938 = arith.constant 0 : index
    %get3A_939 = vector.load %arg4[%get3A_937, %get3A_938] : memref<128x512xf32, #tpu.memory_space<vmem>>, vector<128x512xf32>
    %dot_general3A_940 = arith.constant dense<0.000000e+00> : vector<512x512xf32>
    %dot_general3A_941 = tpu.matmul %get3A_931, %get3A_939, %dot_general3A_940 {dimension_numbers = #tpu.dot_dimension_numbers<[1], [0], [0], [1], [0, 0, 1, 1], [], []>, transpose_lhs_hint = false} : vector<512x128xf32>, vector<128x512xf32>, vector<512x512xf32> -> vector<512x512xf32>
    %get3A_942 = arith.constant 0 : index
    %get3A_943 = arith.constant 0 : index
    %get3A_944 = vector.load %arg6[%get3A_942, %get3A_943] : memref<128x2xf32, #tpu.memory_space<vmem>>, vector<128x2xf32>
    %dot_general3A_945 = arith.constant dense<0.000000e+00> : vector<512x2xf32>
    %dot_general3A_946 = tpu.matmul %get3A_931, %get3A_944, %dot_general3A_945 {dimension_numbers = #tpu.dot_dimension_numbers<[1], [0], [0], [1], [0, 0, 1, 1], [], []>, transpose_lhs_hint = false} : vector<512x128xf32>, vector<128x2xf32>, vector<512x2xf32> -> vector<512x2xf32>
    %get3A_947 = arith.constant 0 : index
    %get3A_948 = arith.constant 0 : index
    %get3A_949 = vector.load %arg7[%get3A_947, %get3A_948] : memref<2x128xf32, #tpu.memory_space<vmem>>, vector<2x128xf32>
    %dot_general3A_950 = arith.constant dense<0.000000e+00> : vector<2x512xf32>
    %dot_general3A_951 = tpu.matmul %get3A_949, %get3A_931, %dot_general3A_950 {dimension_numbers = #tpu.dot_dimension_numbers<[1], [1], [0], [0], [0, 0, 1, 0], [], []>, transpose_lhs_hint = false} : vector<2x128xf32>, vector<512x128xf32>, vector<2x512xf32> -> vector<2x512xf32>
    %slice3A_952 = vector.extract_strided_slice %dot_general3A_941 {offsets = [0, 0], sizes = [512, 256], strides = [1, 1]} : vector<512x512xf32> to vector<512x256xf32>
    %slice3A_953 = vector.extract_strided_slice %dot_general3A_951 {offsets = [0, 0], sizes = [1, 512], strides = [1, 1]} : vector<2x512xf32> to vector<1x512xf32>
    %slice3A_954 = vector.extract_strided_slice %dot_general3A_946 {offsets = [0, 0], sizes = [512, 1], strides = [1, 1]} : vector<512x2xf32> to vector<512x1xf32>
    %add3A_955 = vector.broadcast %slice3A_954 : vector<512x1xf32> to vector<512x512xf32>
    %add3A_956 = vector.broadcast %slice3A_953 : vector<1x512xf32> to vector<512x512xf32>
    %add3A_957 = arith.addf %add3A_955, %add3A_956 : vector<512x512xf32>
    %mul3A_958 = arith.constant 2.000000e-01 : f32
    %mul3A_959 = vector.broadcast %mul3A_958 : f32 to vector<512x512xf32>
    %mul3A_960 = arith.mulf %mul3A_959, %add3A_957 : vector<512x512xf32>
    %max3A_961 = arith.maximumf %add3A_957, %mul3A_960 : vector<512x512xf32>
    %exp23A_962 = math.exp2 %max3A_961 : vector<512x512xf32>
    %mul3A_963 = arith.mulf %get3A_926, %exp23A_962 : vector<512x512xf32>
    %reduce_sum3A_964 = arith.constant dense<0.000000e+00> : vector<512xf32>
    %reduce_sum3A_965 = vector.multi_reduction <add>, %mul3A_963, %reduce_sum3A_964 [1] : vector<512x512xf32> to vector<512xf32>
    %broadcast_in_dim3A_966 = vector.shape_cast %reduce_sum3A_965 : vector<512xf32> to vector<512x1xf32>
    %dot_general3A_967 = arith.constant dense<0.000000e+00> : vector<512x256xf32>
    %dot_general3A_968 = tpu.matmul %mul3A_963, %slice3A_952, %dot_general3A_967 {dimension_numbers = #tpu.dot_dimension_numbers<[1], [0], [0], [1], [0, 0, 1, 1], [], []>, transpose_lhs_hint = false} : vector<512x512xf32>, vector<512x256xf32>, vector<512x256xf32> -> vector<512x256xf32>
    %add3A_969 = arith.constant 1.000000e-16 : f32
    %add3A_970 = vector.broadcast %add3A_969 : f32 to vector<512x1xf32>
    %add3A_971 = arith.addf %broadcast_in_dim3A_966, %add3A_970 : vector<512x1xf32>
    %div3A_972 = arith.constant 1.000000e+00 : f32
    %div3A_973 = vector.broadcast %div3A_972 : f32 to vector<512x1xf32>
    %div3A_974 = arith.divf %div3A_973, %add3A_971 : vector<512x1xf32>
    %mul3A_975 = vector.broadcast %div3A_974 : vector<512x1xf32> to vector<512x256xf32>
    %mul3A_976 = arith.mulf %dot_general3A_968, %mul3A_975 : vector<512x256xf32>
    %slice3A_977 = vector.extract_strided_slice %dot_general3A_941 {offsets = [0, 256], sizes = [512, 256], strides = [1, 1]} : vector<512x512xf32> to vector<512x256xf32>
    %slice3A_978 = vector.extract_strided_slice %dot_general3A_951 {offsets = [1, 0], sizes = [1, 512], strides = [1, 1]} : vector<2x512xf32> to vector<1x512xf32>
    %slice3A_979 = vector.extract_strided_slice %dot_general3A_946 {offsets = [0, 1], sizes = [512, 1], strides = [1, 1]} : vector<512x2xf32> to vector<512x1xf32>
    %add3A_980 = vector.broadcast %slice3A_979 : vector<512x1xf32> to vector<512x512xf32>
    %add3A_981 = vector.broadcast %slice3A_978 : vector<1x512xf32> to vector<512x512xf32>
    %add3A_982 = arith.addf %add3A_980, %add3A_981 : vector<512x512xf32>
    %mul3A_983 = arith.constant 2.000000e-01 : f32
    %mul3A_984 = vector.broadcast %mul3A_983 : f32 to vector<512x512xf32>
    %mul3A_985 = arith.mulf %mul3A_984, %add3A_982 : vector<512x512xf32>
    %max3A_986 = arith.maximumf %add3A_982, %mul3A_985 : vector<512x512xf32>
    %exp23A_987 = math.exp2 %max3A_986 : vector<512x512xf32>
    %mul3A_988 = arith.mulf %get3A_926, %exp23A_987 : vector<512x512xf32>
    %reduce_sum3A_989 = arith.constant dense<0.000000e+00> : vector<512xf32>
    %reduce_sum3A_990 = vector.multi_reduction <add>, %mul3A_988, %reduce_sum3A_989 [1] : vector<512x512xf32> to vector<512xf32>
    %broadcast_in_dim3A_991 = vector.shape_cast %reduce_sum3A_990 : vector<512xf32> to vector<512x1xf32>
    %dot_general3A_992 = arith.constant dense<0.000000e+00> : vector<512x256xf32>
    %dot_general3A_993 = tpu.matmul %mul3A_988, %slice3A_977, %dot_general3A_992 {dimension_numbers = #tpu.dot_dimension_numbers<[1], [0], [0], [1], [0, 0, 1, 1], [], []>, transpose_lhs_hint = false} : vector<512x512xf32>, vector<512x256xf32>, vector<512x256xf32> -> vector<512x256xf32>
    %add3A_994 = arith.constant 1.000000e-16 : f32
    %add3A_995 = vector.broadcast %add3A_994 : f32 to vector<512x1xf32>
    %add3A_996 = arith.addf %broadcast_in_dim3A_991, %add3A_995 : vector<512x1xf32>
    %div3A_997 = arith.constant 1.000000e+00 : f32
    %div3A_998 = vector.broadcast %div3A_997 : f32 to vector<512x1xf32>
    %div3A_999 = arith.divf %div3A_998, %add3A_996 : vector<512x1xf32>
    %mul3A_1000 = vector.broadcast %div3A_999 : vector<512x1xf32> to vector<512x256xf32>
    %mul3A_1001 = arith.mulf %dot_general3A_993, %mul3A_1000 : vector<512x256xf32>
    %concatenate3A_1002 = tpu.concatenate %mul3A_976, %mul3A_1001 in 1 : vector<512x256xf32>, vector<512x256xf32> -> vector<512x512xf32>
    %get3A_1003 = arith.constant 0 : index
    %get3A_1004 = arith.constant 0 : index
    %get3A_1005 = vector.load %arg5[%get3A_1003, %get3A_1004] : memref<128x512xf32, #tpu.memory_space<vmem>>, vector<128x512xf32>
    %dot_general3A_1006 = arith.constant dense<0.000000e+00> : vector<512x512xf32>
    %dot_general3A_1007 = tpu.matmul %get3A_931, %get3A_1005, %dot_general3A_1006 {dimension_numbers = #tpu.dot_dimension_numbers<[1], [0], [0], [1], [0, 0, 1, 1], [], []>, transpose_lhs_hint = false} : vector<512x128xf32>, vector<128x512xf32>, vector<512x512xf32> -> vector<512x512xf32>
    %add3A_1008 = arith.addf %concatenate3A_1002, %dot_general3A_1007 : vector<512x512xf32>
    %get3A_1009 = arith.constant 0 : index
    %get3A_1010 = arith.constant 0 : index
    %get3A_1011 = vector.load %arg8[%get3A_1009, %get3A_1010] : memref<1x512xf32, #tpu.memory_space<vmem>>, vector<1x512xf32>
    %add3A_1012 = vector.broadcast %get3A_1011 : vector<1x512xf32> to vector<512x512xf32>
    %add3A_1013 = arith.addf %add3A_1008, %add3A_1012 : vector<512x512xf32>
    %gt3A_1014 = arith.constant 0.000000e+00 : f32
    %gt3A_1015 = vector.broadcast %gt3A_1014 : f32 to vector<512x512xf32>
    %gt3A_1016 = arith.cmpf ogt, %add3A_1013, %gt3A_1015 : vector<512x512xf32>
    %exp3A_1017 = math.exp %add3A_1013 : vector<512x512xf32>
    %sub3A_1018 = arith.constant 1.000000e+00 : f32
    %sub3A_1019 = vector.broadcast %sub3A_1018 : f32 to vector<512x512xf32>
    %sub3A_1020 = arith.subf %exp3A_1017, %sub3A_1019 : vector<512x512xf32>
    %select_n3A_1021 = arith.select %gt3A_1016, %add3A_1013, %sub3A_1020 : vector<512x512xi1>, vector<512x512xf32>
    %get3A_1022 = arith.constant 0 : index
    %get3A_1023 = arith.constant 0 : index
    %get3A_1024 = vector.load %arg9[%get3A_1022, %get3A_1023] : memref<512x512xf32, #tpu.memory_space<vmem>>, vector<512x512xf32>
    %dot_general3A_1025 = arith.constant dense<0.000000e+00> : vector<512x512xf32>
    %dot_general3A_1026 = tpu.matmul %select_n3A_1021, %get3A_1024, %dot_general3A_1025 {dimension_numbers = #tpu.dot_dimension_numbers<[1], [0], [0], [1], [0, 0, 1, 1], [], []>, transpose_lhs_hint = false} : vector<512x512xf32>, vector<512x512xf32>, vector<512x512xf32> -> vector<512x512xf32>
    %get3A_1027 = arith.constant 0 : index
    %get3A_1028 = arith.constant 0 : index
    %get3A_1029 = vector.load %arg11[%get3A_1027, %get3A_1028] : memref<512x2xf32, #tpu.memory_space<vmem>>, vector<512x2xf32>
    %dot_general3A_1030 = arith.constant dense<0.000000e+00> : vector<512x2xf32>
    %dot_general3A_1031 = tpu.matmul %select_n3A_1021, %get3A_1029, %dot_general3A_1030 {dimension_numbers = #tpu.dot_dimension_numbers<[1], [0], [0], [1], [0, 0, 1, 1], [], []>, transpose_lhs_hint = false} : vector<512x512xf32>, vector<512x2xf32>, vector<512x2xf32> -> vector<512x2xf32>
    %get3A_1032 = arith.constant 0 : index
    %get3A_1033 = arith.constant 0 : index
    %get3A_1034 = vector.load %arg12[%get3A_1032, %get3A_1033] : memref<2x512xf32, #tpu.memory_space<vmem>>, vector<2x512xf32>
    %dot_general3A_1035 = arith.constant dense<0.000000e+00> : vector<2x512xf32>
    %dot_general3A_1036 = tpu.matmul %get3A_1034, %select_n3A_1021, %dot_general3A_1035 {dimension_numbers = #tpu.dot_dimension_numbers<[1], [1], [0], [0], [0, 0, 1, 0], [], []>, transpose_lhs_hint = false} : vector<2x512xf32>, vector<512x512xf32>, vector<2x512xf32> -> vector<2x512xf32>
    %slice3A_1037 = vector.extract_strided_slice %dot_general3A_1026 {offsets = [0, 0], sizes = [512, 256], strides = [1, 1]} : vector<512x512xf32> to vector<512x256xf32>
    %slice3A_1038 = vector.extract_strided_slice %dot_general3A_1036 {offsets = [0, 0], sizes = [1, 512], strides = [1, 1]} : vector<2x512xf32> to vector<1x512xf32>
    %slice3A_1039 = vector.extract_strided_slice %dot_general3A_1031 {offsets = [0, 0], sizes = [512, 1], strides = [1, 1]} : vector<512x2xf32> to vector<512x1xf32>
    %add3A_1040 = vector.broadcast %slice3A_1039 : vector<512x1xf32> to vector<512x512xf32>
    %add3A_1041 = vector.broadcast %slice3A_1038 : vector<1x512xf32> to vector<512x512xf32>
    %add3A_1042 = arith.addf %add3A_1040, %add3A_1041 : vector<512x512xf32>
    %mul3A_1043 = arith.constant 2.000000e-01 : f32
    %mul3A_1044 = vector.broadcast %mul3A_1043 : f32 to vector<512x512xf32>
    %mul3A_1045 = arith.mulf %mul3A_1044, %add3A_1042 : vector<512x512xf32>
    %max3A_1046 = arith.maximumf %add3A_1042, %mul3A_1045 : vector<512x512xf32>
    %exp23A_1047 = math.exp2 %max3A_1046 : vector<512x512xf32>
    %mul3A_1048 = arith.mulf %get3A_926, %exp23A_1047 : vector<512x512xf32>
    %reduce_sum3A_1049 = arith.constant dense<0.000000e+00> : vector<512xf32>
    %reduce_sum3A_1050 = vector.multi_reduction <add>, %mul3A_1048, %reduce_sum3A_1049 [1] : vector<512x512xf32> to vector<512xf32>
    %broadcast_in_dim3A_1051 = vector.shape_cast %reduce_sum3A_1050 : vector<512xf32> to vector<512x1xf32>
    %dot_general3A_1052 = arith.constant dense<0.000000e+00> : vector<512x256xf32>
    %dot_general3A_1053 = tpu.matmul %mul3A_1048, %slice3A_1037, %dot_general3A_1052 {dimension_numbers = #tpu.dot_dimension_numbers<[1], [0], [0], [1], [0, 0, 1, 1], [], []>, transpose_lhs_hint = false} : vector<512x512xf32>, vector<512x256xf32>, vector<512x256xf32> -> vector<512x256xf32>
    %add3A_1054 = arith.constant 1.000000e-16 : f32
    %add3A_1055 = vector.broadcast %add3A_1054 : f32 to vector<512x1xf32>
    %add3A_1056 = arith.addf %broadcast_in_dim3A_1051, %add3A_1055 : vector<512x1xf32>
    %div3A_1057 = arith.constant 1.000000e+00 : f32
    %div3A_1058 = vector.broadcast %div3A_1057 : f32 to vector<512x1xf32>
    %div3A_1059 = arith.divf %div3A_1058, %add3A_1056 : vector<512x1xf32>
    %mul3A_1060 = vector.broadcast %div3A_1059 : vector<512x1xf32> to vector<512x256xf32>
    %mul3A_1061 = arith.mulf %dot_general3A_1053, %mul3A_1060 : vector<512x256xf32>
    %slice3A_1062 = vector.extract_strided_slice %dot_general3A_1026 {offsets = [0, 256], sizes = [512, 256], strides = [1, 1]} : vector<512x512xf32> to vector<512x256xf32>
    %slice3A_1063 = vector.extract_strided_slice %dot_general3A_1036 {offsets = [1, 0], sizes = [1, 512], strides = [1, 1]} : vector<2x512xf32> to vector<1x512xf32>
    %slice3A_1064 = vector.extract_strided_slice %dot_general3A_1031 {offsets = [0, 1], sizes = [512, 1], strides = [1, 1]} : vector<512x2xf32> to vector<512x1xf32>
    %add3A_1065 = vector.broadcast %slice3A_1064 : vector<512x1xf32> to vector<512x512xf32>
    %add3A_1066 = vector.broadcast %slice3A_1063 : vector<1x512xf32> to vector<512x512xf32>
    %add3A_1067 = arith.addf %add3A_1065, %add3A_1066 : vector<512x512xf32>
    %mul3A_1068 = arith.constant 2.000000e-01 : f32
    %mul3A_1069 = vector.broadcast %mul3A_1068 : f32 to vector<512x512xf32>
    %mul3A_1070 = arith.mulf %mul3A_1069, %add3A_1067 : vector<512x512xf32>
    %max3A_1071 = arith.maximumf %add3A_1067, %mul3A_1070 : vector<512x512xf32>
    %exp23A_1072 = math.exp2 %max3A_1071 : vector<512x512xf32>
    %mul3A_1073 = arith.mulf %get3A_926, %exp23A_1072 : vector<512x512xf32>
    %reduce_sum3A_1074 = arith.constant dense<0.000000e+00> : vector<512xf32>
    %reduce_sum3A_1075 = vector.multi_reduction <add>, %mul3A_1073, %reduce_sum3A_1074 [1] : vector<512x512xf32> to vector<512xf32>
    %broadcast_in_dim3A_1076 = vector.shape_cast %reduce_sum3A_1075 : vector<512xf32> to vector<512x1xf32>
    %dot_general3A_1077 = arith.constant dense<0.000000e+00> : vector<512x256xf32>
    %dot_general3A_1078 = tpu.matmul %mul3A_1073, %slice3A_1062, %dot_general3A_1077 {dimension_numbers = #tpu.dot_dimension_numbers<[1], [0], [0], [1], [0, 0, 1, 1], [], []>, transpose_lhs_hint = false} : vector<512x512xf32>, vector<512x256xf32>, vector<512x256xf32> -> vector<512x256xf32>
    %add3A_1079 = arith.constant 1.000000e-16 : f32
    %add3A_1080 = vector.broadcast %add3A_1079 : f32 to vector<512x1xf32>
    %add3A_1081 = arith.addf %broadcast_in_dim3A_1076, %add3A_1080 : vector<512x1xf32>
    %div3A_1082 = arith.constant 1.000000e+00 : f32
    %div3A_1083 = vector.broadcast %div3A_1082 : f32 to vector<512x1xf32>
    %div3A_1084 = arith.divf %div3A_1083, %add3A_1081 : vector<512x1xf32>
    %mul3A_1085 = vector.broadcast %div3A_1084 : vector<512x1xf32> to vector<512x256xf32>
    %mul3A_1086 = arith.mulf %dot_general3A_1078, %mul3A_1085 : vector<512x256xf32>
    %concatenate3A_1087 = tpu.concatenate %mul3A_1061, %mul3A_1086 in 1 : vector<512x256xf32>, vector<512x256xf32> -> vector<512x512xf32>
    %get3A_1088 = arith.constant 0 : index
    %get3A_1089 = arith.constant 0 : index
    %get3A_1090 = vector.load %arg10[%get3A_1088, %get3A_1089] : memref<512x512xf32, #tpu.memory_space<vmem>>, vector<512x512xf32>
    %dot_general3A_1091 = arith.constant dense<0.000000e+00> : vector<512x512xf32>
    %dot_general3A_1092 = tpu.matmul %select_n3A_1021, %get3A_1090, %dot_general3A_1091 {dimension_numbers = #tpu.dot_dimension_numbers<[1], [0], [0], [1], [0, 0, 1, 1], [], []>, transpose_lhs_hint = false} : vector<512x512xf32>, vector<512x512xf32>, vector<512x512xf32> -> vector<512x512xf32>
    %add3A_1093 = arith.addf %concatenate3A_1087, %dot_general3A_1092 : vector<512x512xf32>
    %get3A_1094 = arith.constant 0 : index
    %get3A_1095 = arith.constant 0 : index
    %get3A_1096 = vector.load %arg13[%get3A_1094, %get3A_1095] : memref<1x512xf32, #tpu.memory_space<vmem>>, vector<1x512xf32>
    %add3A_1097 = vector.broadcast %get3A_1096 : vector<1x512xf32> to vector<512x512xf32>
    %add3A_1098 = arith.addf %add3A_1093, %add3A_1097 : vector<512x512xf32>
    %gt3A_1099 = arith.constant 0.000000e+00 : f32
    %gt3A_1100 = vector.broadcast %gt3A_1099 : f32 to vector<512x512xf32>
    %gt3A_1101 = arith.cmpf ogt, %add3A_1098, %gt3A_1100 : vector<512x512xf32>
    %exp3A_1102 = math.exp %add3A_1098 : vector<512x512xf32>
    %sub3A_1103 = arith.constant 1.000000e+00 : f32
    %sub3A_1104 = vector.broadcast %sub3A_1103 : f32 to vector<512x512xf32>
    %sub3A_1105 = arith.subf %exp3A_1102, %sub3A_1104 : vector<512x512xf32>
    %select_n3A_1106 = arith.select %gt3A_1101, %add3A_1098, %sub3A_1105 : vector<512x512xi1>, vector<512x512xf32>
    %get3A_1107 = arith.constant 0 : index
    %get3A_1108 = arith.constant 0 : index
    %get3A_1109 = vector.load %arg14[%get3A_1107, %get3A_1108] : memref<512x256xf32, #tpu.memory_space<vmem>>, vector<512x256xf32>
    %dot_general3A_1110 = arith.constant dense<0.000000e+00> : vector<512x256xf32>
    %dot_general3A_1111 = tpu.matmul %select_n3A_1106, %get3A_1109, %dot_general3A_1110 {dimension_numbers = #tpu.dot_dimension_numbers<[1], [0], [0], [1], [0, 0, 1, 1], [], []>, transpose_lhs_hint = false} : vector<512x512xf32>, vector<512x256xf32>, vector<512x256xf32> -> vector<512x256xf32>
    %get3A_1112 = arith.constant 0 : index
    %get3A_1113 = arith.constant 0 : index
    %get3A_1114 = vector.load %arg16[%get3A_1112, %get3A_1113] : memref<512x2xf32, #tpu.memory_space<vmem>>, vector<512x2xf32>
    %dot_general3A_1115 = arith.constant dense<0.000000e+00> : vector<512x2xf32>
    %dot_general3A_1116 = tpu.matmul %select_n3A_1106, %get3A_1114, %dot_general3A_1115 {dimension_numbers = #tpu.dot_dimension_numbers<[1], [0], [0], [1], [0, 0, 1, 1], [], []>, transpose_lhs_hint = false} : vector<512x512xf32>, vector<512x2xf32>, vector<512x2xf32> -> vector<512x2xf32>
    %get3A_1117 = arith.constant 0 : index
    %get3A_1118 = arith.constant 0 : index
    %get3A_1119 = vector.load %arg17[%get3A_1117, %get3A_1118] : memref<2x512xf32, #tpu.memory_space<vmem>>, vector<2x512xf32>
    %dot_general3A_1120 = arith.constant dense<0.000000e+00> : vector<2x512xf32>
    %dot_general3A_1121 = tpu.matmul %get3A_1119, %select_n3A_1106, %dot_general3A_1120 {dimension_numbers = #tpu.dot_dimension_numbers<[1], [1], [0], [0], [0, 0, 1, 0], [], []>, transpose_lhs_hint = false} : vector<2x512xf32>, vector<512x512xf32>, vector<2x512xf32> -> vector<2x512xf32>
    %slice3A_1122 = vector.extract_strided_slice %dot_general3A_1111 {offsets = [0, 0], sizes = [512, 128], strides = [1, 1]} : vector<512x256xf32> to vector<512x128xf32>
    %slice3A_1123 = vector.extract_strided_slice %dot_general3A_1121 {offsets = [0, 0], sizes = [1, 512], strides = [1, 1]} : vector<2x512xf32> to vector<1x512xf32>
    %slice3A_1124 = vector.extract_strided_slice %dot_general3A_1116 {offsets = [0, 0], sizes = [512, 1], strides = [1, 1]} : vector<512x2xf32> to vector<512x1xf32>
    %add3A_1125 = vector.broadcast %slice3A_1124 : vector<512x1xf32> to vector<512x512xf32>
    %add3A_1126 = vector.broadcast %slice3A_1123 : vector<1x512xf32> to vector<512x512xf32>
    %add3A_1127 = arith.addf %add3A_1125, %add3A_1126 : vector<512x512xf32>
    %mul3A_1128 = arith.constant 2.000000e-01 : f32
    %mul3A_1129 = vector.broadcast %mul3A_1128 : f32 to vector<512x512xf32>
    %mul3A_1130 = arith.mulf %mul3A_1129, %add3A_1127 : vector<512x512xf32>
    %max3A_1131 = arith.maximumf %add3A_1127, %mul3A_1130 : vector<512x512xf32>
    %exp23A_1132 = math.exp2 %max3A_1131 : vector<512x512xf32>
    %mul3A_1133 = arith.mulf %get3A_926, %exp23A_1132 : vector<512x512xf32>
    %reduce_sum3A_1134 = arith.constant dense<0.000000e+00> : vector<512xf32>
    %reduce_sum3A_1135 = vector.multi_reduction <add>, %mul3A_1133, %reduce_sum3A_1134 [1] : vector<512x512xf32> to vector<512xf32>
    %broadcast_in_dim3A_1136 = vector.shape_cast %reduce_sum3A_1135 : vector<512xf32> to vector<512x1xf32>
    %dot_general3A_1137 = arith.constant dense<0.000000e+00> : vector<512x128xf32>
    %dot_general3A_1138 = tpu.matmul %mul3A_1133, %slice3A_1122, %dot_general3A_1137 {dimension_numbers = #tpu.dot_dimension_numbers<[1], [0], [0], [1], [0, 0, 1, 1], [], []>, transpose_lhs_hint = false} : vector<512x512xf32>, vector<512x128xf32>, vector<512x128xf32> -> vector<512x128xf32>
    %add3A_1139 = arith.constant 1.000000e-16 : f32
    %add3A_1140 = vector.broadcast %add3A_1139 : f32 to vector<512x1xf32>
    %add3A_1141 = arith.addf %broadcast_in_dim3A_1136, %add3A_1140 : vector<512x1xf32>
    %div3A_1142 = arith.constant 1.000000e+00 : f32
    %div3A_1143 = vector.broadcast %div3A_1142 : f32 to vector<512x1xf32>
    %div3A_1144 = arith.divf %div3A_1143, %add3A_1141 : vector<512x1xf32>
    %mul3A_1145 = vector.broadcast %div3A_1144 : vector<512x1xf32> to vector<512x128xf32>
    %mul3A_1146 = arith.mulf %dot_general3A_1138, %mul3A_1145 : vector<512x128xf32>
    %slice3A_1147 = vector.extract_strided_slice %dot_general3A_1111 {offsets = [0, 128], sizes = [512, 128], strides = [1, 1]} : vector<512x256xf32> to vector<512x128xf32>
    %slice3A_1148 = vector.extract_strided_slice %dot_general3A_1121 {offsets = [1, 0], sizes = [1, 512], strides = [1, 1]} : vector<2x512xf32> to vector<1x512xf32>
    %slice3A_1149 = vector.extract_strided_slice %dot_general3A_1116 {offsets = [0, 1], sizes = [512, 1], strides = [1, 1]} : vector<512x2xf32> to vector<512x1xf32>
    %add3A_1150 = vector.broadcast %slice3A_1149 : vector<512x1xf32> to vector<512x512xf32>
    %add3A_1151 = vector.broadcast %slice3A_1148 : vector<1x512xf32> to vector<512x512xf32>
    %add3A_1152 = arith.addf %add3A_1150, %add3A_1151 : vector<512x512xf32>
    %mul3A_1153 = arith.constant 2.000000e-01 : f32
    %mul3A_1154 = vector.broadcast %mul3A_1153 : f32 to vector<512x512xf32>
    %mul3A_1155 = arith.mulf %mul3A_1154, %add3A_1152 : vector<512x512xf32>
    %max3A_1156 = arith.maximumf %add3A_1152, %mul3A_1155 : vector<512x512xf32>
    %exp23A_1157 = math.exp2 %max3A_1156 : vector<512x512xf32>
    %mul3A_1158 = arith.mulf %get3A_926, %exp23A_1157 : vector<512x512xf32>
    %reduce_sum3A_1159 = arith.constant dense<0.000000e+00> : vector<512xf32>
    %reduce_sum3A_1160 = vector.multi_reduction <add>, %mul3A_1158, %reduce_sum3A_1159 [1] : vector<512x512xf32> to vector<512xf32>
    %broadcast_in_dim3A_1161 = vector.shape_cast %reduce_sum3A_1160 : vector<512xf32> to vector<512x1xf32>
    %dot_general3A_1162 = arith.constant dense<0.000000e+00> : vector<512x128xf32>
    %dot_general3A_1163 = tpu.matmul %mul3A_1158, %slice3A_1147, %dot_general3A_1162 {dimension_numbers = #tpu.dot_dimension_numbers<[1], [0], [0], [1], [0, 0, 1, 1], [], []>, transpose_lhs_hint = false} : vector<512x512xf32>, vector<512x128xf32>, vector<512x128xf32> -> vector<512x128xf32>
    %add3A_1164 = arith.constant 1.000000e-16 : f32
    %add3A_1165 = vector.broadcast %add3A_1164 : f32 to vector<512x1xf32>
    %add3A_1166 = arith.addf %broadcast_in_dim3A_1161, %add3A_1165 : vector<512x1xf32>
    %div3A_1167 = arith.constant 1.000000e+00 : f32
    %div3A_1168 = vector.broadcast %div3A_1167 : f32 to vector<512x1xf32>
    %div3A_1169 = arith.divf %div3A_1168, %add3A_1166 : vector<512x1xf32>
    %mul3A_1170 = vector.broadcast %div3A_1169 : vector<512x1xf32> to vector<512x128xf32>
    %mul3A_1171 = arith.mulf %dot_general3A_1163, %mul3A_1170 : vector<512x128xf32>
    %add3A_1172 = arith.addf %mul3A_1146, %mul3A_1171 : vector<512x128xf32>
    %mul3A_1173 = arith.constant 5.000000e-01 : f32
    %mul3A_1174 = vector.broadcast %mul3A_1173 : f32 to vector<512x128xf32>
    %mul3A_1175 = arith.mulf %add3A_1172, %mul3A_1174 : vector<512x128xf32>
    %get3A_1176 = arith.constant 0 : index
    %get3A_1177 = arith.constant 0 : index
    %get3A_1178 = vector.load %arg15[%get3A_1176, %get3A_1177] : memref<512x128xf32, #tpu.memory_space<vmem>>, vector<512x128xf32>
    %dot_general3A_1179 = arith.constant dense<0.000000e+00> : vector<512x128xf32>
    %dot_general3A_1180 = tpu.matmul %select_n3A_1106, %get3A_1178, %dot_general3A_1179 {dimension_numbers = #tpu.dot_dimension_numbers<[1], [0], [0], [1], [0, 0, 1, 1], [], []>, transpose_lhs_hint = false} : vector<512x512xf32>, vector<512x128xf32>, vector<512x128xf32> -> vector<512x128xf32>
    %add3A_1181 = arith.addf %mul3A_1175, %dot_general3A_1180 : vector<512x128xf32>
    %get3A_1182 = arith.constant 0 : index
    %get3A_1183 = arith.constant 0 : index
    %get3A_1184 = vector.load %arg18[%get3A_1182, %get3A_1183] : memref<1x128xf32, #tpu.memory_space<vmem>>, vector<1x128xf32>
    %add3A_1185 = vector.broadcast %get3A_1184 : vector<1x128xf32> to vector<512x128xf32>
    %add3A_1186 = arith.addf %add3A_1181, %add3A_1185 : vector<512x128xf32>
    %get3A_1187 = arith.constant 0 : index
    %get3A_1188 = arith.constant 0 : index
    %get3A_1189 = vector.load %arg19[%get3A_1187, %get3A_1188] : memref<256x128xf32, #tpu.memory_space<vmem>>, vector<256x128xf32>
    %slice3A_1190 = vector.extract_strided_slice %get3A_1189 {offsets = [0, 0], sizes = [128, 128], strides = [1, 1]} : vector<256x128xf32> to vector<128x128xf32>
    %dot_general3A_1191 = arith.constant dense<0.000000e+00> : vector<512x128xf32>
    %dot_general3A_1192 = tpu.matmul %add3A_1186, %slice3A_1190, %dot_general3A_1191 {dimension_numbers = #tpu.dot_dimension_numbers<[1], [0], [0], [1], [0, 0, 1, 1], [], []>, transpose_lhs_hint = false} : vector<512x128xf32>, vector<128x128xf32>, vector<512x128xf32> -> vector<512x128xf32>
    %slice3A_1193 = vector.extract_strided_slice %get3A_1189 {offsets = [128, 0], sizes = [128, 128], strides = [1, 1]} : vector<256x128xf32> to vector<128x128xf32>
    %dot_general3A_1194 = arith.constant dense<0.000000e+00> : vector<512x128xf32>
    %dot_general3A_1195 = tpu.matmul %get3A_936, %slice3A_1193, %dot_general3A_1194 {dimension_numbers = #tpu.dot_dimension_numbers<[1], [0], [0], [1], [0, 0, 1, 1], [], []>, transpose_lhs_hint = false} : vector<512x128xf32>, vector<128x128xf32>, vector<512x128xf32> -> vector<512x128xf32>
    %add3A_1196 = arith.addf %dot_general3A_1192, %dot_general3A_1195 : vector<512x128xf32>
    %add3A_1197 = arith.addf %add3A_1196, %get3A_931 : vector<512x128xf32>
    %reduce_sum3A_1198 = arith.constant dense<0.000000e+00> : vector<512xf32>
    %reduce_sum3A_1199 = vector.multi_reduction <add>, %add3A_1197, %reduce_sum3A_1198 [1] : vector<512x128xf32> to vector<512xf32>
    %broadcast_in_dim3A_1200 = vector.shape_cast %reduce_sum3A_1199 : vector<512xf32> to vector<512x1xf32>
    %div3A_1201 = arith.constant 1.280000e+02 : f32
    %div3A_1202 = vector.broadcast %div3A_1201 : f32 to vector<512x1xf32>
    %div3A_1203 = arith.divf %broadcast_in_dim3A_1200, %div3A_1202 : vector<512x1xf32>
    %sub3A_1204 = vector.broadcast %div3A_1203 : vector<512x1xf32> to vector<512x128xf32>
    %sub3A_1205 = arith.subf %add3A_1197, %sub3A_1204 : vector<512x128xf32>
    %mul3A_1206 = arith.mulf %sub3A_1205, %sub3A_1205 : vector<512x128xf32>
    %reduce_sum3A_1207 = arith.constant dense<0.000000e+00> : vector<512xf32>
    %reduce_sum3A_1208 = vector.multi_reduction <add>, %mul3A_1206, %reduce_sum3A_1207 [1] : vector<512x128xf32> to vector<512xf32>
    %broadcast_in_dim3A_1209 = vector.shape_cast %reduce_sum3A_1208 : vector<512xf32> to vector<512x1xf32>
    %div3A_1210 = arith.constant 1.280000e+02 : f32
    %div3A_1211 = vector.broadcast %div3A_1210 : f32 to vector<512x1xf32>
    %div3A_1212 = arith.divf %broadcast_in_dim3A_1209, %div3A_1211 : vector<512x1xf32>
    %add3A_1213 = arith.constant 9.99999997E-7 : f32
    %add3A_1214 = vector.broadcast %add3A_1213 : f32 to vector<512x1xf32>
    %add3A_1215 = arith.addf %div3A_1212, %add3A_1214 : vector<512x1xf32>
    %rsqrt3A_1216 = math.rsqrt %add3A_1215 : vector<512x1xf32>
    %mul3A_1217 = vector.broadcast %rsqrt3A_1216 : vector<512x1xf32> to vector<512x128xf32>
    %mul3A_1218 = arith.mulf %sub3A_1205, %mul3A_1217 : vector<512x128xf32>
    %get3A_1219 = arith.constant 0 : index
    %get3A_1220 = arith.constant 0 : index
    %get3A_1221 = vector.load %arg20[%get3A_1219, %get3A_1220] : memref<1x128xf32, #tpu.memory_space<vmem>>, vector<1x128xf32>
    %mul3A_1222 = vector.broadcast %get3A_1221 : vector<1x128xf32> to vector<512x128xf32>
    %mul3A_1223 = arith.mulf %mul3A_1218, %mul3A_1222 : vector<512x128xf32>
    %get3A_1224 = arith.constant 0 : index
    %get3A_1225 = arith.constant 0 : index
    %get3A_1226 = vector.load %arg21[%get3A_1224, %get3A_1225] : memref<1x128xf32, #tpu.memory_space<vmem>>, vector<1x128xf32>
    %add3A_1227 = vector.broadcast %get3A_1226 : vector<1x128xf32> to vector<512x128xf32>
    %add3A_1228 = arith.addf %mul3A_1223, %add3A_1227 : vector<512x128xf32>
    %swap3A_1229 = arith.constant 3 : index
    %swap3A_1230 = arith.constant 0 : index
    %swap3A_1231 = arith.constant 0 : index
    %swap3A_1232 = vector.load %arg22[%swap3A_1229, %swap3A_1230, %swap3A_1231] : memref<4x512x128xf32, #tpu.memory_space<vmem>>, vector<1x512x128xf32>
    %swap3A_1233 = vector.shape_cast %swap3A_1232 : vector<1x512x128xf32> to vector<512x128xf32>
    %swap3A_1234 = vector.shape_cast %add3A_1228 : vector<512x128xf32> to vector<1x512x128xf32>
    tpu.vector_store %arg22[%swap3A_1229, %swap3A_1230, %swap3A_1231], %swap3A_1234 {strides = array<i32>} : memref<4x512x128xf32, #tpu.memory_space<vmem>>, vector<1x512x128xf32>,
    return
  }
  func.func @transform_0(%arg0: i32) -> (i32, i32, i32) {
    %c0_i32 = arith.constant 0 : i32
    %c0_i32_0 = arith.constant 0 : i32
    %c0_i32_1 = arith.constant 0 : i32
    return %arg0, %c0_i32, %c0_i32_0 : i32, i32, i32
  }
  func.func @transform_1(%arg0: i32) -> (i32, i32, i32) {
    %c0_i32 = arith.constant 0 : i32
    %c0_i32_0 = arith.constant 0 : i32
    %c0_i32_1 = arith.constant 0 : i32
    return %arg0, %c0_i32, %c0_i32_0 : i32, i32, i32
  }
  func.func @transform_2(%arg0: i32) -> (i32, i32, i32) {
    %c0_i32 = arith.constant 0 : i32
    %c0_i32_0 = arith.constant 0 : i32
    %c0_i32_1 = arith.constant 0 : i32
    return %arg0, %c0_i32, %c0_i32_0 : i32, i32, i32
  }
  func.func @transform_3(%arg0: i32) -> (i32, i32) {
    %c0_i32 = arith.constant 0 : i32
    %c0_i32_0 = arith.constant 0 : i32
    %c0_i32_1 = arith.constant 0 : i32
    return %c0_i32, %c0_i32_0 : i32, i32
  }
  func.func @transform_4(%arg0: i32) -> (i32, i32) {
    %c0_i32 = arith.constant 0 : i32
    %c0_i32_0 = arith.constant 0 : i32
    %c0_i32_1 = arith.constant 0 : i32
    return %c0_i32, %c0_i32_0 : i32, i32
  }
  func.func @transform_5(%arg0: i32) -> (i32, i32) {
    %c0_i32 = arith.constant 0 : i32
    %c0_i32_0 = arith.constant 0 : i32
    %c0_i32_1 = arith.constant 0 : i32
    return %c0_i32, %c0_i32_0 : i32, i32
  }
  func.func @transform_6(%arg0: i32) -> (i32, i32) {
    %c0_i32 = arith.constant 0 : i32
    %c0_i32_0 = arith.constant 0 : i32
    %c0_i32_1 = arith.constant 0 : i32
    return %c0_i32, %c0_i32_0 : i32, i32
  }
  func.func @transform_7(%arg0: i32) -> (i32, i32) {
    %c0_i32 = arith.constant 0 : i32
    %c0_i32_0 = arith.constant 0 : i32
    %c0_i32_1 = arith.constant 0 : i32
    return %c0_i32, %c0_i32_0 : i32, i32
  }
  func.func @transform_8(%arg0: i32) -> (i32, i32) {
    %c0_i32 = arith.constant 0 : i32
    %c0_i32_0 = arith.constant 0 : i32
    %c0_i32_1 = arith.constant 0 : i32
    return %c0_i32, %c0_i32_0 : i32, i32
  }
  func.func @transform_9(%arg0: i32) -> (i32, i32) {
    %c0_i32 = arith.constant 0 : i32
    %c0_i32_0 = arith.constant 0 : i32
    %c0_i32_1 = arith.constant 0 : i32
    return %c0_i32, %c0_i32_0 : i32, i32
  }
  func.func @transform_10(%arg0: i32) -> (i32, i32) {
    %c0_i32 = arith.constant 0 : i32
    %c0_i32_0 = arith.constant 0 : i32
    %c0_i32_1 = arith.constant 0 : i32
    return %c0_i32, %c0_i32_0 : i32, i32
  }
  func.func @transform_11(%arg0: i32) -> (i32, i32) {
    %c0_i32 = arith.constant 0 : i32
    %c0_i32_0 = arith.constant 0 : i32
    %c0_i32_1 = arith.constant 0 : i32
    return %c0_i32, %c0_i32_0 : i32, i32
  }
  func.func @transform_12(%arg0: i32) -> (i32, i32) {
    %c0_i32 = arith.constant 0 : i32
    %c0_i32_0 = arith.constant 0 : i32
    %c0_i32_1 = arith.constant 0 : i32
    return %c0_i32, %c0_i32_0 : i32, i32
  }
  func.func @transform_13(%arg0: i32) -> (i32, i32) {
    %c0_i32 = arith.constant 0 : i32
    %c0_i32_0 = arith.constant 0 : i32
    %c0_i32_1 = arith.constant 0 : i32
    return %c0_i32, %c0_i32_0 : i32, i32
  }
  func.func @transform_14(%arg0: i32) -> (i32, i32) {
    %c0_i32 = arith.constant 0 : i32
    %c0_i32_0 = arith.constant 0 : i32
    %c0_i32_1 = arith.constant 0 : i32
    return %c0_i32, %c0_i32_0 : i32, i32
  }
  func.func @transform_15(%arg0: i32) -> (i32, i32) {
    %c0_i32 = arith.constant 0 : i32
    %c0_i32_0 = arith.constant 0 : i32
    %c0_i32_1 = arith.constant 0 : i32
    return %c0_i32, %c0_i32_0 : i32, i32
  }
  func.func @transform_16(%arg0: i32) -> (i32, i32) {
    %c0_i32 = arith.constant 0 : i32
    %c0_i32_0 = arith.constant 0 : i32
    %c0_i32_1 = arith.constant 0 : i32
    return %c0_i32, %c0_i32_0 : i32, i32
  }
  func.func @transform_17(%arg0: i32) -> (i32, i32) {
    %c0_i32 = arith.constant 0 : i32
    %c0_i32_0 = arith.constant 0 : i32
    %c0_i32_1 = arith.constant 0 : i32
    return %c0_i32, %c0_i32_0 : i32, i32
  }
  func.func @transform_18(%arg0: i32) -> (i32, i32) {
    %c0_i32 = arith.constant 0 : i32
    %c0_i32_0 = arith.constant 0 : i32
    %c0_i32_1 = arith.constant 0 : i32
    return %c0_i32, %c0_i32_0 : i32, i32
  }
  func.func @transform_19(%arg0: i32) -> (i32, i32) {
    %c0_i32 = arith.constant 0 : i32
    %c0_i32_0 = arith.constant 0 : i32
    %c0_i32_1 = arith.constant 0 : i32
    return %c0_i32, %c0_i32_0 : i32, i32
  }
  func.func @transform_20(%arg0: i32) -> (i32, i32) {
    %c0_i32 = arith.constant 0 : i32
    %c0_i32_0 = arith.constant 0 : i32
    %c0_i32_1 = arith.constant 0 : i32
    return %c0_i32, %c0_i32_0 : i32, i32
  }
  func.func @transform_21(%arg0: i32) -> (i32, i32, i32) {
    %c0_i32 = arith.constant 0 : i32
    %c0_i32_0 = arith.constant 0 : i32
    %c0_i32_1 = arith.constant 0 : i32
    return %arg0, %c0_i32, %c0_i32_0 : i32, i32, i32
  }
}

</mosaic_0001>

<sc_bundles>
// kernel: kernel.5.cloned.1.call-start
scs
__scs_entry_jumppad:
0x0: {  	(pc) =	sbr.rel $0x88, $3  }
0x1: {  	(tag) =	ssettag $0x0;
	lr =	simm.s32 $0x1  }
0x2: {  	[smem:$0x3F85] =	sst lr;
	_ =	strace $0xD0000000  }
0x3: {  	_ = 	snop  }
0x4: {  	_ = 	snop  }
0x5: {  	_ = 	snop  }
0x6: {  	_ = 	snop  }
0x7: {  	_ = 	snop  }
__scs_overlays_trampoline_lowered:
0x8: {  	[smem:$0x3F94] =	sst s0  }
0x9: {  	[smem:$0x3F95] =	sst s1  }
0xa: {  	[smem:$0x3F96] =	sst s2  }
0xb: {  	[smem:$0x3F97] =	sst s3  }
0xc: {  	[smem:$0x3F98] =	sst s4  }
0xd: {  	[smem:$0x3F99] =	sst s5  }
0xe: {  	[smem:$0x3F9A] =	sst s6  }
0xf: {  	[smem:$0x3F9B] =	sst s7  }
0x10: {  	[smem:$0x3F9C] =	sst s8  }
0x11: {  	[smem:$0x3F9D] =	sst s9;
	s0 =	simm.s32 @!p0 $0x0  }
0x12: {  	s1 =	sld [smem:$0x3F83];
	s0 =	simm.s32 @p0 $0x1  }
0x13: {  	[smem:$0x3F9E] =	sst s0;
	s0 =	simm.s32 @!p1 $0x0  }
0x14: {  	s2 =	sld [smem:$0x3F82];
	s0 =	simm.s32 @p1 $0x1  }
0x15: {  	[smem:$0x3F9F] =	sst s0;
	s0 =	simm.s32 @!p2 $0x0  }
0x16: {  	s3 =	sld [smem:$0x3FDB];
	s0 =	simm.s32 @p2 $0x1  }
0x17: {  	s4 =	simm.s32 $0x1BF5;
	[smem:$0x3FA1] =	sst s0  }
0x18: {  	s0 =	sld [smem:$0x3F84];
	_ =	swait.ge [sflag:s4], $0x0  }
0x19: {  	s7 =	sld [smem:$0x3F85]  }
0x1a: {  	s8 =	sadd.s32 $0xFFFFE003, lr  }
0x1b: {  	s9 =	sadd.s32 $0xFFFFFEF7, lr;
	s5 =	simm.s32 $0xFFFFFFFF;
	p2 =	slt.u32 s8, $0xFFFFF086  }
0x1c: {  	p1 =	slt.u32 s9, $0xF7A;
	s5 =	simm.s32 @!p2 $0x0  }
0x1d: {  	s5 =	simm.s32 @p1 $0x1;
	p0 =	seq.s32 s7, s2  }
0x1e: {  	s7 =	smul.u32 @!p0 $0xF7A, s2;
	p2 =	seq.s32 @!p0 s5, $0x0  }
0x1f: {  	s9 =	smul.u32 $0xF7A, s1;
	s8 =	simm.s32 @!p0 $0x1BF5;
	p2 =	por !p2, p0  }
0x20: {  	[sflag:s8] =	ssyncset.s32 @!p0 $0xFFFFF086;
	s6 =	sadd.s32 @!p0 s3, s7;
	s7 =	simm.s32 @!p0 $0x108  }
0x21: {  	s3 =	sadd.s32 s3, s9;
	s6 =	sadd.s32 @!p0 $0x88, s6;
	s7 =	simm.s32 @p2 $0x1082  }
0x22: {  	[simem:s7], [sflag:s8] =	dma.local @!p0 [hbm:s6], $0xF7A  }
0x23: {  	s9 =	sor.u32 $0xD0000000, s2;
	s6 =	simm.s32 $0x108;
	_ =	swait.ge @!p0 [sflag:s8], $0x0  }
0x24: {  	s3 =	sadd.s32 $0x88, s3;
	s6 =	simm.s32 @!p1 $0x1082;
	[sflag:s4] =	ssyncset.s32 $0xFFFFF086  }
0x25: {  	[simem:s6], [sflag:s4] =	dma.local [hbm:s3], $0xF7A  }
0x26: {  	[smem:$0x3F85] =	sst s1;
	(tag) =	ssettag s2;
	_ =	strace s9  }
0x27: {  	s1 =	sld [smem:$0x3F95]  }
0x28: {  	s2 =	sld [smem:$0x3F96]  }
0x29: {  	s4 =	sld [smem:$0x3F98]  }
0x2a: {  	p0 =	seq.s32 s5, $0x0;
	s5 =	sld [smem:$0x3F99]  }
0x2b: {  	s6 =	sld [smem:$0x3F9A]  }
0x2c: {  	s7 =	sld [smem:$0x3F9B]  }
0x2d: {  	s3 =	simm.s32 $0x108;
	s8 =	sld [smem:$0x3F9C]  }
0x2e: {  	s3 =	simm.s32 @!p0 $0x1082;
	s9 =	sld [smem:$0x3F9D]  }
0x2f: {  	lr =	sadd.s32 s0, s3;
	s0 =	sld [smem:$0x3F94]  }
0x30: {  	s3 =	sld [smem:$0x3F97]  }
0x31: {  	[smem:$0x3FA0] =	sst s10  }
0x32: {  	s10 =	sld [smem:$0x3F9E];
	_ =	sdelay $0x3  }
0x33: {  	p0 =	seq.s32 s10, $0x1;
	s10 =	sld [smem:$0x3FA0];
	_ =	sdelay $0x3  }
0x34: {  	[smem:$0x3FA0] =	sst s10  }
0x35: {  	s10 =	sld [smem:$0x3F9F];
	_ =	sdelay $0x3  }
0x36: {  	p1 =	seq.s32 s10, $0x1;
	s10 =	sld [smem:$0x3FA0];
	_ =	sdelay $0x3  }
0x37: {  	[smem:$0x3FA0] =	sst s10  }
0x38: {  	s10 =	sld [smem:$0x3FA1]  }
0x39: {  	_ = 	snop;
	(pc) =	sbr.ind lr, $3  }
0x3a: {  	_ = 	snop  }
0x3b: {  	_ = 	snop  }
0x3c: {  	p2 =	seq.s32 s10, $0x1;
	s10 =	sld [smem:$0x3FA0]  }
0x3d: {  	_ =	shalt  }
0x3e: {  	_ =	shalt  }
0x3f: {  	_ =	shalt  }
0x40: {  	_ =	shalt  }
0x41: {  	_ =	shalt  }
0x42: {  	_ =	shalt  }
0x43: {  	_ =	shalt  }
0x44: {  	_ =	shalt  }
0x45: {  	_ =	shalt  }
0x46: {  	_ =	shalt  }
0x47: {  	_ =	shalt  }
0x48: {  	_ =	shalt  }
0x49: {  	_ =	shalt  }
0x4a: {  	_ =	shalt  }
0x4b: {  	_ =	shalt  }
0x4c: {  	_ =	shalt  }
0x4d: {  	_ =	shalt  }
0x4e: {  	_ =	shalt  }
0x4f: {  	_ =	shalt  }
0x50: {  	_ =	shalt  }
0x51: {  	_ =	shalt  }
0x52: {  	_ =	shalt  }
0x53: {  	_ =	shalt  }
0x54: {  	_ =	shalt  }
0x55: {  	_ =	shalt  }
0x56: {  	_ =	shalt  }
0x57: {  	_ =	shalt  }
0x58: {  	_ =	shalt  }
0x59: {  	_ =	shalt  }
0x5a: {  	_ =	shalt  }
0x5b: {  	_ =	shalt  }
0x5c: {  	_ =	shalt  }
0x5d: {  	_ =	shalt  }
0x5e: {  	_ =	shalt  }
0x5f: {  	_ =	shalt  }
0x60: {  	_ =	shalt  }
0x61: {  	_ =	shalt  }
0x62: {  	_ =	shalt  }
0x63: {  	_ =	shalt  }
0x64: {  	_ =	shalt  }
0x65: {  	_ =	shalt  }
0x66: {  	_ =	shalt  }
0x67: {  	_ =	shalt  }
0x68: {  	_ =	shalt  }
0x69: {  	_ =	shalt  }
0x6a: {  	_ =	shalt  }
0x6b: {  	_ =	shalt  }
0x6c: {  	_ =	shalt  }
0x6d: {  	_ =	shalt  }
0x6e: {  	_ =	shalt  }
0x6f: {  	_ =	shalt  }
0x70: {  	_ =	shalt  }
0x71: {  	_ =	shalt  }
0x72: {  	_ =	shalt  }
0x73: {  	_ =	shalt  }
0x74: {  	_ =	shalt  }
0x75: {  	_ =	shalt  }
0x76: {  	_ =	shalt  }
0x77: {  	_ =	shalt  }
0x78: {  	_ =	shalt  }
0x79: {  	_ =	shalt  }
0x7a: {  	_ =	shalt  }
0x7b: {  	_ =	shalt  }
0x7c: {  	_ =	shalt  }
0x7d: {  	_ =	shalt  }
0x7e: {  	_ =	shalt  }
0x7f: {  	_ =	shalt  }
0x80: {  	_ =	shalt  }
0x81: {  	_ =	shalt  }
0x82: {  	_ =	shalt  }
0x83: {  	_ =	shalt  }
0x84: {  	_ =	shalt  }
0x85: {  	_ =	shalt  }
0x86: {  	_ =	shalt  }
0x87: {  	_ =	shalt  }
.Lfunc_end0:
.L_simem_size_0:
called_computation_lowered:
.L_overlay_start_0:
0x88: {  	s2 =	sld [smem:$0x3FD9]  }
0x89: {  	s3 =	sld [smem:$0x3FFE];
	_ =	sdelay $0x1  }
0x8a: {  	s1 =	srdreg.scid  }
0x8b: {  	s0 =	sand.u32 $0x1, s1  }
0x8c: {  	s17 =	sshll.u32 s0, $0xA;
	s2 =	sadd.s32 s3, s2  }
0x8d: {  	s2 =	sadd.s32 s2, s17  }
0x8e: {  	[smem:$0x3FAC] =	sst s2  }
0x8f: {  	_ = 	snop  }
0x90: {  	s2 =	sld [smem:$0x3FC6];
	(tm) =	ssettm $0x1  }
0x91: {  	s18 =	sld [smem:$0x3FFB];
	_ =	sdelay $0x3  }
0x92: {  	_ =	strace s18  }
0x93: {  	s3 =	sld [smem:$0x3FFC];
	_ =	sdelay $0x3  }
0x94: {  	_ =	strace s3  }
0x95: {  	s3 =	sld [smem:$0x3FFD];
	_ =	sdelay $0x3  }
0x96: {  	_ =	strace s3  }
0x97: {  	_ =	strace $0x8FFFFFFF  }
0x98: {  	s19 =	sld [smem:$0x3FDB];
	_ =	sdelay $0x1  }
0x99: {  	s4 =	simm.s32 $_scs_section_size  }
0x9a: {  	s5 =	simm.s32 $_size__tile_overlayer_lowered;
	s6 =	simm.s32 $_tile_overlayer_lowered  }
0x9b: {  	s22 =	simm.s32 $0x1BFF;
	s21 =	sshll.u32 s6, $0x1;
	s3 =	sadd.s32 s4, s19  }
0x9c: {  	s7 =	simm.s32 $0x0;
	s20 =	sshll.u32 s5, $0x1;
	s5 =	sadd.s32 s21, s3  }
0x9d: {  	[timem:s7], [sflag:s22] =	dma.local [hbm:s5], s20  }
0x9e: {  	_ =	swait.ge [sflag:s22], s20  }
0x9f: {  	s4 =	ssub.s32 $0x0, s20;
	[sflag:s22] =	ssyncset.done $0x0  }
0xa0: {  	[sflag:s22] =	ssyncadd.s32 s4;
	_ =	sdelay $0x1  }
0xa1: {  	s23 =	simm.s32 $0x1B8B  }
0xa2: {  	_ =	swait.ge [sflag:s23], $0x1  }
0xa3: {  	[sflag:s23] =	ssyncset.done $0x0  }
0xa4: {  	s25 =	simm.s32 $0x1B8E;
	s24 =	sld [smem:$0x3FFE];
	[sflag:s23] =	ssyncadd.s32 $0xFFFFFFFF  }
0xa5: {  	s26 =	simm.s32 $execute0_lowered;
	[smem:$0x3FD2] =	sst s25  }
0xa6: {  	s5 =	sshll.u32 s26, $0x1;
	_ =	strace $0x80000046;
	[dreg:$0x1] =	wrdreg $0xFFFFFFFF  }
0xa7: {  	s28 =	simm.s32 $_size_execute0_lowered;
	s3 =	sadd.s32 s3, s5;
	[dreg:$0x0] =	wrdreg $0x0  }
0xa8: {  	s5 =	sshll.u32 s28, $0x1;
	[dreg:$0x2] =	wrdreg s3  }
0xa9: {  	[dreg:$0x3] =	wrdreg s5  }
0xaa: {  	[dreg:$0x4] =	wrdreg $0xC0  }
0xab: {  	_ =	task [dreg:s7], $0x5FFFF  }
0xac: {  	[dreg:$0x1] =	wrdreg $0xFFFFFFFF  }
0xad: {  	[dreg:$0x0] =	wrdreg $0x60  }
0xae: {  	[dreg:$0x2] =	wrdreg s2  }
0xaf: {  	[dreg:$0x3] =	wrdreg s24  }
0xb0: {  	[dreg:$0x4] =	wrdreg $0x9  }
0xb1: {  	_ =	task.clear_ibuf [dreg:s7], $0x5FFFF;
	_ =	strace $0x90000046  }
0xb2: {  	s29 =	simm.s32 $0x9;
	_ =	strace $0x80000048  }
0xb3: {  	_ =	swait.ge [sflag:s29], $0x1  }
0xb4: {  	[sflag:s29] =	ssyncadd.s32 $0xFFFFFFFF  }
0xb5: {  	_ =	strace $0x90000048  }
0xb6: {  	_ =	sfence  }
0xb7: {  	s30 =	sld [smem:$0x0];
	_ =	sdelay $0x2  }
0xb8: {  	s31 =	sshll.u32 s1, $0xD;
	s1 =	sshrl.u32 s1, $0x2  }
0xb9: {  	s3 =	sand.u32 $0x4000, s31;
	s1 =	sadd.s32 s1, s30  }
0xba: {  	s0 =	sor.u32 s3, s0;
	s1 =	sshll.u32 s1, $0x11  }
0xbb: {  	s0 =	sor.u32 s1, s0  }
0xbc: {  	s0 =	sadd.s32 $0x8F2B, s0  }
0xbd: {  	[sflag:s0] =	ssyncadd.remote.s32 $0x1  }
0xbe: {  	_ =	sfence.sel $0xFFFF  }
0xbf: {  	[dreg:$0x0] =	wrdreg $0xFFFFFFFF;
	(pc) =	sbr.abs _section_cstart, $3  }
0xc0: {  	[dreg:$0x1] =	wrdreg $0xFFFFFFFF  }
0xc1: {  	_ =	task.clear_ibuf [dreg:s7], $0x2FFFF;
	_ =	strace $0x9FFFFFFF  }
0xc2: {  	(tm) =	ssettm $0x7FFFFFFF  }
0xc3: {  	_ =	shalt  }
tec
execute0_lowered:
.L_overlay_start_1:
0x0: {  	(tag) =	ssettag $0x1  }
0x1: {  	s6 =	rddreg [dreg:$0x0]  }
0x2: {  	s3 =	rddreg [dreg:$0x1]  }
0x3: {  	s0 =	rddreg [dreg:$0x2];
	s2 =	simm.s32 $0x0  }
0x4: {  	s4 =	srdreg.scid;
	s1 =	stileid.u32;
	s15 =	simm.s32 $0x0  }
0x5: {  	[smem:$0x7FF] =	sst s2;
	s4 =	sand.u32 $0x1, s4;
	s5 =	sshll.u32 s1, $0x1  }
0x6: {  	s7 =	sadd.s32 $0x2E00, s3;
	s9 =	sshrl.u32 s1, $0x1;
	s12 =	sadd.s32 $0x10, s6  }
0x7: {  	_ =	strace $0x80000047;
	s26 =	ssub.s32 $0x2, s4;
	s8 =	sor.u32 s4, s5  }
0x8: {  	s29 =	sshll.u32 s9, $0xB;
	s13 =	sshll.u32 s9, $0xF;
	s9 =	sor.u32 $0x8, s9  }
0x9: {  	s28 =	sshrl.u32 s26, $0x1;
	s5 =	sand.u32 $0x3, s8;
	s3 =	sadd.s32 s6, s29  }
0xa: {  	s4 =	sadd.s32 s29, s12;
	s13 =	sadd.s32 s7, s13;
	s8 =	sshll.u32 s8, $0x7  }
0xb: {  	s31 =	sshll.u32 s9, $0xB;
	s9 =	sshll.u32 s9, $0xF;
	s10 =	ssub.s32 s26, s28  }
0xc: {  	s11 =	sshll.u32 s5, $0x7;
	s5 =	sshll.u32 s5, $0xD;
	s30 =	sand.u32 $0x180, s8  }
0xd: {  	s6 =	sadd.s32 s6, s31;
	s9 =	sadd.s32 s7, s9;
	s7 =	sadd.s32 s31, s12  }
0xe: {  	s12 =	simm.s32 $0x10000;
	s5 =	sadd.s32 s5, s13;
	s14 =	sshll.u32 s30, $0x6  }
0xf: {  	v0 =	vmov s11;
	s11 =	simm.s32 $0x100;
	s13 =	simm.s32 $0x1;
	s8 =	sadd.s32 s14, s9  }
0x10: {  	v2 =	vimm.f32 $0.0e+00;
	v3 =	vimm.f32 $1.000000000e+00;
	v1 =	vmov s30;
	s9 =	smax.u32 s10, $0x1;
	s10 =	simm.s32 $0x80;
	s14 =	simm.s32 $0x12000  }
.LBB2_1:
0x11: {  	[tilespmem:s12], [sflag:$0x1] =	stream.strided.gather [hbm4b:s3+s10], $0x2000, s11, s10, $0x38;
	[tilespmem:$0x14000] =	vst v63  }
0x12: {  	_ =	swait.ge [sflag:s13], $0x2000  }
0x13: {  	[sflag:s13] =	ssyncset.done $0x0  }
0x14: {  	[sflag:s13] =	ssyncadd.s32 $0xFFFFE000  }
0x15: {  	[tilespmem:s14], [sflag:$0x1] =	stream.strided.gather [hbm4b:s4+s10], $0x2000, s11, s10, $0x38;
	[tilespmem:$0x14000] =	vst v63  }
0x16: {  	_ =	swait.ge [sflag:s13], $0x2000  }
0x17: {  	s16 =	sand.u32 $0xF000, s2;
	s17 =	sand.u32 $0x380, s2;
	[sflag:s13] =	ssyncset.done $0x0  }
0x18: {  	s16 =	sor.u32 s17, s16;
	[sflag:s13] =	ssyncadd.s32 $0xFFFFE000  }
0x19: {  	[tilespmem:s16+$0xC70] =	vst v2  }
0x1a: {  	[tilespmem:s16+$0x0] =	vst v2  }
0x1b: {  	[tilespmem:s16+$0x10] =	vst v2  }
0x1c: {  	[tilespmem:s16+$0x20] =	vst v2  }
0x1d: {  	[tilespmem:s16+$0x30] =	vst v2  }
0x1e: {  	[tilespmem:s16+$0x40] =	vst v2  }
0x1f: {  	[tilespmem:s16+$0x50] =	vst v2  }
0x20: {  	[tilespmem:s16+$0x60] =	vst v2  }
0x21: {  	[tilespmem:s16+$0x70] =	vst v2  }
0x22: {  	[tilespmem:s16+$0x400] =	vst v2  }
0x23: {  	[tilespmem:s16+$0x410] =	vst v2  }
0x24: {  	[tilespmem:s16+$0x420] =	vst v2  }
0x25: {  	[tilespmem:s16+$0x430] =	vst v2  }
0x26: {  	[tilespmem:s16+$0x440] =	vst v2  }
0x27: {  	[tilespmem:s16+$0x450] =	vst v2  }
0x28: {  	[tilespmem:s16+$0x460] =	vst v2  }
0x29: {  	[tilespmem:s16+$0x470] =	vst v2  }
0x2a: {  	[tilespmem:s16+$0x800] =	vst v2  }
0x2b: {  	[tilespmem:s16+$0x810] =	vst v2  }
0x2c: {  	[tilespmem:s16+$0x820] =	vst v2  }
0x2d: {  	[tilespmem:s16+$0x830] =	vst v2  }
0x2e: {  	[tilespmem:s16+$0x840] =	vst v2  }
0x2f: {  	[tilespmem:s16+$0x850] =	vst v2  }
0x30: {  	[tilespmem:s16+$0x860] =	vst v2  }
0x31: {  	[tilespmem:s16+$0x870] =	vst v2  }
0x32: {  	[tilespmem:s16+$0xC00] =	vst v2  }
0x33: {  	[tilespmem:s16+$0xC10] =	vst v2  }
0x34: {  	[tilespmem:s16+$0xC20] =	vst v2  }
0x35: {  	[tilespmem:s16+$0xC30] =	vst v2  }
0x36: {  	s18 =	simm.s32 $0x200;
	s17 =	simm.s32 $0x80;
	[tilespmem:s16+$0xC40] =	vst v2  }
0x37: {  	s19 =	sand.u32 $0xF000, s18;
	s18 =	simm.s32 $0x400;
	s20 =	sand.u32 $0x380, s17;
	[tilespmem:s16+$0xC50] =	vst v2  }
.LBB2_2:
0x38: {  	p0 =	sne.s32 s18, $0xFE00;
	[tilespmem:s16+$0xC60] =	vst v2;
	s16 =	sor.u32 s20, s19  }
0x39: {  	[tilespmem:s16+$0xC70] =	vst v2  }
0x3a: {  	[tilespmem:s16+$0x0] =	vst v2  }
0x3b: {  	[tilespmem:s16+$0x10] =	vst v2  }
0x3c: {  	[tilespmem:s16+$0x20] =	vst v2  }
0x3d: {  	[tilespmem:s16+$0x30] =	vst v2  }
0x3e: {  	[tilespmem:s16+$0x40] =	vst v2  }
0x3f: {  	[tilespmem:s16+$0x50] =	vst v2  }
0x40: {  	[tilespmem:s16+$0x60] =	vst v2  }
0x41: {  	[tilespmem:s16+$0x70] =	vst v2  }
0x42: {  	[tilespmem:s16+$0x400] =	vst v2  }
0x43: {  	[tilespmem:s16+$0x410] =	vst v2  }
0x44: {  	[tilespmem:s16+$0x420] =	vst v2  }
0x45: {  	[tilespmem:s16+$0x430] =	vst v2  }
0x46: {  	[tilespmem:s16+$0x440] =	vst v2  }
0x47: {  	[tilespmem:s16+$0x450] =	vst v2  }
0x48: {  	[tilespmem:s16+$0x460] =	vst v2  }
0x49: {  	[tilespmem:s16+$0x470] =	vst v2  }
0x4a: {  	[tilespmem:s16+$0x800] =	vst v2  }
0x4b: {  	[tilespmem:s16+$0x810] =	vst v2  }
0x4c: {  	[tilespmem:s16+$0x820] =	vst v2  }
0x4d: {  	[tilespmem:s16+$0x830] =	vst v2  }
0x4e: {  	[tilespmem:s16+$0x840] =	vst v2  }
0x4f: {  	[tilespmem:s16+$0x850] =	vst v2  }
0x50: {  	[tilespmem:s16+$0x860] =	vst v2  }
0x51: {  	[tilespmem:s16+$0x870] =	vst v2  }
0x52: {  	[tilespmem:s16+$0xC00] =	vst v2  }
.Ltmp0:
0x53: {  	[tilespmem:s16+$0xC10] =	vst v2;
	(pc) =	sbr.rel @p0 .LBB2_2-.Ltmp0, $4  }
0x54: {  	[tilespmem:s16+$0xC20] =	vst v2  }
0x55: {  	[tilespmem:s16+$0xC30] =	vst v2  }
0x56: {  	s17 =	sadd.s32 $0x80, s17;
	[tilespmem:s16+$0xC40] =	vst v2  }
0x57: {  	s19 =	sand.u32 $0xF000, s18;
	s18 =	sadd.s32 $0x200, s18;
	s20 =	sand.u32 $0x380, s17;
	[tilespmem:s16+$0xC50] =	vst v2  }
0x58: {  	s17 =	sor.u32 s20, s19;
	[tilespmem:s16+$0xC60] =	vst v2  }
0x59: {  	[tilespmem:s17+$0xC70] =	vst v2  }
0x5a: {  	[tilespmem:s17+$0x0] =	vst v2  }
0x5b: {  	[tilespmem:s17+$0x10] =	vst v2  }
0x5c: {  	[tilespmem:s17+$0x20] =	vst v2  }
0x5d: {  	[tilespmem:s17+$0x30] =	vst v2  }
0x5e: {  	[tilespmem:s17+$0x40] =	vst v2  }
0x5f: {  	[tilespmem:s17+$0x50] =	vst v2  }
0x60: {  	[tilespmem:s17+$0x60] =	vst v2  }
0x61: {  	[tilespmem:s17+$0x70] =	vst v2  }
0x62: {  	[tilespmem:s17+$0x400] =	vst v2  }
0x63: {  	[tilespmem:s17+$0x410] =	vst v2  }
0x64: {  	[tilespmem:s17+$0x420] =	vst v2  }
0x65: {  	[tilespmem:s17+$0x430] =	vst v2  }
0x66: {  	[tilespmem:s17+$0x440] =	vst v2  }
0x67: {  	[tilespmem:s17+$0x450] =	vst v2  }
0x68: {  	[tilespmem:s17+$0x460] =	vst v2  }
0x69: {  	[tilespmem:s17+$0x470] =	vst v2  }
0x6a: {  	[tilespmem:s17+$0x800] =	vst v2  }
0x6b: {  	[tilespmem:s17+$0x810] =	vst v2  }
0x6c: {  	[tilespmem:s17+$0x820] =	vst v2  }
0x6d: {  	[tilespmem:s17+$0x830] =	vst v2  }
0x6e: {  	[tilespmem:s17+$0x840] =	vst v2  }
0x6f: {  	[tilespmem:s17+$0x850] =	vst v2  }
0x70: {  	[tilespmem:s17+$0x860] =	vst v2  }
0x71: {  	[tilespmem:s17+$0x870] =	vst v2  }
0x72: {  	[tilespmem:s17+$0xC00] =	vst v2  }
0x73: {  	[tilespmem:s17+$0xC10] =	vst v2  }
0x74: {  	[tilespmem:s17+$0xC20] =	vst v2  }
0x75: {  	[tilespmem:s17+$0xC30] =	vst v2  }
0x76: {  	[tilespmem:s17+$0xC40] =	vst v2  }
0x77: {  	[tilespmem:s17+$0xC50] =	vst v2  }
0x78: {  	s16 =	simm.s32 $0xFFFFFFFC;
	s18 =	simm.s32 $0x10020;
	[tilespmem:s17+$0xC60] =	vst v2;
	s17 =	simm.s32 $0x12020  }
.LBB2_4:
0x79: {  	v4 =	vld [tilespmem:s17+$0xFFFFFFE0];
	_ =	sdelay $0x2  }
0x7a: {  	v5 =	vld [tilespmem:s18+$0xFFFFFFE0];
	_ =	sdelay $0x1  }
0x7b: {  	v4 =	vsub.s32 v4, v0  }
0x7c: {  	vm0 =	vlt.u32 v4, $0x80  }
0x7d: {  	v4 =	vnsel vm0, $0x0, v4  }
0x7e: {  	v7 =	vshll.u32 v5, $0x3;
	v6 =	vshll.u32 v4, $0x9  }
0x7f: {  	v7 =	vand.u32 $0xFFFFFC00, v7;
	v4 =	vshll.u32 v4, $0x7;
	v6 =	vand.u32 $0xFFFFF000, v6  }
0x80: {  	v4 =	vand.u32 $0x380, v4;
	v6 =	vadd.s32 v7, v6  }
0x81: {  	v5 =	vand.u32 $0x7F, v5;
	v4 =	vor.u32 v4, v6  }
0x82: {  	v4 =	vor.u32 v5, v4;
	_ =	sdelay $0x4  }
0x83: {  	[tilespmem:v4+s2+$0x0] =	vst.idx.add.f32.msk vm0, v3  }
0x84: {  	v4 =	vld [tilespmem:s17+$0xFFFFFFF0];
	_ =	sdelay $0x2  }
0x85: {  	v5 =	vld [tilespmem:s18+$0xFFFFFFF0];
	_ =	sdelay $0x1  }
0x86: {  	v4 =	vsub.s32 v4, v0  }
0x87: {  	vm13 =	vlt.u32 v4, $0x80  }
0x88: {  	v4 =	vnsel vm13, $0x0, v4  }
0x89: {  	v59 =	vshll.u32 v5, $0x3;
	v58 =	vshll.u32 v4, $0x9  }
0x8a: {  	v7 =	vand.u32 $0xFFFFFC00, v59;
	v4 =	vshll.u32 v4, $0x7;
	v6 =	vand.u32 $0xFFFFF000, v58  }
0x8b: {  	v4 =	vand.u32 $0x380, v4;
	v6 =	vadd.s32 v7, v6  }
0x8c: {  	v5 =	vand.u32 $0x7F, v5;
	v4 =	vor.u32 v4, v6  }
0x8d: {  	v4 =	vor.u32 v5, v4;
	_ =	sdelay $0x4  }
0x8e: {  	[tilespmem:v4+s2+$0x0] =	vst.idx.add.f32.msk vm13, v3  }
0x8f: {  	v4 =	vld [tilespmem:s17+$0x0];
	_ =	sdelay $0x2  }
0x90: {  	v5 =	vld [tilespmem:s18+$0x0];
	_ =	sdelay $0x1  }
0x91: {  	v4 =	vsub.s32 v4, v0  }
0x92: {  	vm14 =	vlt.u32 v4, $0x80  }
0x93: {  	v4 =	vnsel vm14, $0x0, v4  }
0x94: {  	v61 =	vshll.u32 v5, $0x3;
	v60 =	vshll.u32 v4, $0x9  }
0x95: {  	v7 =	vand.u32 $0xFFFFFC00, v61;
	v4 =	vshll.u32 v4, $0x7;
	v6 =	vand.u32 $0xFFFFF000, v60  }
0x96: {  	v4 =	vand.u32 $0x380, v4;
	v6 =	vadd.s32 v7, v6  }
0x97: {  	v5 =	vand.u32 $0x7F, v5;
	v4 =	vor.u32 v4, v6  }
0x98: {  	v4 =	vor.u32 v5, v4;
	_ =	sdelay $0x4  }
0x99: {  	[tilespmem:v4+s2+$0x0] =	vst.idx.add.f32.msk vm14, v3  }
0x9a: {  	v4 =	vld [tilespmem:s17+$0x10];
	_ =	sdelay $0x2  }
0x9b: {  	v5 =	vld [tilespmem:s18+$0x10];
	_ =	sdelay $0x1  }
0x9c: {  	v4 =	vsub.s32 v4, v0  }
0x9d: {  	vm15 =	vlt.u32 v4, $0x80  }
0x9e: {  	v4 =	vnsel vm15, $0x0, v4  }
0x9f: {  	v63 =	vshll.u32 v5, $0x3;
	v62 =	vshll.u32 v4, $0x9  }
0xa0: {  	v7 =	vand.u32 $0xFFFFFC00, v63;
	v4 =	vshll.u32 v4, $0x7;
	v6 =	vand.u32 $0xFFFFF000, v62  }
0xa1: {  	v4 =	vand.u32 $0x380, v4;
	v6 =	vadd.s32 v7, v6  }
0xa2: {  	s16 =	sadd.s32 $0x4, s16;
	v5 =	vand.u32 $0x7F, v5;
	v4 =	vor.u32 v4, v6  }
0xa3: {  	p0 =	slt.u32 s16, $0x1FC;
	v4 =	vor.u32 v5, v4  }
.Ltmp1:
0xa4: {  	_ = 	snop;
	(pc) =	sbr.rel @p0 .LBB2_4-.Ltmp1, $2  }
0xa5: {  	_ =	sdelay $0x2  }
0xa6: {  	s17 =	sadd.s32 $0x40, s17;
	s18 =	sadd.s32 $0x40, s18;
	[tilespmem:v4+s2+$0x0] =	vst.idx.add.f32.msk vm15, v3  }
0xa7: {  	s16 =	simm.s32 $0x0  }
0xa8: {  	[hbm4b:s5+s16] =	stream.linear.scatter [tilespmem:s16], [sflag:$0x1], $0x10000, $0x38;
	[tilespmem:$0x14000] =	vst v63  }
0xa9: {  	_ =	swait.ge [sflag:s13], $0x10000  }
0xaa: {  	[sflag:s13] =	ssyncset.done $0x0  }
0xab: {  	[sflag:s13] =	ssyncadd.s32 $0xFFFF0000  }
0xac: {  	[tilespmem:s12], [sflag:$0x1] =	stream.strided.gather [hbm4b:s6+s10], $0x2000, s11, s10, $0x38;
	[tilespmem:$0x14000] =	vst v63  }
0xad: {  	_ =	swait.ge [sflag:s13], $0x2000  }
0xae: {  	[sflag:s13] =	ssyncset.done $0x0  }
0xaf: {  	[sflag:s13] =	ssyncadd.s32 $0xFFFFE000  }
0xb0: {  	[tilespmem:s14], [sflag:$0x1] =	stream.strided.gather [hbm4b:s7+s10], $0x2000, s11, s10, $0x38;
	[tilespmem:$0x14000] =	vst v63  }
0xb1: {  	_ =	swait.ge [sflag:s13], $0x2000  }
0xb2: {  	s17 =	sand.u32 $0xF000, s16;
	s16 =	sand.u32 $0x380, s16;
	[sflag:s13] =	ssyncset.done $0x0  }
0xb3: {  	s16 =	sor.u32 s16, s17;
	[sflag:s13] =	ssyncadd.s32 $0xFFFFE000  }
0xb4: {  	[tilespmem:s16+$0xC70] =	vst v2  }
0xb5: {  	[tilespmem:s16+$0x0] =	vst v2  }
0xb6: {  	[tilespmem:s16+$0x10] =	vst v2  }
0xb7: {  	[tilespmem:s16+$0x20] =	vst v2  }
0xb8: {  	[tilespmem:s16+$0x30] =	vst v2  }
0xb9: {  	[tilespmem:s16+$0x40] =	vst v2  }
0xba: {  	[tilespmem:s16+$0x50] =	vst v2  }
0xbb: {  	[tilespmem:s16+$0x60] =	vst v2  }
0xbc: {  	[tilespmem:s16+$0x70] =	vst v2  }
0xbd: {  	[tilespmem:s16+$0x400] =	vst v2  }
0xbe: {  	[tilespmem:s16+$0x410] =	vst v2  }
0xbf: {  	[tilespmem:s16+$0x420] =	vst v2  }
0xc0: {  	[tilespmem:s16+$0x430] =	vst v2  }
0xc1: {  	[tilespmem:s16+$0x440] =	vst v2  }
0xc2: {  	[tilespmem:s16+$0x450] =	vst v2  }
0xc3: {  	[tilespmem:s16+$0x460] =	vst v2  }
0xc4: {  	[tilespmem:s16+$0x470] =	vst v2  }
0xc5: {  	[tilespmem:s16+$0x800] =	vst v2  }
0xc6: {  	[tilespmem:s16+$0x810] =	vst v2  }
0xc7: {  	[tilespmem:s16+$0x820] =	vst v2  }
0xc8: {  	[tilespmem:s16+$0x830] =	vst v2  }
0xc9: {  	[tilespmem:s16+$0x840] =	vst v2  }
0xca: {  	[tilespmem:s16+$0x850] =	vst v2  }
0xcb: {  	[tilespmem:s16+$0x860] =	vst v2  }
0xcc: {  	[tilespmem:s16+$0x870] =	vst v2  }
0xcd: {  	[tilespmem:s16+$0xC00] =	vst v2  }
0xce: {  	[tilespmem:s16+$0xC10] =	vst v2  }
0xcf: {  	[tilespmem:s16+$0xC20] =	vst v2  }
0xd0: {  	[tilespmem:s16+$0xC30] =	vst v2  }
0xd1: {  	s18 =	simm.s32 $0x200;
	s17 =	simm.s32 $0x80;
	[tilespmem:s16+$0xC40] =	vst v2  }
0xd2: {  	s19 =	sand.u32 $0xF000, s18;
	s18 =	simm.s32 $0x400;
	s20 =	sand.u32 $0x380, s17;
	[tilespmem:s16+$0xC50] =	vst v2  }
.LBB2_6:
0xd3: {  	p0 =	sne.s32 s18, $0xFE00;
	[tilespmem:s16+$0xC60] =	vst v2;
	s16 =	sor.u32 s20, s19  }
0xd4: {  	[tilespmem:s16+$0xC70] =	vst v2  }
0xd5: {  	[tilespmem:s16+$0x0] =	vst v2  }
0xd6: {  	[tilespmem:s16+$0x10] =	vst v2  }
0xd7: {  	[tilespmem:s16+$0x20] =	vst v2  }
0xd8: {  	[tilespmem:s16+$0x30] =	vst v2  }
0xd9: {  	[tilespmem:s16+$0x40] =	vst v2  }
0xda: {  	[tilespmem:s16+$0x50] =	vst v2  }
0xdb: {  	[tilespmem:s16+$0x60] =	vst v2  }
0xdc: {  	[tilespmem:s16+$0x70] =	vst v2  }
0xdd: {  	[tilespmem:s16+$0x400] =	vst v2  }
0xde: {  	[tilespmem:s16+$0x410] =	vst v2  }
0xdf: {  	[tilespmem:s16+$0x420] =	vst v2  }
0xe0: {  	[tilespmem:s16+$0x430] =	vst v2  }
0xe1: {  	[tilespmem:s16+$0x440] =	vst v2  }
0xe2: {  	[tilespmem:s16+$0x450] =	vst v2  }
0xe3: {  	[tilespmem:s16+$0x460] =	vst v2  }
0xe4: {  	[tilespmem:s16+$0x470] =	vst v2  }
0xe5: {  	[tilespmem:s16+$0x800] =	vst v2  }
0xe6: {  	[tilespmem:s16+$0x810] =	vst v2  }
0xe7: {  	[tilespmem:s16+$0x820] =	vst v2  }
0xe8: {  	[tilespmem:s16+$0x830] =	vst v2  }
0xe9: {  	[tilespmem:s16+$0x840] =	vst v2  }
0xea: {  	[tilespmem:s16+$0x850] =	vst v2  }
0xeb: {  	[tilespmem:s16+$0x860] =	vst v2  }
0xec: {  	[tilespmem:s16+$0x870] =	vst v2  }
0xed: {  	[tilespmem:s16+$0xC00] =	vst v2  }
.Ltmp2:
0xee: {  	[tilespmem:s16+$0xC10] =	vst v2;
	(pc) =	sbr.rel @p0 .LBB2_6-.Ltmp2, $4  }
0xef: {  	[tilespmem:s16+$0xC20] =	vst v2  }
0xf0: {  	[tilespmem:s16+$0xC30] =	vst v2  }
0xf1: {  	s17 =	sadd.s32 $0x80, s17;
	[tilespmem:s16+$0xC40] =	vst v2  }
0xf2: {  	s19 =	sand.u32 $0xF000, s18;
	s18 =	sadd.s32 $0x200, s18;
	s20 =	sand.u32 $0x380, s17;
	[tilespmem:s16+$0xC50] =	vst v2  }
0xf3: {  	s17 =	sor.u32 s20, s19;
	[tilespmem:s16+$0xC60] =	vst v2  }
0xf4: {  	[tilespmem:s17+$0xC70] =	vst v2  }
0xf5: {  	[tilespmem:s17+$0x0] =	vst v2  }
0xf6: {  	[tilespmem:s17+$0x10] =	vst v2  }
0xf7: {  	[tilespmem:s17+$0x20] =	vst v2  }
0xf8: {  	[tilespmem:s17+$0x30] =	vst v2  }
0xf9: {  	[tilespmem:s17+$0x40] =	vst v2  }
0xfa: {  	[tilespmem:s17+$0x50] =	vst v2  }
0xfb: {  	[tilespmem:s17+$0x60] =	vst v2  }
0xfc: {  	[tilespmem:s17+$0x70] =	vst v2  }
0xfd: {  	[tilespmem:s17+$0x400] =	vst v2  }
0xfe: {  	[tilespmem:s17+$0x410] =	vst v2  }
0xff: {  	[tilespmem:s17+$0x420] =	vst v2  }
0x100: {  	[tilespmem:s17+$0x430] =	vst v2  }
0x101: {  	[tilespmem:s17+$0x440] =	vst v2  }
0x102: {  	[tilespmem:s17+$0x450] =	vst v2  }
0x103: {  	[tilespmem:s17+$0x460] =	vst v2  }
0x104: {  	[tilespmem:s17+$0x470] =	vst v2  }
0x105: {  	[tilespmem:s17+$0x800] =	vst v2  }
0x106: {  	[tilespmem:s17+$0x810] =	vst v2  }
0x107: {  	[tilespmem:s17+$0x820] =	vst v2  }
0x108: {  	[tilespmem:s17+$0x830] =	vst v2  }
0x109: {  	[tilespmem:s17+$0x840] =	vst v2  }
0x10a: {  	[tilespmem:s17+$0x850] =	vst v2  }
0x10b: {  	[tilespmem:s17+$0x860] =	vst v2  }
0x10c: {  	[tilespmem:s17+$0x870] =	vst v2  }
0x10d: {  	[tilespmem:s17+$0xC00] =	vst v2  }
0x10e: {  	[tilespmem:s17+$0xC10] =	vst v2  }
0x10f: {  	[tilespmem:s17+$0xC20] =	vst v2  }
0x110: {  	[tilespmem:s17+$0xC30] =	vst v2  }
0x111: {  	[tilespmem:s17+$0xC40] =	vst v2  }
0x112: {  	[tilespmem:s17+$0xC50] =	vst v2  }
0x113: {  	s16 =	simm.s32 $0xFFFFFFFC;
	s18 =	simm.s32 $0x10020;
	[tilespmem:s17+$0xC60] =	vst v2;
	s17 =	simm.s32 $0x12020  }
.LBB2_8:
0x114: {  	v4 =	vld [tilespmem:s17+$0xFFFFFFE0];
	_ =	sdelay $0x2  }
0x115: {  	v5 =	vld [tilespmem:s18+$0xFFFFFFE0];
	_ =	sdelay $0x1  }
0x116: {  	v4 =	vsub.s32 v4, v1  }
0x117: {  	vm0 =	vlt.u32 v4, $0x80  }
0x118: {  	v4 =	vnsel vm0, $0x0, v4  }
0x119: {  	v7 =	vshll.u32 v5, $0x3;
	v6 =	vshll.u32 v4, $0x9  }
0x11a: {  	v7 =	vand.u32 $0xFFFFFC00, v7;
	v4 =	vshll.u32 v4, $0x7;
	v6 =	vand.u32 $0xFFFFF000, v6  }
0x11b: {  	v4 =	vand.u32 $0x380, v4;
	v6 =	vadd.s32 v7, v6  }
0x11c: {  	v5 =	vand.u32 $0x7F, v5;
	v4 =	vor.u32 v4, v6  }
0x11d: {  	v4 =	vor.u32 v5, v4;
	_ =	sdelay $0x4  }
0x11e: {  	[tilespmem:v4+s2+$0x0] =	vst.idx.add.f32.msk vm0, v3  }
0x11f: {  	v4 =	vld [tilespmem:s17+$0xFFFFFFF0];
	_ =	sdelay $0x2  }
0x120: {  	v5 =	vld [tilespmem:s18+$0xFFFFFFF0];
	_ =	sdelay $0x1  }
0x121: {  	v4 =	vsub.s32 v4, v1  }
0x122: {  	vm13 =	vlt.u32 v4, $0x80  }
0x123: {  	v4 =	vnsel vm13, $0x0, v4  }
0x124: {  	v59 =	vshll.u32 v5, $0x3;
	v58 =	vshll.u32 v4, $0x9  }
0x125: {  	v7 =	vand.u32 $0xFFFFFC00, v59;
	v4 =	vshll.u32 v4, $0x7;
	v6 =	vand.u32 $0xFFFFF000, v58  }
0x126: {  	v4 =	vand.u32 $0x380, v4;
	v6 =	vadd.s32 v7, v6  }
0x127: {  	v5 =	vand.u32 $0x7F, v5;
	v4 =	vor.u32 v4, v6  }
0x128: {  	v4 =	vor.u32 v5, v4;
	_ =	sdelay $0x4  }
0x129: {  	[tilespmem:v4+s2+$0x0] =	vst.idx.add.f32.msk vm13, v3  }
0x12a: {  	v4 =	vld [tilespmem:s17+$0x0];
	_ =	sdelay $0x2  }
0x12b: {  	v5 =	vld [tilespmem:s18+$0x0];
	_ =	sdelay $0x1  }
0x12c: {  	v4 =	vsub.s32 v4, v1  }
0x12d: {  	vm14 =	vlt.u32 v4, $0x80  }
0x12e: {  	v4 =	vnsel vm14, $0x0, v4  }
0x12f: {  	v61 =	vshll.u32 v5, $0x3;
	v60 =	vshll.u32 v4, $0x9  }
0x130: {  	v7 =	vand.u32 $0xFFFFFC00, v61;
	v4 =	vshll.u32 v4, $0x7;
	v6 =	vand.u32 $0xFFFFF000, v60  }
0x131: {  	v4 =	vand.u32 $0x380, v4;
	v6 =	vadd.s32 v7, v6  }
0x132: {  	v5 =	vand.u32 $0x7F, v5;
	v4 =	vor.u32 v4, v6  }
0x133: {  	v4 =	vor.u32 v5, v4;
	_ =	sdelay $0x4  }
0x134: {  	[tilespmem:v4+s2+$0x0] =	vst.idx.add.f32.msk vm14, v3  }
0x135: {  	v4 =	vld [tilespmem:s17+$0x10];
	_ =	sdelay $0x2  }
0x136: {  	v5 =	vld [tilespmem:s18+$0x10];
	_ =	sdelay $0x1  }
0x137: {  	v4 =	vsub.s32 v4, v1  }
0x138: {  	vm15 =	vlt.u32 v4, $0x80  }
0x139: {  	v4 =	vnsel vm15, $0x0, v4  }
0x13a: {  	v63 =	vshll.u32 v5, $0x3;
	v62 =	vshll.u32 v4, $0x9  }
0x13b: {  	v7 =	vand.u32 $0xFFFFFC00, v63;
	v4 =	vshll.u32 v4, $0x7;
	v6 =	vand.u32 $0xFFFFF000, v62  }
0x13c: {  	v4 =	vand.u32 $0x380, v4;
	v6 =	vadd.s32 v7, v6  }
0x13d: {  	s16 =	sadd.s32 $0x4, s16;
	v5 =	vand.u32 $0x7F, v5;
	v4 =	vor.u32 v4, v6  }
0x13e: {  	p0 =	slt.u32 s16, $0x1FC;
	v4 =	vor.u32 v5, v4  }
.Ltmp3:
0x13f: {  	_ = 	snop;
	(pc) =	sbr.rel @p0 .LBB2_8-.Ltmp3, $2  }
0x140: {  	_ =	sdelay $0x2  }
0x141: {  	s17 =	sadd.s32 $0x40, s17;
	s18 =	sadd.s32 $0x40, s18;
	[tilespmem:v4+s2+$0x0] =	vst.idx.add.f32.msk vm15, v3  }
0x142: {  	s15 =	sadd.s32 $0x1, s15  }
0x143: {  	p0 =	sne.s32 s15, s9  }
.Ltmp4:
0x144: {  	_ = 	snop;
	(pc) =	sbr.rel @p0 .LBB2_1-.Ltmp4, $4  }
0x145: {  	[hbm4b:s8+s2] =	stream.linear.scatter [tilespmem:s2], [sflag:$0x1], $0x10000, $0x38;
	[tilespmem:$0x14000] =	vst v63  }
0x146: {  	_ =	swait.ge [sflag:s13], $0x10000  }
0x147: {  	[sflag:s13] =	ssyncset.done $0x0  }
0x148: {  	[sflag:s13] =	ssyncadd.s32 $0xFFFF0000  }
0x149: {  	_ =	sfence.sel $0x180000  }
0x14a: {  	[bflag:$0x0] =	sbarrier.arrive $0xFFFF  }
0x14b: {  	p0 =	sne.s32 s1, $0x0;
	_ =	strace $0x90000047  }
0x14c: {  	s0 =	sadd.s32 @!p0 $0x100000, s0;
	[bflag:$0x2] =	sbarrier.arrive $0xFFFF  }
0x14d: {  	[sflag:s0] =	ssyncadd.tile.s32 @!p0 $0x1;
	_ =	shalt  }
.Lfunc_end2:
_tile_overlayer_lowered:
.L_overlay_start_2:
0x14e: {  	(tag) =	ssettag $0x2  }
0x14f: {  	s0 =	rddreg [dreg:$0x0];
	s2 =	stileid.u32  }
0x150: {  	s1 =	rddreg [dreg:$0x1];
	p0 =	sne.s32 s2, $0x0  }
0x151: {  	s3 =	rddreg [dreg:$0x2];
	[bflag:$0x3] =	sbarrier.arrive $0xFFFF;
	s2 =	simm.s32 @!p0 $0x1C01  }
0x152: {  	[timem:s3], [sflag:s2] =	dma.local @!p0 [hbm:s0], s1  }
0x153: {  	s0 =	simm.s32 @!p0 $0x1  }
0x154: {  	_ =	swait.ge @!p0 [sflag:s0], s1  }
0x155: {  	s1 =	ssub.s32 @!p0 $0x0, s1;
	[sflag:s0] =	ssyncset.done @!p0 $0x0  }
0x156: {  	[sflag:s0] =	ssyncadd.s32 @!p0 s1  }
0x157: {  	[bflag:$0x3] =	sbarrier.arrive $0xFFFF  }
0x158: {  	_ =	shalt  }

</sc_bundles>
